<compile_context>
chip_gen: v7x
topology: tpu7x:2x2x1
jax: 0.10.2.dev20260603
libtpu: 0.0.44.dev20260713+nightly
codegen_flags: <defaults>
</compile_context>

<pallas_src>
import functools

import jax
import jax.numpy as jnp
from jax import lax
from jax.experimental import pallas as pl
from jax.experimental.pallas import tpu as pltpu
from jax.experimental.pallas import tpu_sc as plsc

_WIDTH = 1024
_TOTAL_WIDTH = 100000
_N = 2097152

_NC = 2
_NS = 16
_NW = _NC * _NS
_PER_W = _N // _NW
_CHUNK = 16384
_TBL = 1040
_LN2 = 0.6931471805599453
_LOG_OUT_DENOM = 11.502619817772691


def _vlog(x):
    bits = plsc.bitcast(x, jnp.int32)
    e = (bits >> 23) - 127
    m = plsc.bitcast((bits & 0x007FFFFF) | 0x3F800000, jnp.float32)
    u = (m - 1.0) / (m + 1.0)
    p = u * u
    poly = 1.0 + p * (1.0 / 3.0 + p * (0.2 + p * (1.0 / 7.0 + p * (1.0 / 9.0))))
    return e.astype(jnp.float32) * _LN2 + 2.0 * u * poly


def _sc_body(c0_ref, c1_ref, h0_ref, h1_ref, h2_ref, h3_ref, lpi_ref, z_ref,
             out_ref, a0, a1, b0, b1, o0, o1, t0, t1, t2, t3, tz, tlpi,
             lz1, lz2, lz3, tbl,
             sa0, sa1, sb0, sb1, so0, so1):
    wid = lax.axis_index("s") * _NC + lax.axis_index("c")
    abufs = (a0, a1)
    bbufs = (b0, b1)
    obufs = (o0, o1)
    sas = (sa0, sa1)
    sbs = (sb0, sb1)
    sos = (so0, so1)
    nchunks = _PER_W // _CHUNK
    in_handles = [None, None]
    out_handles = [None, None]

    def start_in(chunk):
        sl = chunk % 2
        base = wid * _PER_W + chunk * _CHUNK
        ha = pltpu.async_copy(c0_ref.at[pl.ds(base, _CHUNK)], abufs[sl], sas[sl])
        hb = pltpu.async_copy(c1_ref.at[pl.ds(base, _CHUNK)], bbufs[sl], sbs[sl])
        in_handles[sl] = (ha, hb)

    start_in(0)
    pltpu.sync_copy(h0_ref, t0)
    pltpu.sync_copy(h1_ref, t1)
    pltpu.sync_copy(h2_ref, t2)
    pltpu.sync_copy(h3_ref, t3)
    pltpu.sync_copy(z_ref, tz)
    pltpu.sync_copy(lpi_ref, tlpi)
    lanes = lax.iota(jnp.int32, 16)
    zv = tz[...]

    def row_logz(tab, rows, ncols):
        cols = [plsc.load_gather(tab, [rows, zv + j]) for j in range(ncols)]
        m = cols[0]
        for v in cols[1:]:
            m = jnp.maximum(m, v)
        se = jnp.exp(cols[0] - m)
        for v in cols[1:]:
            se = se + jnp.exp(v - m)
        return m + _vlog(se)

    lz0v = row_logz(t0, zv, 8)
    lz1[pl.ds(0, 16)] = row_logz(t1, lanes & 7, 8)

    @plsc.parallel_loop(0, 4)
    def build_lz2(k):
        rows = lanes + k * 16
        lz2[pl.ds(k * 16, 16)] = row_logz(t2, rows, 8)

    @plsc.parallel_loop(0, 32, unroll=4)
    def build_lz3(k):
        rows = lanes + k * 16
        lz3[pl.ds(k * 16, 16)] = row_logz(t3, rows, 2)

    x = plsc.load_gather(tlpi, [zv])
    pin = 1.0 / (1.0 + jnp.exp(-x))
    lpi = _vlog(pin)
    lpo = _vlog(1.0 - pin) - _LOG_OUT_DENOM

    @plsc.parallel_loop(0, _TBL // 16, unroll=5)
    def build(k):
        s = lanes + k * 16
        s_c = jnp.minimum(s, _WIDTH - 1)
        v = (lpi
             + plsc.load_gather(t0, [zv, s_c >> 7]) - lz0v
             + plsc.load_gather(t1, [s_c >> 7, (s_c >> 4) & 7])
             - plsc.load_gather(lz1, [s_c >> 7])
             + plsc.load_gather(t2, [s_c >> 4, (s_c >> 1) & 7])
             - plsc.load_gather(lz2, [s_c >> 4])
             + plsc.load_gather(t3, [s_c >> 1, s_c & 1])
             - plsc.load_gather(lz3, [s_c >> 1]))
        tbl[pl.ds(k * 16, 16)] = jnp.where(s < _WIDTH, v, lpo)

    for chunk in range(nchunks):
        sl = chunk % 2
        if chunk + 1 < nchunks:
            start_in(chunk + 1)
        ha, hb = in_handles[sl]
        ha.wait()
        hb.wait()
        if out_handles[sl] is not None:
            out_handles[sl].wait()
        avmem, bvmem, ovmem = abufs[sl], bbufs[sl], obufs[sl]

        @plsc.parallel_loop(0, _CHUNK // 16, unroll=8)
        def body(i):
            c0 = avmem[pl.ds(i * 16, 16)]
            c1 = bvmem[pl.ds(i * 16, 16)]
            idx = jnp.minimum(jnp.abs(c1 - c0), _WIDTH)
            ovmem[pl.ds(i * 16, 16)] = plsc.load_gather(tbl, [idx])

        base = wid * _PER_W + chunk * _CHUNK
        out_handles[sl] = pltpu.async_copy(
            ovmem, out_ref.at[pl.ds(base, _CHUNK)], sos[sl])

    for sl in (0, 1):
        if out_handles[sl] is not None:
            out_handles[sl].wait()


@functools.cache
def _sc_lookup():
    return pl.kernel(
        _sc_body,
        out_type=jax.ShapeDtypeStruct((_N,), jnp.float32),
        mesh=plsc.VectorSubcoreMesh(
            core_axis_name="c", subcore_axis_name="s",
            num_cores=_NC, num_subcores=_NS),
        scratch_types=[
            pltpu.VMEM((_CHUNK,), jnp.int32),
            pltpu.VMEM((_CHUNK,), jnp.int32),
            pltpu.VMEM((_CHUNK,), jnp.int32),
            pltpu.VMEM((_CHUNK,), jnp.int32),
            pltpu.VMEM((_CHUNK,), jnp.float32),
            pltpu.VMEM((_CHUNK,), jnp.float32),
            pltpu.VMEM((1, 8), jnp.float32),
            pltpu.VMEM((8, 8), jnp.float32),
            pltpu.VMEM((64, 8), jnp.float32),
            pltpu.VMEM((512, 2), jnp.float32),
            pltpu.VMEM((16,), jnp.int32),
            pltpu.VMEM((1,), jnp.float32),
            pltpu.VMEM((16,), jnp.float32),
            pltpu.VMEM((64,), jnp.float32),
            pltpu.VMEM((512,), jnp.float32),
            pltpu.VMEM((_TBL,), jnp.float32),
            pltpu.SemaphoreType.DMA,
            pltpu.SemaphoreType.DMA,
            pltpu.SemaphoreType.DMA,
            pltpu.SemaphoreType.DMA,
            pltpu.SemaphoreType.DMA,
            pltpu.SemaphoreType.DMA,
        ],
        compiler_params=pltpu.CompilerParams(
            needs_layout_passes=False, use_tc_tiling_on_sc=False),
    )


def kernel(coordinates, h0, h1, h2, h3, logprob_inside):
    return _sc_lookup()(
        coordinates[:, 0], coordinates[:, 1],
        h0, h1, h2, h3, logprob_inside.reshape(1), jnp.zeros((16,), jnp.int32))

# --- scband reference (transcript-rebuilt; emitter-appended) ---
"""Pipeline reference for scband-fragmentsize-distribution2-79551384256524 (READ-ONLY COPY).

The authoritative reference and input builder live on the scoring server;
editing this copy changes nothing except your own understanding.
"""

import jax, jax.numpy as jnp
import numpy as np
import math

NBINS = (8, 8, 8, 2)
WIDTH = 1024
TOTAL_WIDTH = 100000
N = 2097152


def setup_inputs(seed: int = 0) -> dict:
    key = jax.random.key(seed)
    k1, k2, k3, k4, k5 = jax.random.split(key, 5)
    coordinates = jax.random.randint(k1, (N, 2), 0, 2048, dtype=jnp.int32)
    totalnbins = np.cumprod(np.array(NBINS))  # [8, 64, 512, 1024]
    # learned spline heights, shapes (totaln // n? actually totaln reshaped to (-1, n))
    h0 = 0.1 * jax.random.normal(k2, (1, 8), dtype=jnp.float32)
    h1 = 0.1 * jax.random.normal(k3, (8, 8), dtype=jnp.float32)
    h2 = 0.1 * jax.random.normal(k4, (64, 8), dtype=jnp.float32)
    h3 = 0.1 * jax.random.normal(k5, (512, 2), dtype=jnp.float32)
    logprob_inside = jnp.asarray(math.log(0.9 / 0.1), dtype=jnp.float32)  # logit(0.9)
    return {
        "coordinates": coordinates,
        "h0": h0,
        "h1": h1,
        "h2": h2,
        "h3": h3,
        "logprob_inside": logprob_inside,
    }


def _log_prob(coordinates, h0, h1, h2, h3, logprob_inside):
    heights = [h0, h1, h2, h3]
    sizes = jnp.abs(coordinates[:, 1] - coordinates[:, 0])
    inside = sizes < WIDTH
    p = jax.nn.sigmoid(logprob_inside)
    lp_out = jnp.log(1.0 - p) - math.log(TOTAL_WIDTH - WIDTH)
    lp_in = jnp.log(p)
    totalnbins = np.cumprod(np.array(NBINS))
    totalbinwidths = jnp.asarray(WIDTH // totalnbins, dtype=sizes.dtype)  # [128,16,2,1]
    # clamp outside sizes to 0 so all index ops stay in range (masked out at the end)
    s = jnp.where(inside, sizes, 0)
    totalbinixs = s[:, None] // totalbinwidths  # [N, 4]
    # sector for layer i is the cumulative bin index of layer i-1 (layer 0 has a single row)
    sectors = jnp.concatenate(
        [jnp.zeros((s.shape[0], 1), dtype=totalbinixs.dtype), totalbinixs[:, :-1]], axis=1
    )
    cur = s
    curwidth = WIDTH
    logprob = jnp.zeros(s.shape[0], dtype=jnp.float32)
    for i, n in enumerate(NBINS):
        table = jnp.take(heights[i], sectors[:, i], axis=0)  # gather rows -> [N, n]
        binsize = curwidth // n
        normalized = jax.nn.log_softmax(table, axis=-1)
        binixs = cur // binsize
        logprob = logprob + jnp.take_along_axis(normalized, binixs[:, None], axis=1)[:, 0]
        cur = cur - binixs * binsize
        curwidth = binsize
    logprob = logprob - math.log(curwidth)
    return jnp.where(inside, lp_in + logprob, lp_out)


def reference(coordinates, h0, h1, h2, h3, logprob_inside):
    return _log_prob(coordinates, h0, h1, h2, h3, logprob_inside)

if __name__ == "__main__":
    import jax
    _d = setup_inputs()
    print(jax.jit(kernel)(*tuple(_d.values())))

</pallas_src>

<mosaic_0001>
#map = affine_map<(d0, d1) -> (0)>
#map1 = affine_map<(d0, d1) -> (0, 0)>
module attributes {stable_mosaic.version = 14 : i64} {
  func.func @_sc_body(%arg0: i32, %arg1: i32, %arg2: memref<2097152xi32, #tpu.memory_space<hbm>>, %arg3: memref<2097152xi32, #tpu.memory_space<hbm>>, %arg4: memref<1x8xf32, #tpu.memory_space<hbm>>, %arg5: memref<8x8xf32, #tpu.memory_space<hbm>>, %arg6: memref<64x8xf32, #tpu.memory_space<hbm>>, %arg7: memref<512x2xf32, #tpu.memory_space<hbm>>, %arg8: memref<1xf32, #tpu.memory_space<hbm>>, %arg9: memref<16xi32, #tpu.memory_space<hbm>>, %arg10: memref<2097152xf32, #tpu.memory_space<hbm>>, %arg11: memref<16384xi32, #tpu.memory_space<vmem>>, %arg12: memref<16384xi32, #tpu.memory_space<vmem>>, %arg13: memref<16384xi32, #tpu.memory_space<vmem>>, %arg14: memref<16384xi32, #tpu.memory_space<vmem>>, %arg15: memref<16384xf32, #tpu.memory_space<vmem>>, %arg16: memref<16384xf32, #tpu.memory_space<vmem>>, %arg17: memref<1x8xf32, #tpu.memory_space<vmem>>, %arg18: memref<8x8xf32, #tpu.memory_space<vmem>>, %arg19: memref<64x8xf32, #tpu.memory_space<vmem>>, %arg20: memref<512x2xf32, #tpu.memory_space<vmem>>, %arg21: memref<16xi32, #tpu.memory_space<vmem>>, %arg22: memref<1xf32, #tpu.memory_space<vmem>>, %arg23: memref<16xf32, #tpu.memory_space<vmem>>, %arg24: memref<64xf32, #tpu.memory_space<vmem>>, %arg25: memref<512xf32, #tpu.memory_space<vmem>>, %arg26: memref<1040xf32, #tpu.memory_space<vmem>>, %arg27: memref<!tpu.dma_semaphore, #tpu.memory_space<semaphore_mem>>, %arg28: memref<!tpu.dma_semaphore, #tpu.memory_space<semaphore_mem>>, %arg29: memref<!tpu.dma_semaphore, #tpu.memory_space<semaphore_mem>>, %arg30: memref<!tpu.dma_semaphore, #tpu.memory_space<semaphore_mem>>, %arg31: memref<!tpu.dma_semaphore, #tpu.memory_space<semaphore_mem>>, %arg32: memref<!tpu.dma_semaphore, #tpu.memory_space<semaphore_mem>>) attributes {dimension_semantics = [#tpu.dimension_semantics<core_parallel>, #tpu.dimension_semantics<subcore_parallel>], iteration_bounds = array<i64: 2, 16>, scalar_prefetch = 0 : i64, scratch_operands = 22 : i64, tpu.core_type = #tpu.core_type<sc_vector_subcore>, window_params = [{transform_indices = #map}, {transform_indices = #map}, {transform_indices = #map1}, {transform_indices = #map1}, {transform_indices = #map1}, {transform_indices = #map1}, {transform_indices = #map}, {transform_indices = #map}, {transform_indices = #map}]} {
    %mul3A = arith.constant 2 : i32
    %mul3A_0 = arith.muli %arg1, %mul3A : i32
    %add3A = arith.addi %mul3A_0, %arg0 : i32
    %mul3A_1 = arith.constant 65536 : i32
    %mul3A_2 = arith.muli %add3A, %mul3A_1 : i32
    %add3A_3 = arith.constant 0 : i32
    %add3A_4 = arith.addi %mul3A_2, %add3A_3 : i32
    %dma_start3A = tpu.memref_slice %arg2[%add3A_4] : memref<2097152xi32, #tpu.memory_space<hbm>> -> memref<16384xi32, #tpu.memory_space<hbm>>
    %dma_start3A_5 = tpu.memref_slice %arg2[%add3A_4] : memref<2097152xi32, #tpu.memory_space<hbm>> -> memref<16384xi32, #tpu.memory_space<hbm>>
    tpu.enqueue_dma source(%dma_start3A_5 : memref<16384xi32, #tpu.memory_space<hbm>>) target(%arg11 : memref<16384xi32, #tpu.memory_space<vmem>>) target_semaphore(%arg27 : memref<!tpu.dma_semaphore, #tpu.memory_space<semaphore_mem>>)
    %dma_start3A_6 = tpu.memref_slice %arg3[%add3A_4] : memref<2097152xi32, #tpu.memory_space<hbm>> -> memref<16384xi32, #tpu.memory_space<hbm>>
    %dma_start3A_7 = tpu.memref_slice %arg3[%add3A_4] : memref<2097152xi32, #tpu.memory_space<hbm>> -> memref<16384xi32, #tpu.memory_space<hbm>>
    tpu.enqueue_dma source(%dma_start3A_7 : memref<16384xi32, #tpu.memory_space<hbm>>) target(%arg13 : memref<16384xi32, #tpu.memory_space<vmem>>) target_semaphore(%arg29 : memref<!tpu.dma_semaphore, #tpu.memory_space<semaphore_mem>>)
    "tpu.region"() ({
      %run_scoped3A = tpu.sem_alloc : memref<!tpu.dma_semaphore, #tpu.memory_space<semaphore_mem>>
      tpu.enqueue_dma source(%arg4 : memref<1x8xf32, #tpu.memory_space<hbm>>) target(%arg17 : memref<1x8xf32, #tpu.memory_space<vmem>>) target_semaphore(%run_scoped3A : memref<!tpu.dma_semaphore, #tpu.memory_space<semaphore_mem>>)
      tpu.wait_dma2 semaphore(%run_scoped3A : memref<!tpu.dma_semaphore, #tpu.memory_space<semaphore_mem>>) src(%arg4 : memref<1x8xf32, #tpu.memory_space<hbm>>) dst(%arg17 : memref<1x8xf32, #tpu.memory_space<vmem>>)
      tpu.yield
    }) : () -> ()
    "tpu.region"() ({
      %run_scoped3A = tpu.sem_alloc : memref<!tpu.dma_semaphore, #tpu.memory_space<semaphore_mem>>
      tpu.enqueue_dma source(%arg5 : memref<8x8xf32, #tpu.memory_space<hbm>>) target(%arg18 : memref<8x8xf32, #tpu.memory_space<vmem>>) target_semaphore(%run_scoped3A : memref<!tpu.dma_semaphore, #tpu.memory_space<semaphore_mem>>)
      tpu.wait_dma2 semaphore(%run_scoped3A : memref<!tpu.dma_semaphore, #tpu.memory_space<semaphore_mem>>) src(%arg5 : memref<8x8xf32, #tpu.memory_space<hbm>>) dst(%arg18 : memref<8x8xf32, #tpu.memory_space<vmem>>)
      tpu.yield
    }) : () -> ()
    "tpu.region"() ({
      %run_scoped3A = tpu.sem_alloc : memref<!tpu.dma_semaphore, #tpu.memory_space<semaphore_mem>>
      tpu.enqueue_dma source(%arg6 : memref<64x8xf32, #tpu.memory_space<hbm>>) target(%arg19 : memref<64x8xf32, #tpu.memory_space<vmem>>) target_semaphore(%run_scoped3A : memref<!tpu.dma_semaphore, #tpu.memory_space<semaphore_mem>>)
      tpu.wait_dma2 semaphore(%run_scoped3A : memref<!tpu.dma_semaphore, #tpu.memory_space<semaphore_mem>>) src(%arg6 : memref<64x8xf32, #tpu.memory_space<hbm>>) dst(%arg19 : memref<64x8xf32, #tpu.memory_space<vmem>>)
      tpu.yield
    }) : () -> ()
    "tpu.region"() ({
      %run_scoped3A = tpu.sem_alloc : memref<!tpu.dma_semaphore, #tpu.memory_space<semaphore_mem>>
      tpu.enqueue_dma source(%arg7 : memref<512x2xf32, #tpu.memory_space<hbm>>) target(%arg20 : memref<512x2xf32, #tpu.memory_space<vmem>>) target_semaphore(%run_scoped3A : memref<!tpu.dma_semaphore, #tpu.memory_space<semaphore_mem>>)
      tpu.wait_dma2 semaphore(%run_scoped3A : memref<!tpu.dma_semaphore, #tpu.memory_space<semaphore_mem>>) src(%arg7 : memref<512x2xf32, #tpu.memory_space<hbm>>) dst(%arg20 : memref<512x2xf32, #tpu.memory_space<vmem>>)
      tpu.yield
    }) : () -> ()
    "tpu.region"() ({
      %run_scoped3A = tpu.sem_alloc : memref<!tpu.dma_semaphore, #tpu.memory_space<semaphore_mem>>
      tpu.enqueue_dma source(%arg9 : memref<16xi32, #tpu.memory_space<hbm>>) target(%arg21 : memref<16xi32, #tpu.memory_space<vmem>>) target_semaphore(%run_scoped3A : memref<!tpu.dma_semaphore, #tpu.memory_space<semaphore_mem>>)
      tpu.wait_dma2 semaphore(%run_scoped3A : memref<!tpu.dma_semaphore, #tpu.memory_space<semaphore_mem>>) src(%arg9 : memref<16xi32, #tpu.memory_space<hbm>>) dst(%arg21 : memref<16xi32, #tpu.memory_space<vmem>>)
      tpu.yield
    }) : () -> ()
    "tpu.region"() ({
      %run_scoped3A = tpu.sem_alloc : memref<!tpu.dma_semaphore, #tpu.memory_space<semaphore_mem>>
      tpu.enqueue_dma source(%arg8 : memref<1xf32, #tpu.memory_space<hbm>>) target(%arg22 : memref<1xf32, #tpu.memory_space<vmem>>) target_semaphore(%run_scoped3A : memref<!tpu.dma_semaphore, #tpu.memory_space<semaphore_mem>>)
      tpu.wait_dma2 semaphore(%run_scoped3A : memref<!tpu.dma_semaphore, #tpu.memory_space<semaphore_mem>>) src(%arg8 : memref<1xf32, #tpu.memory_space<hbm>>) dst(%arg22 : memref<1xf32, #tpu.memory_space<vmem>>)
      tpu.yield
    }) : () -> ()
    %iota3A = tpu.iota {dimensions = array<i32: 0>} : vector<16xi32>
    %get3A = arith.constant 0 : index
    %get3A_8 = tpu.vector_load %arg21[%get3A] {strides = array<i32>} : memref<16xi32, #tpu.memory_space<vmem>>, vector<16xi32>,
    %add3A_9 = arith.constant 0 : i32
    %add3A_10 = vector.broadcast %add3A_9 : i32 to vector<16xi32>
    %add3A_11 = arith.addi %get3A_8, %add3A_10 : vector<16xi32>
    %gather3A = tpu.vector_load_idx %arg17[%get3A_8, %add3A_11] : memref<1x8xf32, #tpu.memory_space<vmem>>[vector<16xi32>, vector<16xi32>], vector<16xf32>,
    %add3A_12 = arith.constant 1 : i32
    %add3A_13 = vector.broadcast %add3A_12 : i32 to vector<16xi32>
    %add3A_14 = arith.addi %get3A_8, %add3A_13 : vector<16xi32>
    %gather3A_15 = tpu.vector_load_idx %arg17[%get3A_8, %add3A_14] : memref<1x8xf32, #tpu.memory_space<vmem>>[vector<16xi32>, vector<16xi32>], vector<16xf32>,
    %add3A_16 = arith.constant 2 : i32
    %add3A_17 = vector.broadcast %add3A_16 : i32 to vector<16xi32>
    %add3A_18 = arith.addi %get3A_8, %add3A_17 : vector<16xi32>
    %gather3A_19 = tpu.vector_load_idx %arg17[%get3A_8, %add3A_18] : memref<1x8xf32, #tpu.memory_space<vmem>>[vector<16xi32>, vector<16xi32>], vector<16xf32>,
    %add3A_20 = arith.constant 3 : i32
    %add3A_21 = vector.broadcast %add3A_20 : i32 to vector<16xi32>
    %add3A_22 = arith.addi %get3A_8, %add3A_21 : vector<16xi32>
    %gather3A_23 = tpu.vector_load_idx %arg17[%get3A_8, %add3A_22] : memref<1x8xf32, #tpu.memory_space<vmem>>[vector<16xi32>, vector<16xi32>], vector<16xf32>,
    %add3A_24 = arith.constant 4 : i32
    %add3A_25 = vector.broadcast %add3A_24 : i32 to vector<16xi32>
    %add3A_26 = arith.addi %get3A_8, %add3A_25 : vector<16xi32>
    %gather3A_27 = tpu.vector_load_idx %arg17[%get3A_8, %add3A_26] : memref<1x8xf32, #tpu.memory_space<vmem>>[vector<16xi32>, vector<16xi32>], vector<16xf32>,
    %add3A_28 = arith.constant 5 : i32
    %add3A_29 = vector.broadcast %add3A_28 : i32 to vector<16xi32>
    %add3A_30 = arith.addi %get3A_8, %add3A_29 : vector<16xi32>
    %gather3A_31 = tpu.vector_load_idx %arg17[%get3A_8, %add3A_30] : memref<1x8xf32, #tpu.memory_space<vmem>>[vector<16xi32>, vector<16xi32>], vector<16xf32>,
    %add3A_32 = arith.constant 6 : i32
    %add3A_33 = vector.broadcast %add3A_32 : i32 to vector<16xi32>
    %add3A_34 = arith.addi %get3A_8, %add3A_33 : vector<16xi32>
    %gather3A_35 = tpu.vector_load_idx %arg17[%get3A_8, %add3A_34] : memref<1x8xf32, #tpu.memory_space<vmem>>[vector<16xi32>, vector<16xi32>], vector<16xf32>,
    %add3A_36 = arith.constant 7 : i32
    %add3A_37 = vector.broadcast %add3A_36 : i32 to vector<16xi32>
    %add3A_38 = arith.addi %get3A_8, %add3A_37 : vector<16xi32>
    %gather3A_39 = tpu.vector_load_idx %arg17[%get3A_8, %add3A_38] : memref<1x8xf32, #tpu.memory_space<vmem>>[vector<16xi32>, vector<16xi32>], vector<16xf32>,
    %max3A = arith.maximumf %gather3A, %gather3A_15 : vector<16xf32>
    %max3A_40 = arith.maximumf %max3A, %gather3A_19 : vector<16xf32>
    %max3A_41 = arith.maximumf %max3A_40, %gather3A_23 : vector<16xf32>
    %max3A_42 = arith.maximumf %max3A_41, %gather3A_27 : vector<16xf32>
    %max3A_43 = arith.maximumf %max3A_42, %gather3A_31 : vector<16xf32>
    %max3A_44 = arith.maximumf %max3A_43, %gather3A_35 : vector<16xf32>
    %max3A_45 = arith.maximumf %max3A_44, %gather3A_39 : vector<16xf32>
    %sub3A = arith.subf %gather3A, %max3A_45 : vector<16xf32>
    %exp3A = math.exp %sub3A : vector<16xf32>
    %sub3A_46 = arith.subf %gather3A_15, %max3A_45 : vector<16xf32>
    %exp3A_47 = math.exp %sub3A_46 : vector<16xf32>
    %add3A_48 = arith.addf %exp3A, %exp3A_47 : vector<16xf32>
    %sub3A_49 = arith.subf %gather3A_19, %max3A_45 : vector<16xf32>
    %exp3A_50 = math.exp %sub3A_49 : vector<16xf32>
    %add3A_51 = arith.addf %add3A_48, %exp3A_50 : vector<16xf32>
    %sub3A_52 = arith.subf %gather3A_23, %max3A_45 : vector<16xf32>
    %exp3A_53 = math.exp %sub3A_52 : vector<16xf32>
    %add3A_54 = arith.addf %add3A_51, %exp3A_53 : vector<16xf32>
    %sub3A_55 = arith.subf %gather3A_27, %max3A_45 : vector<16xf32>
    %exp3A_56 = math.exp %sub3A_55 : vector<16xf32>
    %add3A_57 = arith.addf %add3A_54, %exp3A_56 : vector<16xf32>
    %sub3A_58 = arith.subf %gather3A_31, %max3A_45 : vector<16xf32>
    %exp3A_59 = math.exp %sub3A_58 : vector<16xf32>
    %add3A_60 = arith.addf %add3A_57, %exp3A_59 : vector<16xf32>
    %sub3A_61 = arith.subf %gather3A_35, %max3A_45 : vector<16xf32>
    %exp3A_62 = math.exp %sub3A_61 : vector<16xf32>
    %add3A_63 = arith.addf %add3A_60, %exp3A_62 : vector<16xf32>
    %sub3A_64 = arith.subf %gather3A_39, %max3A_45 : vector<16xf32>
    %exp3A_65 = math.exp %sub3A_64 : vector<16xf32>
    %add3A_66 = arith.addf %add3A_63, %exp3A_65 : vector<16xf32>
    %bitcast3A = vector.bitcast %add3A_66 : vector<16xf32> to vector<16xi32>
    %shift_right_arithmetic3A = arith.constant 23 : i32
    %shift_right_arithmetic3A_67 = vector.broadcast %shift_right_arithmetic3A : i32 to vector<16xi32>
    %shift_right_arithmetic3A_68 = arith.shrsi %bitcast3A, %shift_right_arithmetic3A_67 : vector<16xi32>
    %sub3A_69 = arith.constant 127 : i32
    %sub3A_70 = vector.broadcast %sub3A_69 : i32 to vector<16xi32>
    %sub3A_71 = arith.subi %shift_right_arithmetic3A_68, %sub3A_70 : vector<16xi32>
    %and3A = arith.constant 8388607 : i32
    %and3A_72 = vector.broadcast %and3A : i32 to vector<16xi32>
    %and3A_73 = arith.andi %bitcast3A, %and3A_72 : vector<16xi32>
    %or3A = arith.constant 1065353216 : i32
    %or3A_74 = vector.broadcast %or3A : i32 to vector<16xi32>
    %or3A_75 = arith.ori %and3A_73, %or3A_74 : vector<16xi32>
    %bitcast3A_76 = vector.bitcast %or3A_75 : vector<16xi32> to vector<16xf32>
    %sub3A_77 = arith.constant 1.000000e+00 : f32
    %sub3A_78 = vector.broadcast %sub3A_77 : f32 to vector<16xf32>
    %sub3A_79 = arith.subf %bitcast3A_76, %sub3A_78 : vector<16xf32>
    %add3A_80 = arith.constant 1.000000e+00 : f32
    %add3A_81 = vector.broadcast %add3A_80 : f32 to vector<16xf32>
    %add3A_82 = arith.addf %bitcast3A_76, %add3A_81 : vector<16xf32>
    %div3A = arith.divf %sub3A_79, %add3A_82 : vector<16xf32>
    %mul3A_83 = arith.mulf %div3A, %div3A : vector<16xf32>
    %mul3A_84 = arith.constant 0.111111112 : f32
    %mul3A_85 = vector.broadcast %mul3A_84 : f32 to vector<16xf32>
    %mul3A_86 = arith.mulf %mul3A_83, %mul3A_85 : vector<16xf32>
    %add3A_87 = arith.constant 0.142857149 : f32
    %add3A_88 = vector.broadcast %add3A_87 : f32 to vector<16xf32>
    %add3A_89 = arith.addf %add3A_88, %mul3A_86 : vector<16xf32>
    %mul3A_90 = arith.mulf %mul3A_83, %add3A_89 : vector<16xf32>
    %add3A_91 = arith.constant 2.000000e-01 : f32
    %add3A_92 = vector.broadcast %add3A_91 : f32 to vector<16xf32>
    %add3A_93 = arith.addf %add3A_92, %mul3A_90 : vector<16xf32>
    %mul3A_94 = arith.mulf %mul3A_83, %add3A_93 : vector<16xf32>
    %add3A_95 = arith.constant 0.333333343 : f32
    %add3A_96 = vector.broadcast %add3A_95 : f32 to vector<16xf32>
    %add3A_97 = arith.addf %add3A_96, %mul3A_94 : vector<16xf32>
    %mul3A_98 = arith.mulf %mul3A_83, %add3A_97 : vector<16xf32>
    %add3A_99 = arith.constant 1.000000e+00 : f32
    %add3A_100 = vector.broadcast %add3A_99 : f32 to vector<16xf32>
    %add3A_101 = arith.addf %add3A_100, %mul3A_98 : vector<16xf32>
    %convert_element_type3A = arith.sitofp %sub3A_71 : vector<16xi32> to vector<16xf32>
    %mul3A_102 = arith.constant 0.693147182 : f32
    %mul3A_103 = vector.broadcast %mul3A_102 : f32 to vector<16xf32>
    %mul3A_104 = arith.mulf %convert_element_type3A, %mul3A_103 : vector<16xf32>
    %mul3A_105 = arith.constant 2.000000e+00 : f32
    %mul3A_106 = vector.broadcast %mul3A_105 : f32 to vector<16xf32>
    %mul3A_107 = arith.mulf %mul3A_106, %div3A : vector<16xf32>
    %mul3A_108 = arith.mulf %mul3A_107, %add3A_101 : vector<16xf32>
    %add3A_109 = arith.addf %mul3A_104, %mul3A_108 : vector<16xf32>
    %add3A_110 = arith.addf %max3A_45, %add3A_109 : vector<16xf32>
    %and3A_111 = arith.constant 7 : i32
    %and3A_112 = vector.broadcast %and3A_111 : i32 to vector<16xi32>
    %and3A_113 = arith.andi %iota3A, %and3A_112 : vector<16xi32>
    %add3A_114 = arith.constant 0 : i32
    %add3A_115 = vector.broadcast %add3A_114 : i32 to vector<16xi32>
    %add3A_116 = arith.addi %get3A_8, %add3A_115 : vector<16xi32>
    %gather3A_117 = tpu.vector_load_idx %arg18[%and3A_113, %add3A_116] : memref<8x8xf32, #tpu.memory_space<vmem>>[vector<16xi32>, vector<16xi32>], vector<16xf32>,
    %add3A_118 = arith.constant 1 : i32
    %add3A_119 = vector.broadcast %add3A_118 : i32 to vector<16xi32>
    %add3A_120 = arith.addi %get3A_8, %add3A_119 : vector<16xi32>
    %gather3A_121 = tpu.vector_load_idx %arg18[%and3A_113, %add3A_120] : memref<8x8xf32, #tpu.memory_space<vmem>>[vector<16xi32>, vector<16xi32>], vector<16xf32>,
    %add3A_122 = arith.constant 2 : i32
    %add3A_123 = vector.broadcast %add3A_122 : i32 to vector<16xi32>
    %add3A_124 = arith.addi %get3A_8, %add3A_123 : vector<16xi32>
    %gather3A_125 = tpu.vector_load_idx %arg18[%and3A_113, %add3A_124] : memref<8x8xf32, #tpu.memory_space<vmem>>[vector<16xi32>, vector<16xi32>], vector<16xf32>,
    %add3A_126 = arith.constant 3 : i32
    %add3A_127 = vector.broadcast %add3A_126 : i32 to vector<16xi32>
    %add3A_128 = arith.addi %get3A_8, %add3A_127 : vector<16xi32>
    %gather3A_129 = tpu.vector_load_idx %arg18[%and3A_113, %add3A_128] : memref<8x8xf32, #tpu.memory_space<vmem>>[vector<16xi32>, vector<16xi32>], vector<16xf32>,
    %add3A_130 = arith.constant 4 : i32
    %add3A_131 = vector.broadcast %add3A_130 : i32 to vector<16xi32>
    %add3A_132 = arith.addi %get3A_8, %add3A_131 : vector<16xi32>
    %gather3A_133 = tpu.vector_load_idx %arg18[%and3A_113, %add3A_132] : memref<8x8xf32, #tpu.memory_space<vmem>>[vector<16xi32>, vector<16xi32>], vector<16xf32>,
    %add3A_134 = arith.constant 5 : i32
    %add3A_135 = vector.broadcast %add3A_134 : i32 to vector<16xi32>
    %add3A_136 = arith.addi %get3A_8, %add3A_135 : vector<16xi32>
    %gather3A_137 = tpu.vector_load_idx %arg18[%and3A_113, %add3A_136] : memref<8x8xf32, #tpu.memory_space<vmem>>[vector<16xi32>, vector<16xi32>], vector<16xf32>,
    %add3A_138 = arith.constant 6 : i32
    %add3A_139 = vector.broadcast %add3A_138 : i32 to vector<16xi32>
    %add3A_140 = arith.addi %get3A_8, %add3A_139 : vector<16xi32>
    %gather3A_141 = tpu.vector_load_idx %arg18[%and3A_113, %add3A_140] : memref<8x8xf32, #tpu.memory_space<vmem>>[vector<16xi32>, vector<16xi32>], vector<16xf32>,
    %add3A_142 = arith.constant 7 : i32
    %add3A_143 = vector.broadcast %add3A_142 : i32 to vector<16xi32>
    %add3A_144 = arith.addi %get3A_8, %add3A_143 : vector<16xi32>
    %gather3A_145 = tpu.vector_load_idx %arg18[%and3A_113, %add3A_144] : memref<8x8xf32, #tpu.memory_space<vmem>>[vector<16xi32>, vector<16xi32>], vector<16xf32>,
    %max3A_146 = arith.maximumf %gather3A_117, %gather3A_121 : vector<16xf32>
    %max3A_147 = arith.maximumf %max3A_146, %gather3A_125 : vector<16xf32>
    %max3A_148 = arith.maximumf %max3A_147, %gather3A_129 : vector<16xf32>
    %max3A_149 = arith.maximumf %max3A_148, %gather3A_133 : vector<16xf32>
    %max3A_150 = arith.maximumf %max3A_149, %gather3A_137 : vector<16xf32>
    %max3A_151 = arith.maximumf %max3A_150, %gather3A_141 : vector<16xf32>
    %max3A_152 = arith.maximumf %max3A_151, %gather3A_145 : vector<16xf32>
    %sub3A_153 = arith.subf %gather3A_117, %max3A_152 : vector<16xf32>
    %exp3A_154 = math.exp %sub3A_153 : vector<16xf32>
    %sub3A_155 = arith.subf %gather3A_121, %max3A_152 : vector<16xf32>
    %exp3A_156 = math.exp %sub3A_155 : vector<16xf32>
    %add3A_157 = arith.addf %exp3A_154, %exp3A_156 : vector<16xf32>
    %sub3A_158 = arith.subf %gather3A_125, %max3A_152 : vector<16xf32>
    %exp3A_159 = math.exp %sub3A_158 : vector<16xf32>
    %add3A_160 = arith.addf %add3A_157, %exp3A_159 : vector<16xf32>
    %sub3A_161 = arith.subf %gather3A_129, %max3A_152 : vector<16xf32>
    %exp3A_162 = math.exp %sub3A_161 : vector<16xf32>
    %add3A_163 = arith.addf %add3A_160, %exp3A_162 : vector<16xf32>
    %sub3A_164 = arith.subf %gather3A_133, %max3A_152 : vector<16xf32>
    %exp3A_165 = math.exp %sub3A_164 : vector<16xf32>
    %add3A_166 = arith.addf %add3A_163, %exp3A_165 : vector<16xf32>
    %sub3A_167 = arith.subf %gather3A_137, %max3A_152 : vector<16xf32>
    %exp3A_168 = math.exp %sub3A_167 : vector<16xf32>
    %add3A_169 = arith.addf %add3A_166, %exp3A_168 : vector<16xf32>
    %sub3A_170 = arith.subf %gather3A_141, %max3A_152 : vector<16xf32>
    %exp3A_171 = math.exp %sub3A_170 : vector<16xf32>
    %add3A_172 = arith.addf %add3A_169, %exp3A_171 : vector<16xf32>
    %sub3A_173 = arith.subf %gather3A_145, %max3A_152 : vector<16xf32>
    %exp3A_174 = math.exp %sub3A_173 : vector<16xf32>
    %add3A_175 = arith.addf %add3A_172, %exp3A_174 : vector<16xf32>
    %bitcast3A_176 = vector.bitcast %add3A_175 : vector<16xf32> to vector<16xi32>
    %shift_right_arithmetic3A_177 = arith.constant 23 : i32
    %shift_right_arithmetic3A_178 = vector.broadcast %shift_right_arithmetic3A_177 : i32 to vector<16xi32>
    %shift_right_arithmetic3A_179 = arith.shrsi %bitcast3A_176, %shift_right_arithmetic3A_178 : vector<16xi32>
    %sub3A_180 = arith.constant 127 : i32
    %sub3A_181 = vector.broadcast %sub3A_180 : i32 to vector<16xi32>
    %sub3A_182 = arith.subi %shift_right_arithmetic3A_179, %sub3A_181 : vector<16xi32>
    %and3A_183 = arith.constant 8388607 : i32
    %and3A_184 = vector.broadcast %and3A_183 : i32 to vector<16xi32>
    %and3A_185 = arith.andi %bitcast3A_176, %and3A_184 : vector<16xi32>
    %or3A_186 = arith.constant 1065353216 : i32
    %or3A_187 = vector.broadcast %or3A_186 : i32 to vector<16xi32>
    %or3A_188 = arith.ori %and3A_185, %or3A_187 : vector<16xi32>
    %bitcast3A_189 = vector.bitcast %or3A_188 : vector<16xi32> to vector<16xf32>
    %sub3A_190 = arith.constant 1.000000e+00 : f32
    %sub3A_191 = vector.broadcast %sub3A_190 : f32 to vector<16xf32>
    %sub3A_192 = arith.subf %bitcast3A_189, %sub3A_191 : vector<16xf32>
    %add3A_193 = arith.constant 1.000000e+00 : f32
    %add3A_194 = vector.broadcast %add3A_193 : f32 to vector<16xf32>
    %add3A_195 = arith.addf %bitcast3A_189, %add3A_194 : vector<16xf32>
    %div3A_196 = arith.divf %sub3A_192, %add3A_195 : vector<16xf32>
    %mul3A_197 = arith.mulf %div3A_196, %div3A_196 : vector<16xf32>
    %mul3A_198 = arith.constant 0.111111112 : f32
    %mul3A_199 = vector.broadcast %mul3A_198 : f32 to vector<16xf32>
    %mul3A_200 = arith.mulf %mul3A_197, %mul3A_199 : vector<16xf32>
    %add3A_201 = arith.constant 0.142857149 : f32
    %add3A_202 = vector.broadcast %add3A_201 : f32 to vector<16xf32>
    %add3A_203 = arith.addf %add3A_202, %mul3A_200 : vector<16xf32>
    %mul3A_204 = arith.mulf %mul3A_197, %add3A_203 : vector<16xf32>
    %add3A_205 = arith.constant 2.000000e-01 : f32
    %add3A_206 = vector.broadcast %add3A_205 : f32 to vector<16xf32>
    %add3A_207 = arith.addf %add3A_206, %mul3A_204 : vector<16xf32>
    %mul3A_208 = arith.mulf %mul3A_197, %add3A_207 : vector<16xf32>
    %add3A_209 = arith.constant 0.333333343 : f32
    %add3A_210 = vector.broadcast %add3A_209 : f32 to vector<16xf32>
    %add3A_211 = arith.addf %add3A_210, %mul3A_208 : vector<16xf32>
    %mul3A_212 = arith.mulf %mul3A_197, %add3A_211 : vector<16xf32>
    %add3A_213 = arith.constant 1.000000e+00 : f32
    %add3A_214 = vector.broadcast %add3A_213 : f32 to vector<16xf32>
    %add3A_215 = arith.addf %add3A_214, %mul3A_212 : vector<16xf32>
    %convert_element_type3A_216 = arith.sitofp %sub3A_182 : vector<16xi32> to vector<16xf32>
    %mul3A_217 = arith.constant 0.693147182 : f32
    %mul3A_218 = vector.broadcast %mul3A_217 : f32 to vector<16xf32>
    %mul3A_219 = arith.mulf %convert_element_type3A_216, %mul3A_218 : vector<16xf32>
    %mul3A_220 = arith.constant 2.000000e+00 : f32
    %mul3A_221 = vector.broadcast %mul3A_220 : f32 to vector<16xf32>
    %mul3A_222 = arith.mulf %mul3A_221, %div3A_196 : vector<16xf32>
    %mul3A_223 = arith.mulf %mul3A_222, %add3A_215 : vector<16xf32>
    %add3A_224 = arith.addf %mul3A_219, %mul3A_223 : vector<16xf32>
    %add3A_225 = arith.addf %max3A_152, %add3A_224 : vector<16xf32>
    %swap3A = arith.constant 0 : index
    %swap3A_226 = tpu.vector_load %arg23[%swap3A] {strides = array<i32>} : memref<16xf32, #tpu.memory_space<vmem>>, vector<16xf32>,
    tpu.vector_store %arg23[%swap3A], %add3A_225 {strides = array<i32>} : memref<16xf32, #tpu.memory_space<vmem>>, vector<16xf32>,
    %parallel_loop3A = arith.constant 0 : i32
    %parallel_loop3A_227 = arith.constant 4 : i32
    %parallel_loop3A_228 = arith.constant 1 : i32
    scf.for %parallel_loop3A_432 = %parallel_loop3A to %parallel_loop3A_227 step %parallel_loop3A_228  : i32 {
      %parallel_loop3A_433 = arith.constant 16 : i32
      %parallel_loop3A_434 = arith.muli %parallel_loop3A_432, %parallel_loop3A_433 : i32
      %parallel_loop3A_435 = vector.broadcast %parallel_loop3A_434 : i32 to vector<16xi32>
      %parallel_loop3A_436 = arith.addi %iota3A, %parallel_loop3A_435 : vector<16xi32>
      %parallel_loop3A_437 = arith.constant 0 : i32
      %parallel_loop3A_438 = vector.broadcast %parallel_loop3A_437 : i32 to vector<16xi32>
      %parallel_loop3A_439 = arith.addi %get3A_8, %parallel_loop3A_438 : vector<16xi32>
      %parallel_loop3A_440 = tpu.vector_load_idx %arg19[%parallel_loop3A_436, %parallel_loop3A_439] : memref<64x8xf32, #tpu.memory_space<vmem>>[vector<16xi32>, vector<16xi32>], vector<16xf32>,
      %parallel_loop3A_441 = arith.constant 1 : i32
      %parallel_loop3A_442 = vector.broadcast %parallel_loop3A_441 : i32 to vector<16xi32>
      %parallel_loop3A_443 = arith.addi %get3A_8, %parallel_loop3A_442 : vector<16xi32>
      %parallel_loop3A_444 = tpu.vector_load_idx %arg19[%parallel_loop3A_436, %parallel_loop3A_443] : memref<64x8xf32, #tpu.memory_space<vmem>>[vector<16xi32>, vector<16xi32>], vector<16xf32>,
      %parallel_loop3A_445 = arith.constant 2 : i32
      %parallel_loop3A_446 = vector.broadcast %parallel_loop3A_445 : i32 to vector<16xi32>
      %parallel_loop3A_447 = arith.addi %get3A_8, %parallel_loop3A_446 : vector<16xi32>
      %parallel_loop3A_448 = tpu.vector_load_idx %arg19[%parallel_loop3A_436, %parallel_loop3A_447] : memref<64x8xf32, #tpu.memory_space<vmem>>[vector<16xi32>, vector<16xi32>], vector<16xf32>,
      %parallel_loop3A_449 = arith.constant 3 : i32
      %parallel_loop3A_450 = vector.broadcast %parallel_loop3A_449 : i32 to vector<16xi32>
      %parallel_loop3A_451 = arith.addi %get3A_8, %parallel_loop3A_450 : vector<16xi32>
      %parallel_loop3A_452 = tpu.vector_load_idx %arg19[%parallel_loop3A_436, %parallel_loop3A_451] : memref<64x8xf32, #tpu.memory_space<vmem>>[vector<16xi32>, vector<16xi32>], vector<16xf32>,
      %parallel_loop3A_453 = arith.constant 4 : i32
      %parallel_loop3A_454 = vector.broadcast %parallel_loop3A_453 : i32 to vector<16xi32>
      %parallel_loop3A_455 = arith.addi %get3A_8, %parallel_loop3A_454 : vector<16xi32>
      %parallel_loop3A_456 = tpu.vector_load_idx %arg19[%parallel_loop3A_436, %parallel_loop3A_455] : memref<64x8xf32, #tpu.memory_space<vmem>>[vector<16xi32>, vector<16xi32>], vector<16xf32>,
      %parallel_loop3A_457 = arith.constant 5 : i32
      %parallel_loop3A_458 = vector.broadcast %parallel_loop3A_457 : i32 to vector<16xi32>
      %parallel_loop3A_459 = arith.addi %get3A_8, %parallel_loop3A_458 : vector<16xi32>
      %parallel_loop3A_460 = tpu.vector_load_idx %arg19[%parallel_loop3A_436, %parallel_loop3A_459] : memref<64x8xf32, #tpu.memory_space<vmem>>[vector<16xi32>, vector<16xi32>], vector<16xf32>,
      %parallel_loop3A_461 = arith.constant 6 : i32
      %parallel_loop3A_462 = vector.broadcast %parallel_loop3A_461 : i32 to vector<16xi32>
      %parallel_loop3A_463 = arith.addi %get3A_8, %parallel_loop3A_462 : vector<16xi32>
      %parallel_loop3A_464 = tpu.vector_load_idx %arg19[%parallel_loop3A_436, %parallel_loop3A_463] : memref<64x8xf32, #tpu.memory_space<vmem>>[vector<16xi32>, vector<16xi32>], vector<16xf32>,
      %parallel_loop3A_465 = arith.constant 7 : i32
      %parallel_loop3A_466 = vector.broadcast %parallel_loop3A_465 : i32 to vector<16xi32>
      %parallel_loop3A_467 = arith.addi %get3A_8, %parallel_loop3A_466 : vector<16xi32>
      %parallel_loop3A_468 = tpu.vector_load_idx %arg19[%parallel_loop3A_436, %parallel_loop3A_467] : memref<64x8xf32, #tpu.memory_space<vmem>>[vector<16xi32>, vector<16xi32>], vector<16xf32>,
      %parallel_loop3A_469 = arith.maximumf %parallel_loop3A_440, %parallel_loop3A_444 : vector<16xf32>
      %parallel_loop3A_470 = arith.maximumf %parallel_loop3A_469, %parallel_loop3A_448 : vector<16xf32>
      %parallel_loop3A_471 = arith.maximumf %parallel_loop3A_470, %parallel_loop3A_452 : vector<16xf32>
      %parallel_loop3A_472 = arith.maximumf %parallel_loop3A_471, %parallel_loop3A_456 : vector<16xf32>
      %parallel_loop3A_473 = arith.maximumf %parallel_loop3A_472, %parallel_loop3A_460 : vector<16xf32>
      %parallel_loop3A_474 = arith.maximumf %parallel_loop3A_473, %parallel_loop3A_464 : vector<16xf32>
      %parallel_loop3A_475 = arith.maximumf %parallel_loop3A_474, %parallel_loop3A_468 : vector<16xf32>
      %parallel_loop3A_476 = arith.subf %parallel_loop3A_440, %parallel_loop3A_475 : vector<16xf32>
      %parallel_loop3A_477 = math.exp %parallel_loop3A_476 : vector<16xf32>
      %parallel_loop3A_478 = arith.subf %parallel_loop3A_444, %parallel_loop3A_475 : vector<16xf32>
      %parallel_loop3A_479 = math.exp %parallel_loop3A_478 : vector<16xf32>
      %parallel_loop3A_480 = arith.addf %parallel_loop3A_477, %parallel_loop3A_479 : vector<16xf32>
      %parallel_loop3A_481 = arith.subf %parallel_loop3A_448, %parallel_loop3A_475 : vector<16xf32>
      %parallel_loop3A_482 = math.exp %parallel_loop3A_481 : vector<16xf32>
      %parallel_loop3A_483 = arith.addf %parallel_loop3A_480, %parallel_loop3A_482 : vector<16xf32>
      %parallel_loop3A_484 = arith.subf %parallel_loop3A_452, %parallel_loop3A_475 : vector<16xf32>
      %parallel_loop3A_485 = math.exp %parallel_loop3A_484 : vector<16xf32>
      %parallel_loop3A_486 = arith.addf %parallel_loop3A_483, %parallel_loop3A_485 : vector<16xf32>
      %parallel_loop3A_487 = arith.subf %parallel_loop3A_456, %parallel_loop3A_475 : vector<16xf32>
      %parallel_loop3A_488 = math.exp %parallel_loop3A_487 : vector<16xf32>
      %parallel_loop3A_489 = arith.addf %parallel_loop3A_486, %parallel_loop3A_488 : vector<16xf32>
      %parallel_loop3A_490 = arith.subf %parallel_loop3A_460, %parallel_loop3A_475 : vector<16xf32>
      %parallel_loop3A_491 = math.exp %parallel_loop3A_490 : vector<16xf32>
      %parallel_loop3A_492 = arith.addf %parallel_loop3A_489, %parallel_loop3A_491 : vector<16xf32>
      %parallel_loop3A_493 = arith.subf %parallel_loop3A_464, %parallel_loop3A_475 : vector<16xf32>
      %parallel_loop3A_494 = math.exp %parallel_loop3A_493 : vector<16xf32>
      %parallel_loop3A_495 = arith.addf %parallel_loop3A_492, %parallel_loop3A_494 : vector<16xf32>
      %parallel_loop3A_496 = arith.subf %parallel_loop3A_468, %parallel_loop3A_475 : vector<16xf32>
      %parallel_loop3A_497 = math.exp %parallel_loop3A_496 : vector<16xf32>
      %parallel_loop3A_498 = arith.addf %parallel_loop3A_495, %parallel_loop3A_497 : vector<16xf32>
      %parallel_loop3A_499 = vector.bitcast %parallel_loop3A_498 : vector<16xf32> to vector<16xi32>
      %parallel_loop3A_500 = arith.constant 23 : i32
      %parallel_loop3A_501 = vector.broadcast %parallel_loop3A_500 : i32 to vector<16xi32>
      %parallel_loop3A_502 = arith.shrsi %parallel_loop3A_499, %parallel_loop3A_501 : vector<16xi32>
      %parallel_loop3A_503 = arith.constant 127 : i32
      %parallel_loop3A_504 = vector.broadcast %parallel_loop3A_503 : i32 to vector<16xi32>
      %parallel_loop3A_505 = arith.subi %parallel_loop3A_502, %parallel_loop3A_504 : vector<16xi32>
      %parallel_loop3A_506 = arith.constant 8388607 : i32
      %parallel_loop3A_507 = vector.broadcast %parallel_loop3A_506 : i32 to vector<16xi32>
      %parallel_loop3A_508 = arith.andi %parallel_loop3A_499, %parallel_loop3A_507 : vector<16xi32>
      %parallel_loop3A_509 = arith.constant 1065353216 : i32
      %parallel_loop3A_510 = vector.broadcast %parallel_loop3A_509 : i32 to vector<16xi32>
      %parallel_loop3A_511 = arith.ori %parallel_loop3A_508, %parallel_loop3A_510 : vector<16xi32>
      %parallel_loop3A_512 = vector.bitcast %parallel_loop3A_511 : vector<16xi32> to vector<16xf32>
      %parallel_loop3A_513 = arith.constant 1.000000e+00 : f32
      %parallel_loop3A_514 = vector.broadcast %parallel_loop3A_513 : f32 to vector<16xf32>
      %parallel_loop3A_515 = arith.subf %parallel_loop3A_512, %parallel_loop3A_514 : vector<16xf32>
      %parallel_loop3A_516 = arith.constant 1.000000e+00 : f32
      %parallel_loop3A_517 = vector.broadcast %parallel_loop3A_516 : f32 to vector<16xf32>
      %parallel_loop3A_518 = arith.addf %parallel_loop3A_512, %parallel_loop3A_517 : vector<16xf32>
      %parallel_loop3A_519 = arith.divf %parallel_loop3A_515, %parallel_loop3A_518 : vector<16xf32>
      %parallel_loop3A_520 = arith.mulf %parallel_loop3A_519, %parallel_loop3A_519 : vector<16xf32>
      %parallel_loop3A_521 = arith.constant 0.111111112 : f32
      %parallel_loop3A_522 = vector.broadcast %parallel_loop3A_521 : f32 to vector<16xf32>
      %parallel_loop3A_523 = arith.mulf %parallel_loop3A_520, %parallel_loop3A_522 : vector<16xf32>
      %parallel_loop3A_524 = arith.constant 0.142857149 : f32
      %parallel_loop3A_525 = vector.broadcast %parallel_loop3A_524 : f32 to vector<16xf32>
      %parallel_loop3A_526 = arith.addf %parallel_loop3A_525, %parallel_loop3A_523 : vector<16xf32>
      %parallel_loop3A_527 = arith.mulf %parallel_loop3A_520, %parallel_loop3A_526 : vector<16xf32>
      %parallel_loop3A_528 = arith.constant 2.000000e-01 : f32
      %parallel_loop3A_529 = vector.broadcast %parallel_loop3A_528 : f32 to vector<16xf32>
      %parallel_loop3A_530 = arith.addf %parallel_loop3A_529, %parallel_loop3A_527 : vector<16xf32>
      %parallel_loop3A_531 = arith.mulf %parallel_loop3A_520, %parallel_loop3A_530 : vector<16xf32>
      %parallel_loop3A_532 = arith.constant 0.333333343 : f32
      %parallel_loop3A_533 = vector.broadcast %parallel_loop3A_532 : f32 to vector<16xf32>
      %parallel_loop3A_534 = arith.addf %parallel_loop3A_533, %parallel_loop3A_531 : vector<16xf32>
      %parallel_loop3A_535 = arith.mulf %parallel_loop3A_520, %parallel_loop3A_534 : vector<16xf32>
      %parallel_loop3A_536 = arith.constant 1.000000e+00 : f32
      %parallel_loop3A_537 = vector.broadcast %parallel_loop3A_536 : f32 to vector<16xf32>
      %parallel_loop3A_538 = arith.addf %parallel_loop3A_537, %parallel_loop3A_535 : vector<16xf32>
      %parallel_loop3A_539 = arith.sitofp %parallel_loop3A_505 : vector<16xi32> to vector<16xf32>
      %parallel_loop3A_540 = arith.constant 0.693147182 : f32
      %parallel_loop3A_541 = vector.broadcast %parallel_loop3A_540 : f32 to vector<16xf32>
      %parallel_loop3A_542 = arith.mulf %parallel_loop3A_539, %parallel_loop3A_541 : vector<16xf32>
      %parallel_loop3A_543 = arith.constant 2.000000e+00 : f32
      %parallel_loop3A_544 = vector.broadcast %parallel_loop3A_543 : f32 to vector<16xf32>
      %parallel_loop3A_545 = arith.mulf %parallel_loop3A_544, %parallel_loop3A_519 : vector<16xf32>
      %parallel_loop3A_546 = arith.mulf %parallel_loop3A_545, %parallel_loop3A_538 : vector<16xf32>
      %parallel_loop3A_547 = arith.addf %parallel_loop3A_542, %parallel_loop3A_546 : vector<16xf32>
      %parallel_loop3A_548 = arith.addf %parallel_loop3A_475, %parallel_loop3A_547 : vector<16xf32>
      %parallel_loop3A_549 = arith.constant 16 : i32
      %parallel_loop3A_550 = arith.muli %parallel_loop3A_432, %parallel_loop3A_549 : i32
      %parallel_loop3A_551 = arith.index_cast %parallel_loop3A_550 : i32 to index
      %parallel_loop3A_552 = tpu.vector_load %arg24[%parallel_loop3A_551] {strides = array<i32>} : memref<64xf32, #tpu.memory_space<vmem>>, vector<16xf32>,
      tpu.vector_store %arg24[%parallel_loop3A_551], %parallel_loop3A_548 {strides = array<i32>} : memref<64xf32, #tpu.memory_space<vmem>>, vector<16xf32>,
    } {sc.loop_unroll_factor = 1 : i64, sc.parallel_access}
    %parallel_loop3A_229 = arith.constant 0 : i32
    %parallel_loop3A_230 = arith.constant 32 : i32
    %parallel_loop3A_231 = arith.constant 1 : i32
    scf.for %parallel_loop3A_432 = %parallel_loop3A_229 to %parallel_loop3A_230 step %parallel_loop3A_231  : i32 {
      %parallel_loop3A_433 = arith.constant 16 : i32
      %parallel_loop3A_434 = arith.muli %parallel_loop3A_432, %parallel_loop3A_433 : i32
      %parallel_loop3A_435 = vector.broadcast %parallel_loop3A_434 : i32 to vector<16xi32>
      %parallel_loop3A_436 = arith.addi %iota3A, %parallel_loop3A_435 : vector<16xi32>
      %parallel_loop3A_437 = arith.constant 0 : i32
      %parallel_loop3A_438 = vector.broadcast %parallel_loop3A_437 : i32 to vector<16xi32>
      %parallel_loop3A_439 = arith.addi %get3A_8, %parallel_loop3A_438 : vector<16xi32>
      %parallel_loop3A_440 = tpu.vector_load_idx %arg20[%parallel_loop3A_436, %parallel_loop3A_439] : memref<512x2xf32, #tpu.memory_space<vmem>>[vector<16xi32>, vector<16xi32>], vector<16xf32>,
      %parallel_loop3A_441 = arith.constant 1 : i32
      %parallel_loop3A_442 = vector.broadcast %parallel_loop3A_441 : i32 to vector<16xi32>
      %parallel_loop3A_443 = arith.addi %get3A_8, %parallel_loop3A_442 : vector<16xi32>
      %parallel_loop3A_444 = tpu.vector_load_idx %arg20[%parallel_loop3A_436, %parallel_loop3A_443] : memref<512x2xf32, #tpu.memory_space<vmem>>[vector<16xi32>, vector<16xi32>], vector<16xf32>,
      %parallel_loop3A_445 = arith.maximumf %parallel_loop3A_440, %parallel_loop3A_444 : vector<16xf32>
      %parallel_loop3A_446 = arith.subf %parallel_loop3A_440, %parallel_loop3A_445 : vector<16xf32>
      %parallel_loop3A_447 = math.exp %parallel_loop3A_446 : vector<16xf32>
      %parallel_loop3A_448 = arith.subf %parallel_loop3A_444, %parallel_loop3A_445 : vector<16xf32>
      %parallel_loop3A_449 = math.exp %parallel_loop3A_448 : vector<16xf32>
      %parallel_loop3A_450 = arith.addf %parallel_loop3A_447, %parallel_loop3A_449 : vector<16xf32>
      %parallel_loop3A_451 = vector.bitcast %parallel_loop3A_450 : vector<16xf32> to vector<16xi32>
      %parallel_loop3A_452 = arith.constant 23 : i32
      %parallel_loop3A_453 = vector.broadcast %parallel_loop3A_452 : i32 to vector<16xi32>
      %parallel_loop3A_454 = arith.shrsi %parallel_loop3A_451, %parallel_loop3A_453 : vector<16xi32>
      %parallel_loop3A_455 = arith.constant 127 : i32
      %parallel_loop3A_456 = vector.broadcast %parallel_loop3A_455 : i32 to vector<16xi32>
      %parallel_loop3A_457 = arith.subi %parallel_loop3A_454, %parallel_loop3A_456 : vector<16xi32>
      %parallel_loop3A_458 = arith.constant 8388607 : i32
      %parallel_loop3A_459 = vector.broadcast %parallel_loop3A_458 : i32 to vector<16xi32>
      %parallel_loop3A_460 = arith.andi %parallel_loop3A_451, %parallel_loop3A_459 : vector<16xi32>
      %parallel_loop3A_461 = arith.constant 1065353216 : i32
      %parallel_loop3A_462 = vector.broadcast %parallel_loop3A_461 : i32 to vector<16xi32>
      %parallel_loop3A_463 = arith.ori %parallel_loop3A_460, %parallel_loop3A_462 : vector<16xi32>
      %parallel_loop3A_464 = vector.bitcast %parallel_loop3A_463 : vector<16xi32> to vector<16xf32>
      %parallel_loop3A_465 = arith.constant 1.000000e+00 : f32
      %parallel_loop3A_466 = vector.broadcast %parallel_loop3A_465 : f32 to vector<16xf32>
      %parallel_loop3A_467 = arith.subf %parallel_loop3A_464, %parallel_loop3A_466 : vector<16xf32>
      %parallel_loop3A_468 = arith.constant 1.000000e+00 : f32
      %parallel_loop3A_469 = vector.broadcast %parallel_loop3A_468 : f32 to vector<16xf32>
      %parallel_loop3A_470 = arith.addf %parallel_loop3A_464, %parallel_loop3A_469 : vector<16xf32>
      %parallel_loop3A_471 = arith.divf %parallel_loop3A_467, %parallel_loop3A_470 : vector<16xf32>
      %parallel_loop3A_472 = arith.mulf %parallel_loop3A_471, %parallel_loop3A_471 : vector<16xf32>
      %parallel_loop3A_473 = arith.constant 0.111111112 : f32
      %parallel_loop3A_474 = vector.broadcast %parallel_loop3A_473 : f32 to vector<16xf32>
      %parallel_loop3A_475 = arith.mulf %parallel_loop3A_472, %parallel_loop3A_474 : vector<16xf32>
      %parallel_loop3A_476 = arith.constant 0.142857149 : f32
      %parallel_loop3A_477 = vector.broadcast %parallel_loop3A_476 : f32 to vector<16xf32>
      %parallel_loop3A_478 = arith.addf %parallel_loop3A_477, %parallel_loop3A_475 : vector<16xf32>
      %parallel_loop3A_479 = arith.mulf %parallel_loop3A_472, %parallel_loop3A_478 : vector<16xf32>
      %parallel_loop3A_480 = arith.constant 2.000000e-01 : f32
      %parallel_loop3A_481 = vector.broadcast %parallel_loop3A_480 : f32 to vector<16xf32>
      %parallel_loop3A_482 = arith.addf %parallel_loop3A_481, %parallel_loop3A_479 : vector<16xf32>
      %parallel_loop3A_483 = arith.mulf %parallel_loop3A_472, %parallel_loop3A_482 : vector<16xf32>
      %parallel_loop3A_484 = arith.constant 0.333333343 : f32
      %parallel_loop3A_485 = vector.broadcast %parallel_loop3A_484 : f32 to vector<16xf32>
      %parallel_loop3A_486 = arith.addf %parallel_loop3A_485, %parallel_loop3A_483 : vector<16xf32>
      %parallel_loop3A_487 = arith.mulf %parallel_loop3A_472, %parallel_loop3A_486 : vector<16xf32>
      %parallel_loop3A_488 = arith.constant 1.000000e+00 : f32
      %parallel_loop3A_489 = vector.broadcast %parallel_loop3A_488 : f32 to vector<16xf32>
      %parallel_loop3A_490 = arith.addf %parallel_loop3A_489, %parallel_loop3A_487 : vector<16xf32>
      %parallel_loop3A_491 = arith.sitofp %parallel_loop3A_457 : vector<16xi32> to vector<16xf32>
      %parallel_loop3A_492 = arith.constant 0.693147182 : f32
      %parallel_loop3A_493 = vector.broadcast %parallel_loop3A_492 : f32 to vector<16xf32>
      %parallel_loop3A_494 = arith.mulf %parallel_loop3A_491, %parallel_loop3A_493 : vector<16xf32>
      %parallel_loop3A_495 = arith.constant 2.000000e+00 : f32
      %parallel_loop3A_496 = vector.broadcast %parallel_loop3A_495 : f32 to vector<16xf32>
      %parallel_loop3A_497 = arith.mulf %parallel_loop3A_496, %parallel_loop3A_471 : vector<16xf32>
      %parallel_loop3A_498 = arith.mulf %parallel_loop3A_497, %parallel_loop3A_490 : vector<16xf32>
      %parallel_loop3A_499 = arith.addf %parallel_loop3A_494, %parallel_loop3A_498 : vector<16xf32>
      %parallel_loop3A_500 = arith.addf %parallel_loop3A_445, %parallel_loop3A_499 : vector<16xf32>
      %parallel_loop3A_501 = arith.constant 16 : i32
      %parallel_loop3A_502 = arith.muli %parallel_loop3A_432, %parallel_loop3A_501 : i32
      %parallel_loop3A_503 = arith.index_cast %parallel_loop3A_502 : i32 to index
      %parallel_loop3A_504 = tpu.vector_load %arg25[%parallel_loop3A_503] {strides = array<i32>} : memref<512xf32, #tpu.memory_space<vmem>>, vector<16xf32>,
      tpu.vector_store %arg25[%parallel_loop3A_503], %parallel_loop3A_500 {strides = array<i32>} : memref<512xf32, #tpu.memory_space<vmem>>, vector<16xf32>,
    } {sc.loop_unroll_factor = 4 : i64, sc.parallel_access}
    %gather3A_232 = tpu.vector_load_idx %arg22[%get3A_8] : memref<1xf32, #tpu.memory_space<vmem>>[vector<16xi32>], vector<16xf32>,
    %neg3A = arith.constant 0.000000e+00 : f32
    %neg3A_233 = vector.broadcast %neg3A : f32 to vector<16xf32>
    %neg3A_234 = arith.subf %neg3A_233, %gather3A_232 : vector<16xf32>
    %exp3A_235 = math.exp %neg3A_234 : vector<16xf32>
    %add3A_236 = arith.constant 1.000000e+00 : f32
    %add3A_237 = vector.broadcast %add3A_236 : f32 to vector<16xf32>
    %add3A_238 = arith.addf %add3A_237, %exp3A_235 : vector<16xf32>
    %div3A_239 = arith.constant 1.000000e+00 : f32
    %div3A_240 = vector.broadcast %div3A_239 : f32 to vector<16xf32>
    %div3A_241 = arith.divf %div3A_240, %add3A_238 : vector<16xf32>
    %bitcast3A_242 = vector.bitcast %div3A_241 : vector<16xf32> to vector<16xi32>
    %shift_right_arithmetic3A_243 = arith.constant 23 : i32
    %shift_right_arithmetic3A_244 = vector.broadcast %shift_right_arithmetic3A_243 : i32 to vector<16xi32>
    %shift_right_arithmetic3A_245 = arith.shrsi %bitcast3A_242, %shift_right_arithmetic3A_244 : vector<16xi32>
    %sub3A_246 = arith.constant 127 : i32
    %sub3A_247 = vector.broadcast %sub3A_246 : i32 to vector<16xi32>
    %sub3A_248 = arith.subi %shift_right_arithmetic3A_245, %sub3A_247 : vector<16xi32>
    %and3A_249 = arith.constant 8388607 : i32
    %and3A_250 = vector.broadcast %and3A_249 : i32 to vector<16xi32>
    %and3A_251 = arith.andi %bitcast3A_242, %and3A_250 : vector<16xi32>
    %or3A_252 = arith.constant 1065353216 : i32
    %or3A_253 = vector.broadcast %or3A_252 : i32 to vector<16xi32>
    %or3A_254 = arith.ori %and3A_251, %or3A_253 : vector<16xi32>
    %bitcast3A_255 = vector.bitcast %or3A_254 : vector<16xi32> to vector<16xf32>
    %sub3A_256 = arith.constant 1.000000e+00 : f32
    %sub3A_257 = vector.broadcast %sub3A_256 : f32 to vector<16xf32>
    %sub3A_258 = arith.subf %bitcast3A_255, %sub3A_257 : vector<16xf32>
    %add3A_259 = arith.constant 1.000000e+00 : f32
    %add3A_260 = vector.broadcast %add3A_259 : f32 to vector<16xf32>
    %add3A_261 = arith.addf %bitcast3A_255, %add3A_260 : vector<16xf32>
    %div3A_262 = arith.divf %sub3A_258, %add3A_261 : vector<16xf32>
    %mul3A_263 = arith.mulf %div3A_262, %div3A_262 : vector<16xf32>
    %mul3A_264 = arith.constant 0.111111112 : f32
    %mul3A_265 = vector.broadcast %mul3A_264 : f32 to vector<16xf32>
    %mul3A_266 = arith.mulf %mul3A_263, %mul3A_265 : vector<16xf32>
    %add3A_267 = arith.constant 0.142857149 : f32
    %add3A_268 = vector.broadcast %add3A_267 : f32 to vector<16xf32>
    %add3A_269 = arith.addf %add3A_268, %mul3A_266 : vector<16xf32>
    %mul3A_270 = arith.mulf %mul3A_263, %add3A_269 : vector<16xf32>
    %add3A_271 = arith.constant 2.000000e-01 : f32
    %add3A_272 = vector.broadcast %add3A_271 : f32 to vector<16xf32>
    %add3A_273 = arith.addf %add3A_272, %mul3A_270 : vector<16xf32>
    %mul3A_274 = arith.mulf %mul3A_263, %add3A_273 : vector<16xf32>
    %add3A_275 = arith.constant 0.333333343 : f32
    %add3A_276 = vector.broadcast %add3A_275 : f32 to vector<16xf32>
    %add3A_277 = arith.addf %add3A_276, %mul3A_274 : vector<16xf32>
    %mul3A_278 = arith.mulf %mul3A_263, %add3A_277 : vector<16xf32>
    %add3A_279 = arith.constant 1.000000e+00 : f32
    %add3A_280 = vector.broadcast %add3A_279 : f32 to vector<16xf32>
    %add3A_281 = arith.addf %add3A_280, %mul3A_278 : vector<16xf32>
    %convert_element_type3A_282 = arith.sitofp %sub3A_248 : vector<16xi32> to vector<16xf32>
    %mul3A_283 = arith.constant 0.693147182 : f32
    %mul3A_284 = vector.broadcast %mul3A_283 : f32 to vector<16xf32>
    %mul3A_285 = arith.mulf %convert_element_type3A_282, %mul3A_284 : vector<16xf32>
    %mul3A_286 = arith.constant 2.000000e+00 : f32
    %mul3A_287 = vector.broadcast %mul3A_286 : f32 to vector<16xf32>
    %mul3A_288 = arith.mulf %mul3A_287, %div3A_262 : vector<16xf32>
    %mul3A_289 = arith.mulf %mul3A_288, %add3A_281 : vector<16xf32>
    %add3A_290 = arith.addf %mul3A_285, %mul3A_289 : vector<16xf32>
    %sub3A_291 = arith.constant 1.000000e+00 : f32
    %sub3A_292 = vector.broadcast %sub3A_291 : f32 to vector<16xf32>
    %sub3A_293 = arith.subf %sub3A_292, %div3A_241 : vector<16xf32>
    %bitcast3A_294 = vector.bitcast %sub3A_293 : vector<16xf32> to vector<16xi32>
    %shift_right_arithmetic3A_295 = arith.constant 23 : i32
    %shift_right_arithmetic3A_296 = vector.broadcast %shift_right_arithmetic3A_295 : i32 to vector<16xi32>
    %shift_right_arithmetic3A_297 = arith.shrsi %bitcast3A_294, %shift_right_arithmetic3A_296 : vector<16xi32>
    %sub3A_298 = arith.constant 127 : i32
    %sub3A_299 = vector.broadcast %sub3A_298 : i32 to vector<16xi32>
    %sub3A_300 = arith.subi %shift_right_arithmetic3A_297, %sub3A_299 : vector<16xi32>
    %and3A_301 = arith.constant 8388607 : i32
    %and3A_302 = vector.broadcast %and3A_301 : i32 to vector<16xi32>
    %and3A_303 = arith.andi %bitcast3A_294, %and3A_302 : vector<16xi32>
    %or3A_304 = arith.constant 1065353216 : i32
    %or3A_305 = vector.broadcast %or3A_304 : i32 to vector<16xi32>
    %or3A_306 = arith.ori %and3A_303, %or3A_305 : vector<16xi32>
    %bitcast3A_307 = vector.bitcast %or3A_306 : vector<16xi32> to vector<16xf32>
    %sub3A_308 = arith.constant 1.000000e+00 : f32
    %sub3A_309 = vector.broadcast %sub3A_308 : f32 to vector<16xf32>
    %sub3A_310 = arith.subf %bitcast3A_307, %sub3A_309 : vector<16xf32>
    %add3A_311 = arith.constant 1.000000e+00 : f32
    %add3A_312 = vector.broadcast %add3A_311 : f32 to vector<16xf32>
    %add3A_313 = arith.addf %bitcast3A_307, %add3A_312 : vector<16xf32>
    %div3A_314 = arith.divf %sub3A_310, %add3A_313 : vector<16xf32>
    %mul3A_315 = arith.mulf %div3A_314, %div3A_314 : vector<16xf32>
    %mul3A_316 = arith.constant 0.111111112 : f32
    %mul3A_317 = vector.broadcast %mul3A_316 : f32 to vector<16xf32>
    %mul3A_318 = arith.mulf %mul3A_315, %mul3A_317 : vector<16xf32>
    %add3A_319 = arith.constant 0.142857149 : f32
    %add3A_320 = vector.broadcast %add3A_319 : f32 to vector<16xf32>
    %add3A_321 = arith.addf %add3A_320, %mul3A_318 : vector<16xf32>
    %mul3A_322 = arith.mulf %mul3A_315, %add3A_321 : vector<16xf32>
    %add3A_323 = arith.constant 2.000000e-01 : f32
    %add3A_324 = vector.broadcast %add3A_323 : f32 to vector<16xf32>
    %add3A_325 = arith.addf %add3A_324, %mul3A_322 : vector<16xf32>
    %mul3A_326 = arith.mulf %mul3A_315, %add3A_325 : vector<16xf32>
    %add3A_327 = arith.constant 0.333333343 : f32
    %add3A_328 = vector.broadcast %add3A_327 : f32 to vector<16xf32>
    %add3A_329 = arith.addf %add3A_328, %mul3A_326 : vector<16xf32>
    %mul3A_330 = arith.mulf %mul3A_315, %add3A_329 : vector<16xf32>
    %add3A_331 = arith.constant 1.000000e+00 : f32
    %add3A_332 = vector.broadcast %add3A_331 : f32 to vector<16xf32>
    %add3A_333 = arith.addf %add3A_332, %mul3A_330 : vector<16xf32>
    %convert_element_type3A_334 = arith.sitofp %sub3A_300 : vector<16xi32> to vector<16xf32>
    %mul3A_335 = arith.constant 0.693147182 : f32
    %mul3A_336 = vector.broadcast %mul3A_335 : f32 to vector<16xf32>
    %mul3A_337 = arith.mulf %convert_element_type3A_334, %mul3A_336 : vector<16xf32>
    %mul3A_338 = arith.constant 2.000000e+00 : f32
    %mul3A_339 = vector.broadcast %mul3A_338 : f32 to vector<16xf32>
    %mul3A_340 = arith.mulf %mul3A_339, %div3A_314 : vector<16xf32>
    %mul3A_341 = arith.mulf %mul3A_340, %add3A_333 : vector<16xf32>
    %add3A_342 = arith.addf %mul3A_337, %mul3A_341 : vector<16xf32>
    %sub3A_343 = arith.constant 11.5026197 : f32
    %sub3A_344 = vector.broadcast %sub3A_343 : f32 to vector<16xf32>
    %sub3A_345 = arith.subf %add3A_342, %sub3A_344 : vector<16xf32>
    %parallel_loop3A_346 = arith.constant 0 : i32
    %parallel_loop3A_347 = arith.constant 65 : i32
    %parallel_loop3A_348 = arith.constant 1 : i32
    scf.for %parallel_loop3A_432 = %parallel_loop3A_346 to %parallel_loop3A_347 step %parallel_loop3A_348  : i32 {
      %parallel_loop3A_433 = arith.constant 16 : i32
      %parallel_loop3A_434 = arith.muli %parallel_loop3A_432, %parallel_loop3A_433 : i32
      %parallel_loop3A_435 = vector.broadcast %parallel_loop3A_434 : i32 to vector<16xi32>
      %parallel_loop3A_436 = arith.addi %iota3A, %parallel_loop3A_435 : vector<16xi32>
      %parallel_loop3A_437 = arith.constant 1023 : i32
      %parallel_loop3A_438 = vector.broadcast %parallel_loop3A_437 : i32 to vector<16xi32>
      %parallel_loop3A_439 = arith.minsi %parallel_loop3A_436, %parallel_loop3A_438 : vector<16xi32>
      %parallel_loop3A_440 = arith.constant 7 : i32
      %parallel_loop3A_441 = vector.broadcast %parallel_loop3A_440 : i32 to vector<16xi32>
      %parallel_loop3A_442 = arith.shrsi %parallel_loop3A_439, %parallel_loop3A_441 : vector<16xi32>
      %parallel_loop3A_443 = tpu.vector_load_idx %arg17[%get3A_8, %parallel_loop3A_442] : memref<1x8xf32, #tpu.memory_space<vmem>>[vector<16xi32>, vector<16xi32>], vector<16xf32>,
      %parallel_loop3A_444 = arith.addf %add3A_290, %parallel_loop3A_443 : vector<16xf32>
      %parallel_loop3A_445 = arith.subf %parallel_loop3A_444, %add3A_110 : vector<16xf32>
      %parallel_loop3A_446 = arith.constant 7 : i32
      %parallel_loop3A_447 = vector.broadcast %parallel_loop3A_446 : i32 to vector<16xi32>
      %parallel_loop3A_448 = arith.shrsi %parallel_loop3A_439, %parallel_loop3A_447 : vector<16xi32>
      %parallel_loop3A_449 = arith.constant 4 : i32
      %parallel_loop3A_450 = vector.broadcast %parallel_loop3A_449 : i32 to vector<16xi32>
      %parallel_loop3A_451 = arith.shrsi %parallel_loop3A_439, %parallel_loop3A_450 : vector<16xi32>
      %parallel_loop3A_452 = arith.constant 7 : i32
      %parallel_loop3A_453 = vector.broadcast %parallel_loop3A_452 : i32 to vector<16xi32>
      %parallel_loop3A_454 = arith.andi %parallel_loop3A_451, %parallel_loop3A_453 : vector<16xi32>
      %parallel_loop3A_455 = tpu.vector_load_idx %arg18[%parallel_loop3A_448, %parallel_loop3A_454] : memref<8x8xf32, #tpu.memory_space<vmem>>[vector<16xi32>, vector<16xi32>], vector<16xf32>,
      %parallel_loop3A_456 = arith.addf %parallel_loop3A_445, %parallel_loop3A_455 : vector<16xf32>
      %parallel_loop3A_457 = arith.constant 7 : i32
      %parallel_loop3A_458 = vector.broadcast %parallel_loop3A_457 : i32 to vector<16xi32>
      %parallel_loop3A_459 = arith.shrsi %parallel_loop3A_439, %parallel_loop3A_458 : vector<16xi32>
      %parallel_loop3A_460 = tpu.vector_load_idx %arg23[%parallel_loop3A_459] : memref<16xf32, #tpu.memory_space<vmem>>[vector<16xi32>], vector<16xf32>,
      %parallel_loop3A_461 = arith.subf %parallel_loop3A_456, %parallel_loop3A_460 : vector<16xf32>
      %parallel_loop3A_462 = arith.constant 4 : i32
      %parallel_loop3A_463 = vector.broadcast %parallel_loop3A_462 : i32 to vector<16xi32>
      %parallel_loop3A_464 = arith.shrsi %parallel_loop3A_439, %parallel_loop3A_463 : vector<16xi32>
      %parallel_loop3A_465 = arith.constant 1 : i32
      %parallel_loop3A_466 = vector.broadcast %parallel_loop3A_465 : i32 to vector<16xi32>
      %parallel_loop3A_467 = arith.shrsi %parallel_loop3A_439, %parallel_loop3A_466 : vector<16xi32>
      %parallel_loop3A_468 = arith.constant 7 : i32
      %parallel_loop3A_469 = vector.broadcast %parallel_loop3A_468 : i32 to vector<16xi32>
      %parallel_loop3A_470 = arith.andi %parallel_loop3A_467, %parallel_loop3A_469 : vector<16xi32>
      %parallel_loop3A_471 = tpu.vector_load_idx %arg19[%parallel_loop3A_464, %parallel_loop3A_470] : memref<64x8xf32, #tpu.memory_space<vmem>>[vector<16xi32>, vector<16xi32>], vector<16xf32>,
      %parallel_loop3A_472 = arith.addf %parallel_loop3A_461, %parallel_loop3A_471 : vector<16xf32>
      %parallel_loop3A_473 = arith.constant 4 : i32
      %parallel_loop3A_474 = vector.broadcast %parallel_loop3A_473 : i32 to vector<16xi32>
      %parallel_loop3A_475 = arith.shrsi %parallel_loop3A_439, %parallel_loop3A_474 : vector<16xi32>
      %parallel_loop3A_476 = tpu.vector_load_idx %arg24[%parallel_loop3A_475] : memref<64xf32, #tpu.memory_space<vmem>>[vector<16xi32>], vector<16xf32>,
      %parallel_loop3A_477 = arith.subf %parallel_loop3A_472, %parallel_loop3A_476 : vector<16xf32>
      %parallel_loop3A_478 = arith.constant 1 : i32
      %parallel_loop3A_479 = vector.broadcast %parallel_loop3A_478 : i32 to vector<16xi32>
      %parallel_loop3A_480 = arith.shrsi %parallel_loop3A_439, %parallel_loop3A_479 : vector<16xi32>
      %parallel_loop3A_481 = arith.constant 1 : i32
      %parallel_loop3A_482 = vector.broadcast %parallel_loop3A_481 : i32 to vector<16xi32>
      %parallel_loop3A_483 = arith.andi %parallel_loop3A_439, %parallel_loop3A_482 : vector<16xi32>
      %parallel_loop3A_484 = tpu.vector_load_idx %arg20[%parallel_loop3A_480, %parallel_loop3A_483] : memref<512x2xf32, #tpu.memory_space<vmem>>[vector<16xi32>, vector<16xi32>], vector<16xf32>,
      %parallel_loop3A_485 = arith.addf %parallel_loop3A_477, %parallel_loop3A_484 : vector<16xf32>
      %parallel_loop3A_486 = arith.constant 1 : i32
      %parallel_loop3A_487 = vector.broadcast %parallel_loop3A_486 : i32 to vector<16xi32>
      %parallel_loop3A_488 = arith.shrsi %parallel_loop3A_439, %parallel_loop3A_487 : vector<16xi32>
      %parallel_loop3A_489 = tpu.vector_load_idx %arg25[%parallel_loop3A_488] : memref<512xf32, #tpu.memory_space<vmem>>[vector<16xi32>], vector<16xf32>,
      %parallel_loop3A_490 = arith.subf %parallel_loop3A_485, %parallel_loop3A_489 : vector<16xf32>
      %parallel_loop3A_491 = arith.constant 1024 : i32
      %parallel_loop3A_492 = vector.broadcast %parallel_loop3A_491 : i32 to vector<16xi32>
      %parallel_loop3A_493 = arith.cmpi slt, %parallel_loop3A_436, %parallel_loop3A_492 : vector<16xi32>
      %parallel_loop3A_494 = arith.select %parallel_loop3A_493, %parallel_loop3A_490, %sub3A_345 : vector<16xi1>, vector<16xf32>
      %parallel_loop3A_495 = arith.constant 16 : i32
      %parallel_loop3A_496 = arith.muli %parallel_loop3A_432, %parallel_loop3A_495 : i32
      %parallel_loop3A_497 = arith.index_cast %parallel_loop3A_496 : i32 to index
      %parallel_loop3A_498 = tpu.vector_load %arg26[%parallel_loop3A_497] {strides = array<i32>} : memref<1040xf32, #tpu.memory_space<vmem>>, vector<16xf32>,
      tpu.vector_store %arg26[%parallel_loop3A_497], %parallel_loop3A_494 {strides = array<i32>} : memref<1040xf32, #tpu.memory_space<vmem>>, vector<16xf32>,
    } {sc.loop_unroll_factor = 5 : i64, sc.parallel_access}
    %mul3A_349 = arith.constant 65536 : i32
    %mul3A_350 = arith.muli %add3A, %mul3A_349 : i32
    %add3A_351 = arith.constant 16384 : i32
    %add3A_352 = arith.addi %mul3A_350, %add3A_351 : i32
    %dma_start3A_353 = tpu.memref_slice %arg2[%add3A_352] : memref<2097152xi32, #tpu.memory_space<hbm>> -> memref<16384xi32, #tpu.memory_space<hbm>>
    %dma_start3A_354 = tpu.memref_slice %arg2[%add3A_352] : memref<2097152xi32, #tpu.memory_space<hbm>> -> memref<16384xi32, #tpu.memory_space<hbm>>
    tpu.enqueue_dma source(%dma_start3A_354 : memref<16384xi32, #tpu.memory_space<hbm>>) target(%arg12 : memref<16384xi32, #tpu.memory_space<vmem>>) target_semaphore(%arg28 : memref<!tpu.dma_semaphore, #tpu.memory_space<semaphore_mem>>)
    %dma_start3A_355 = tpu.memref_slice %arg3[%add3A_352] : memref<2097152xi32, #tpu.memory_space<hbm>> -> memref<16384xi32, #tpu.memory_space<hbm>>
    %dma_start3A_356 = tpu.memref_slice %arg3[%add3A_352] : memref<2097152xi32, #tpu.memory_space<hbm>> -> memref<16384xi32, #tpu.memory_space<hbm>>
    tpu.enqueue_dma source(%dma_start3A_356 : memref<16384xi32, #tpu.memory_space<hbm>>) target(%arg14 : memref<16384xi32, #tpu.memory_space<vmem>>) target_semaphore(%arg30 : memref<!tpu.dma_semaphore, #tpu.memory_space<semaphore_mem>>)
    %dma_wait3A = tpu.memref_slice %arg2[%add3A_4] : memref<2097152xi32, #tpu.memory_space<hbm>> -> memref<16384xi32, #tpu.memory_space<hbm>>
    %dma_wait3A_357 = tpu.memref_slice %arg2[%add3A_4] : memref<2097152xi32, #tpu.memory_space<hbm>> -> memref<16384xi32, #tpu.memory_space<hbm>>
    tpu.wait_dma2 semaphore(%arg27 : memref<!tpu.dma_semaphore, #tpu.memory_space<semaphore_mem>>) src(%dma_wait3A_357 : memref<16384xi32, #tpu.memory_space<hbm>>) dst(%arg11 : memref<16384xi32, #tpu.memory_space<vmem>>)
    %dma_wait3A_358 = tpu.memref_slice %arg3[%add3A_4] : memref<2097152xi32, #tpu.memory_space<hbm>> -> memref<16384xi32, #tpu.memory_space<hbm>>
    %dma_wait3A_359 = tpu.memref_slice %arg3[%add3A_4] : memref<2097152xi32, #tpu.memory_space<hbm>> -> memref<16384xi32, #tpu.memory_space<hbm>>
    tpu.wait_dma2 semaphore(%arg29 : memref<!tpu.dma_semaphore, #tpu.memory_space<semaphore_mem>>) src(%dma_wait3A_359 : memref<16384xi32, #tpu.memory_space<hbm>>) dst(%arg13 : memref<16384xi32, #tpu.memory_space<vmem>>)
    %parallel_loop3A_360 = arith.constant 0 : i32
    %parallel_loop3A_361 = arith.constant 1024 : i32
    %parallel_loop3A_362 = arith.constant 1 : i32
    scf.for %parallel_loop3A_432 = %parallel_loop3A_360 to %parallel_loop3A_361 step %parallel_loop3A_362  : i32 {
      %parallel_loop3A_433 = arith.constant 16 : i32
      %parallel_loop3A_434 = arith.muli %parallel_loop3A_432, %parallel_loop3A_433 : i32
      %parallel_loop3A_435 = arith.index_cast %parallel_loop3A_434 : i32 to index
      %parallel_loop3A_436 = tpu.vector_load %arg11[%parallel_loop3A_435] {strides = array<i32>} : memref<16384xi32, #tpu.memory_space<vmem>>, vector<16xi32>,
      %parallel_loop3A_437 = arith.constant 16 : i32
      %parallel_loop3A_438 = arith.muli %parallel_loop3A_432, %parallel_loop3A_437 : i32
      %parallel_loop3A_439 = arith.index_cast %parallel_loop3A_438 : i32 to index
      %parallel_loop3A_440 = tpu.vector_load %arg13[%parallel_loop3A_439] {strides = array<i32>} : memref<16384xi32, #tpu.memory_space<vmem>>, vector<16xi32>,
      %parallel_loop3A_441 = arith.subi %parallel_loop3A_440, %parallel_loop3A_436 : vector<16xi32>
      %parallel_loop3A_442 = math.absi %parallel_loop3A_441 : vector<16xi32>
      %parallel_loop3A_443 = arith.constant 1024 : i32
      %parallel_loop3A_444 = vector.broadcast %parallel_loop3A_443 : i32 to vector<16xi32>
      %parallel_loop3A_445 = arith.minsi %parallel_loop3A_442, %parallel_loop3A_444 : vector<16xi32>
      %parallel_loop3A_446 = tpu.vector_load_idx %arg26[%parallel_loop3A_445] : memref<1040xf32, #tpu.memory_space<vmem>>[vector<16xi32>], vector<16xf32>,
      %parallel_loop3A_447 = arith.constant 16 : i32
      %parallel_loop3A_448 = arith.muli %parallel_loop3A_432, %parallel_loop3A_447 : i32
      %parallel_loop3A_449 = arith.index_cast %parallel_loop3A_448 : i32 to index
      %parallel_loop3A_450 = tpu.vector_load %arg15[%parallel_loop3A_449] {strides = array<i32>} : memref<16384xf32, #tpu.memory_space<vmem>>, vector<16xf32>,
      tpu.vector_store %arg15[%parallel_loop3A_449], %parallel_loop3A_446 {strides = array<i32>} : memref<16384xf32, #tpu.memory_space<vmem>>, vector<16xf32>,
    } {sc.loop_unroll_factor = 8 : i64, sc.parallel_access}
    %mul3A_363 = arith.constant 65536 : i32
    %mul3A_364 = arith.muli %add3A, %mul3A_363 : i32
    %add3A_365 = arith.constant 0 : i32
    %add3A_366 = arith.addi %mul3A_364, %add3A_365 : i32
    %dma_start3A_367 = tpu.memref_slice %arg10[%add3A_366] : memref<2097152xf32, #tpu.memory_space<hbm>> -> memref<16384xf32, #tpu.memory_space<hbm>>
    %dma_start3A_368 = tpu.memref_slice %arg10[%add3A_366] : memref<2097152xf32, #tpu.memory_space<hbm>> -> memref<16384xf32, #tpu.memory_space<hbm>>
    tpu.enqueue_dma source(%arg15 : memref<16384xf32, #tpu.memory_space<vmem>>) target(%dma_start3A_368 : memref<16384xf32, #tpu.memory_space<hbm>>) target_semaphore(%arg31 : memref<!tpu.dma_semaphore, #tpu.memory_space<semaphore_mem>>)
    %mul3A_369 = arith.constant 65536 : i32
    %mul3A_370 = arith.muli %add3A, %mul3A_369 : i32
    %add3A_371 = arith.constant 32768 : i32
    %add3A_372 = arith.addi %mul3A_370, %add3A_371 : i32
    %dma_start3A_373 = tpu.memref_slice %arg2[%add3A_372] : memref<2097152xi32, #tpu.memory_space<hbm>> -> memref<16384xi32, #tpu.memory_space<hbm>>
    %dma_start3A_374 = tpu.memref_slice %arg2[%add3A_372] : memref<2097152xi32, #tpu.memory_space<hbm>> -> memref<16384xi32, #tpu.memory_space<hbm>>
    tpu.enqueue_dma source(%dma_start3A_374 : memref<16384xi32, #tpu.memory_space<hbm>>) target(%arg11 : memref<16384xi32, #tpu.memory_space<vmem>>) target_semaphore(%arg27 : memref<!tpu.dma_semaphore, #tpu.memory_space<semaphore_mem>>)
    %dma_start3A_375 = tpu.memref_slice %arg3[%add3A_372] : memref<2097152xi32, #tpu.memory_space<hbm>> -> memref<16384xi32, #tpu.memory_space<hbm>>
    %dma_start3A_376 = tpu.memref_slice %arg3[%add3A_372] : memref<2097152xi32, #tpu.memory_space<hbm>> -> memref<16384xi32, #tpu.memory_space<hbm>>
    tpu.enqueue_dma source(%dma_start3A_376 : memref<16384xi32, #tpu.memory_space<hbm>>) target(%arg13 : memref<16384xi32, #tpu.memory_space<vmem>>) target_semaphore(%arg29 : memref<!tpu.dma_semaphore, #tpu.memory_space<semaphore_mem>>)
    %dma_wait3A_377 = tpu.memref_slice %arg2[%add3A_352] : memref<2097152xi32, #tpu.memory_space<hbm>> -> memref<16384xi32, #tpu.memory_space<hbm>>
    %dma_wait3A_378 = tpu.memref_slice %arg2[%add3A_352] : memref<2097152xi32, #tpu.memory_space<hbm>> -> memref<16384xi32, #tpu.memory_space<hbm>>
    tpu.wait_dma2 semaphore(%arg28 : memref<!tpu.dma_semaphore, #tpu.memory_space<semaphore_mem>>) src(%dma_wait3A_378 : memref<16384xi32, #tpu.memory_space<hbm>>) dst(%arg12 : memref<16384xi32, #tpu.memory_space<vmem>>)
    %dma_wait3A_379 = tpu.memref_slice %arg3[%add3A_352] : memref<2097152xi32, #tpu.memory_space<hbm>> -> memref<16384xi32, #tpu.memory_space<hbm>>
    %dma_wait3A_380 = tpu.memref_slice %arg3[%add3A_352] : memref<2097152xi32, #tpu.memory_space<hbm>> -> memref<16384xi32, #tpu.memory_space<hbm>>
    tpu.wait_dma2 semaphore(%arg30 : memref<!tpu.dma_semaphore, #tpu.memory_space<semaphore_mem>>) src(%dma_wait3A_380 : memref<16384xi32, #tpu.memory_space<hbm>>) dst(%arg14 : memref<16384xi32, #tpu.memory_space<vmem>>)
    %parallel_loop3A_381 = arith.constant 0 : i32
    %parallel_loop3A_382 = arith.constant 1024 : i32
    %parallel_loop3A_383 = arith.constant 1 : i32
    scf.for %parallel_loop3A_432 = %parallel_loop3A_381 to %parallel_loop3A_382 step %parallel_loop3A_383  : i32 {
      %parallel_loop3A_433 = arith.constant 16 : i32
      %parallel_loop3A_434 = arith.muli %parallel_loop3A_432, %parallel_loop3A_433 : i32
      %parallel_loop3A_435 = arith.index_cast %parallel_loop3A_434 : i32 to index
      %parallel_loop3A_436 = tpu.vector_load %arg12[%parallel_loop3A_435] {strides = array<i32>} : memref<16384xi32, #tpu.memory_space<vmem>>, vector<16xi32>,
      %parallel_loop3A_437 = arith.constant 16 : i32
      %parallel_loop3A_438 = arith.muli %parallel_loop3A_432, %parallel_loop3A_437 : i32
      %parallel_loop3A_439 = arith.index_cast %parallel_loop3A_438 : i32 to index
      %parallel_loop3A_440 = tpu.vector_load %arg14[%parallel_loop3A_439] {strides = array<i32>} : memref<16384xi32, #tpu.memory_space<vmem>>, vector<16xi32>,
      %parallel_loop3A_441 = arith.subi %parallel_loop3A_440, %parallel_loop3A_436 : vector<16xi32>
      %parallel_loop3A_442 = math.absi %parallel_loop3A_441 : vector<16xi32>
      %parallel_loop3A_443 = arith.constant 1024 : i32
      %parallel_loop3A_444 = vector.broadcast %parallel_loop3A_443 : i32 to vector<16xi32>
      %parallel_loop3A_445 = arith.minsi %parallel_loop3A_442, %parallel_loop3A_444 : vector<16xi32>
      %parallel_loop3A_446 = tpu.vector_load_idx %arg26[%parallel_loop3A_445] : memref<1040xf32, #tpu.memory_space<vmem>>[vector<16xi32>], vector<16xf32>,
      %parallel_loop3A_447 = arith.constant 16 : i32
      %parallel_loop3A_448 = arith.muli %parallel_loop3A_432, %parallel_loop3A_447 : i32
      %parallel_loop3A_449 = arith.index_cast %parallel_loop3A_448 : i32 to index
      %parallel_loop3A_450 = tpu.vector_load %arg16[%parallel_loop3A_449] {strides = array<i32>} : memref<16384xf32, #tpu.memory_space<vmem>>, vector<16xf32>,
      tpu.vector_store %arg16[%parallel_loop3A_449], %parallel_loop3A_446 {strides = array<i32>} : memref<16384xf32, #tpu.memory_space<vmem>>, vector<16xf32>,
    } {sc.loop_unroll_factor = 8 : i64, sc.parallel_access}
    %mul3A_384 = arith.constant 65536 : i32
    %mul3A_385 = arith.muli %add3A, %mul3A_384 : i32
    %add3A_386 = arith.constant 16384 : i32
    %add3A_387 = arith.addi %mul3A_385, %add3A_386 : i32
    %dma_start3A_388 = tpu.memref_slice %arg10[%add3A_387] : memref<2097152xf32, #tpu.memory_space<hbm>> -> memref<16384xf32, #tpu.memory_space<hbm>>
    %dma_start3A_389 = tpu.memref_slice %arg10[%add3A_387] : memref<2097152xf32, #tpu.memory_space<hbm>> -> memref<16384xf32, #tpu.memory_space<hbm>>
    tpu.enqueue_dma source(%arg16 : memref<16384xf32, #tpu.memory_space<vmem>>) target(%dma_start3A_389 : memref<16384xf32, #tpu.memory_space<hbm>>) target_semaphore(%arg32 : memref<!tpu.dma_semaphore, #tpu.memory_space<semaphore_mem>>)
    %mul3A_390 = arith.constant 65536 : i32
    %mul3A_391 = arith.muli %add3A, %mul3A_390 : i32
    %add3A_392 = arith.constant 49152 : i32
    %add3A_393 = arith.addi %mul3A_391, %add3A_392 : i32
    %dma_start3A_394 = tpu.memref_slice %arg2[%add3A_393] : memref<2097152xi32, #tpu.memory_space<hbm>> -> memref<16384xi32, #tpu.memory_space<hbm>>
    %dma_start3A_395 = tpu.memref_slice %arg2[%add3A_393] : memref<2097152xi32, #tpu.memory_space<hbm>> -> memref<16384xi32, #tpu.memory_space<hbm>>
    tpu.enqueue_dma source(%dma_start3A_395 : memref<16384xi32, #tpu.memory_space<hbm>>) target(%arg12 : memref<16384xi32, #tpu.memory_space<vmem>>) target_semaphore(%arg28 : memref<!tpu.dma_semaphore, #tpu.memory_space<semaphore_mem>>)
    %dma_start3A_396 = tpu.memref_slice %arg3[%add3A_393] : memref<2097152xi32, #tpu.memory_space<hbm>> -> memref<16384xi32, #tpu.memory_space<hbm>>
    %dma_start3A_397 = tpu.memref_slice %arg3[%add3A_393] : memref<2097152xi32, #tpu.memory_space<hbm>> -> memref<16384xi32, #tpu.memory_space<hbm>>
    tpu.enqueue_dma source(%dma_start3A_397 : memref<16384xi32, #tpu.memory_space<hbm>>) target(%arg14 : memref<16384xi32, #tpu.memory_space<vmem>>) target_semaphore(%arg30 : memref<!tpu.dma_semaphore, #tpu.memory_space<semaphore_mem>>)
    %dma_wait3A_398 = tpu.memref_slice %arg2[%add3A_372] : memref<2097152xi32, #tpu.memory_space<hbm>> -> memref<16384xi32, #tpu.memory_space<hbm>>
    %dma_wait3A_399 = tpu.memref_slice %arg2[%add3A_372] : memref<2097152xi32, #tpu.memory_space<hbm>> -> memref<16384xi32, #tpu.memory_space<hbm>>
    tpu.wait_dma2 semaphore(%arg27 : memref<!tpu.dma_semaphore, #tpu.memory_space<semaphore_mem>>) src(%dma_wait3A_399 : memref<16384xi32, #tpu.memory_space<hbm>>) dst(%arg11 : memref<16384xi32, #tpu.memory_space<vmem>>)
    %dma_wait3A_400 = tpu.memref_slice %arg3[%add3A_372] : memref<2097152xi32, #tpu.memory_space<hbm>> -> memref<16384xi32, #tpu.memory_space<hbm>>
    %dma_wait3A_401 = tpu.memref_slice %arg3[%add3A_372] : memref<2097152xi32, #tpu.memory_space<hbm>> -> memref<16384xi32, #tpu.memory_space<hbm>>
    tpu.wait_dma2 semaphore(%arg29 : memref<!tpu.dma_semaphore, #tpu.memory_space<semaphore_mem>>) src(%dma_wait3A_401 : memref<16384xi32, #tpu.memory_space<hbm>>) dst(%arg13 : memref<16384xi32, #tpu.memory_space<vmem>>)
    %dma_wait3A_402 = tpu.memref_slice %arg10[%add3A_366] : memref<2097152xf32, #tpu.memory_space<hbm>> -> memref<16384xf32, #tpu.memory_space<hbm>>
    %dma_wait3A_403 = tpu.memref_slice %arg10[%add3A_366] : memref<2097152xf32, #tpu.memory_space<hbm>> -> memref<16384xf32, #tpu.memory_space<hbm>>
    tpu.wait_dma2 semaphore(%arg31 : memref<!tpu.dma_semaphore, #tpu.memory_space<semaphore_mem>>) src(%arg15 : memref<16384xf32, #tpu.memory_space<vmem>>) dst(%dma_wait3A_403 : memref<16384xf32, #tpu.memory_space<hbm>>)
    %parallel_loop3A_404 = arith.constant 0 : i32
    %parallel_loop3A_405 = arith.constant 1024 : i32
    %parallel_loop3A_406 = arith.constant 1 : i32
    scf.for %parallel_loop3A_432 = %parallel_loop3A_404 to %parallel_loop3A_405 step %parallel_loop3A_406  : i32 {
      %parallel_loop3A_433 = arith.constant 16 : i32
      %parallel_loop3A_434 = arith.muli %parallel_loop3A_432, %parallel_loop3A_433 : i32
      %parallel_loop3A_435 = arith.index_cast %parallel_loop3A_434 : i32 to index
      %parallel_loop3A_436 = tpu.vector_load %arg11[%parallel_loop3A_435] {strides = array<i32>} : memref<16384xi32, #tpu.memory_space<vmem>>, vector<16xi32>,
      %parallel_loop3A_437 = arith.constant 16 : i32
      %parallel_loop3A_438 = arith.muli %parallel_loop3A_432, %parallel_loop3A_437 : i32
      %parallel_loop3A_439 = arith.index_cast %parallel_loop3A_438 : i32 to index
      %parallel_loop3A_440 = tpu.vector_load %arg13[%parallel_loop3A_439] {strides = array<i32>} : memref<16384xi32, #tpu.memory_space<vmem>>, vector<16xi32>,
      %parallel_loop3A_441 = arith.subi %parallel_loop3A_440, %parallel_loop3A_436 : vector<16xi32>
      %parallel_loop3A_442 = math.absi %parallel_loop3A_441 : vector<16xi32>
      %parallel_loop3A_443 = arith.constant 1024 : i32
      %parallel_loop3A_444 = vector.broadcast %parallel_loop3A_443 : i32 to vector<16xi32>
      %parallel_loop3A_445 = arith.minsi %parallel_loop3A_442, %parallel_loop3A_444 : vector<16xi32>
      %parallel_loop3A_446 = tpu.vector_load_idx %arg26[%parallel_loop3A_445] : memref<1040xf32, #tpu.memory_space<vmem>>[vector<16xi32>], vector<16xf32>,
      %parallel_loop3A_447 = arith.constant 16 : i32
      %parallel_loop3A_448 = arith.muli %parallel_loop3A_432, %parallel_loop3A_447 : i32
      %parallel_loop3A_449 = arith.index_cast %parallel_loop3A_448 : i32 to index
      %parallel_loop3A_450 = tpu.vector_load %arg15[%parallel_loop3A_449] {strides = array<i32>} : memref<16384xf32, #tpu.memory_space<vmem>>, vector<16xf32>,
      tpu.vector_store %arg15[%parallel_loop3A_449], %parallel_loop3A_446 {strides = array<i32>} : memref<16384xf32, #tpu.memory_space<vmem>>, vector<16xf32>,
    } {sc.loop_unroll_factor = 8 : i64, sc.parallel_access}
    %mul3A_407 = arith.constant 65536 : i32
    %mul3A_408 = arith.muli %add3A, %mul3A_407 : i32
    %add3A_409 = arith.constant 32768 : i32
    %add3A_410 = arith.addi %mul3A_408, %add3A_409 : i32
    %dma_start3A_411 = tpu.memref_slice %arg10[%add3A_410] : memref<2097152xf32, #tpu.memory_space<hbm>> -> memref<16384xf32, #tpu.memory_space<hbm>>
    %dma_start3A_412 = tpu.memref_slice %arg10[%add3A_410] : memref<2097152xf32, #tpu.memory_space<hbm>> -> memref<16384xf32, #tpu.memory_space<hbm>>
    tpu.enqueue_dma source(%arg15 : memref<16384xf32, #tpu.memory_space<vmem>>) target(%dma_start3A_412 : memref<16384xf32, #tpu.memory_space<hbm>>) target_semaphore(%arg31 : memref<!tpu.dma_semaphore, #tpu.memory_space<semaphore_mem>>)
    %dma_wait3A_413 = tpu.memref_slice %arg2[%add3A_393] : memref<2097152xi32, #tpu.memory_space<hbm>> -> memref<16384xi32, #tpu.memory_space<hbm>>
    %dma_wait3A_414 = tpu.memref_slice %arg2[%add3A_393] : memref<2097152xi32, #tpu.memory_space<hbm>> -> memref<16384xi32, #tpu.memory_space<hbm>>
    tpu.wait_dma2 semaphore(%arg28 : memref<!tpu.dma_semaphore, #tpu.memory_space<semaphore_mem>>) src(%dma_wait3A_414 : memref<16384xi32, #tpu.memory_space<hbm>>) dst(%arg12 : memref<16384xi32, #tpu.memory_space<vmem>>)
    %dma_wait3A_415 = tpu.memref_slice %arg3[%add3A_393] : memref<2097152xi32, #tpu.memory_space<hbm>> -> memref<16384xi32, #tpu.memory_space<hbm>>
    %dma_wait3A_416 = tpu.memref_slice %arg3[%add3A_393] : memref<2097152xi32, #tpu.memory_space<hbm>> -> memref<16384xi32, #tpu.memory_space<hbm>>
    tpu.wait_dma2 semaphore(%arg30 : memref<!tpu.dma_semaphore, #tpu.memory_space<semaphore_mem>>) src(%dma_wait3A_416 : memref<16384xi32, #tpu.memory_space<hbm>>) dst(%arg14 : memref<16384xi32, #tpu.memory_space<vmem>>)
    %dma_wait3A_417 = tpu.memref_slice %arg10[%add3A_387] : memref<2097152xf32, #tpu.memory_space<hbm>> -> memref<16384xf32, #tpu.memory_space<hbm>>
    %dma_wait3A_418 = tpu.memref_slice %arg10[%add3A_387] : memref<2097152xf32, #tpu.memory_space<hbm>> -> memref<16384xf32, #tpu.memory_space<hbm>>
    tpu.wait_dma2 semaphore(%arg32 : memref<!tpu.dma_semaphore, #tpu.memory_space<semaphore_mem>>) src(%arg16 : memref<16384xf32, #tpu.memory_space<vmem>>) dst(%dma_wait3A_418 : memref<16384xf32, #tpu.memory_space<hbm>>)
    %parallel_loop3A_419 = arith.constant 0 : i32
    %parallel_loop3A_420 = arith.constant 1024 : i32
    %parallel_loop3A_421 = arith.constant 1 : i32
    scf.for %parallel_loop3A_432 = %parallel_loop3A_419 to %parallel_loop3A_420 step %parallel_loop3A_421  : i32 {
      %parallel_loop3A_433 = arith.constant 16 : i32
      %parallel_loop3A_434 = arith.muli %parallel_loop3A_432, %parallel_loop3A_433 : i32
      %parallel_loop3A_435 = arith.index_cast %parallel_loop3A_434 : i32 to index
      %parallel_loop3A_436 = tpu.vector_load %arg12[%parallel_loop3A_435] {strides = array<i32>} : memref<16384xi32, #tpu.memory_space<vmem>>, vector<16xi32>,
      %parallel_loop3A_437 = arith.constant 16 : i32
      %parallel_loop3A_438 = arith.muli %parallel_loop3A_432, %parallel_loop3A_437 : i32
      %parallel_loop3A_439 = arith.index_cast %parallel_loop3A_438 : i32 to index
      %parallel_loop3A_440 = tpu.vector_load %arg14[%parallel_loop3A_439] {strides = array<i32>} : memref<16384xi32, #tpu.memory_space<vmem>>, vector<16xi32>,
      %parallel_loop3A_441 = arith.subi %parallel_loop3A_440, %parallel_loop3A_436 : vector<16xi32>
      %parallel_loop3A_442 = math.absi %parallel_loop3A_441 : vector<16xi32>
      %parallel_loop3A_443 = arith.constant 1024 : i32
      %parallel_loop3A_444 = vector.broadcast %parallel_loop3A_443 : i32 to vector<16xi32>
      %parallel_loop3A_445 = arith.minsi %parallel_loop3A_442, %parallel_loop3A_444 : vector<16xi32>
      %parallel_loop3A_446 = tpu.vector_load_idx %arg26[%parallel_loop3A_445] : memref<1040xf32, #tpu.memory_space<vmem>>[vector<16xi32>], vector<16xf32>,
      %parallel_loop3A_447 = arith.constant 16 : i32
      %parallel_loop3A_448 = arith.muli %parallel_loop3A_432, %parallel_loop3A_447 : i32
      %parallel_loop3A_449 = arith.index_cast %parallel_loop3A_448 : i32 to index
      %parallel_loop3A_450 = tpu.vector_load %arg16[%parallel_loop3A_449] {strides = array<i32>} : memref<16384xf32, #tpu.memory_space<vmem>>, vector<16xf32>,
      tpu.vector_store %arg16[%parallel_loop3A_449], %parallel_loop3A_446 {strides = array<i32>} : memref<16384xf32, #tpu.memory_space<vmem>>, vector<16xf32>,
    } {sc.loop_unroll_factor = 8 : i64, sc.parallel_access}
    %mul3A_422 = arith.constant 65536 : i32
    %mul3A_423 = arith.muli %add3A, %mul3A_422 : i32
    %add3A_424 = arith.constant 49152 : i32
    %add3A_425 = arith.addi %mul3A_423, %add3A_424 : i32
    %dma_start3A_426 = tpu.memref_slice %arg10[%add3A_425] : memref<2097152xf32, #tpu.memory_space<hbm>> -> memref<16384xf32, #tpu.memory_space<hbm>>
    %dma_start3A_427 = tpu.memref_slice %arg10[%add3A_425] : memref<2097152xf32, #tpu.memory_space<hbm>> -> memref<16384xf32, #tpu.memory_space<hbm>>
    tpu.enqueue_dma source(%arg16 : memref<16384xf32, #tpu.memory_space<vmem>>) target(%dma_start3A_427 : memref<16384xf32, #tpu.memory_space<hbm>>) target_semaphore(%arg32 : memref<!tpu.dma_semaphore, #tpu.memory_space<semaphore_mem>>)
    %dma_wait3A_428 = tpu.memref_slice %arg10[%add3A_410] : memref<2097152xf32, #tpu.memory_space<hbm>> -> memref<16384xf32, #tpu.memory_space<hbm>>
    %dma_wait3A_429 = tpu.memref_slice %arg10[%add3A_410] : memref<2097152xf32, #tpu.memory_space<hbm>> -> memref<16384xf32, #tpu.memory_space<hbm>>
    tpu.wait_dma2 semaphore(%arg31 : memref<!tpu.dma_semaphore, #tpu.memory_space<semaphore_mem>>) src(%arg15 : memref<16384xf32, #tpu.memory_space<vmem>>) dst(%dma_wait3A_429 : memref<16384xf32, #tpu.memory_space<hbm>>)
    %dma_wait3A_430 = tpu.memref_slice %arg10[%add3A_425] : memref<2097152xf32, #tpu.memory_space<hbm>> -> memref<16384xf32, #tpu.memory_space<hbm>>
    %dma_wait3A_431 = tpu.memref_slice %arg10[%add3A_425] : memref<2097152xf32, #tpu.memory_space<hbm>> -> memref<16384xf32, #tpu.memory_space<hbm>>
    tpu.wait_dma2 semaphore(%arg32 : memref<!tpu.dma_semaphore, #tpu.memory_space<semaphore_mem>>) src(%arg16 : memref<16384xf32, #tpu.memory_space<vmem>>) dst(%dma_wait3A_431 : memref<16384xf32, #tpu.memory_space<hbm>>)
    return
  }
}

</mosaic_0001>

<sc_bundles>
// kernel: kernel.3.cloned.1.call-start
scs
__scs_entry_jumppad:
0x0: {  	(pc) =	sbr.rel $0x88, $3  }
0x1: {  	(tag) =	ssettag $0x0;
	lr =	simm.s32 $0x1  }
0x2: {  	[smem:$0x3F9B] =	sst lr;
	_ =	strace $0xD0000000  }
0x3: {  	_ = 	snop  }
0x4: {  	_ = 	snop  }
0x5: {  	_ = 	snop  }
0x6: {  	_ = 	snop  }
0x7: {  	_ = 	snop  }
__scs_overlays_trampoline_lowered:
0x8: {  	[smem:$0x3FAA] =	sst s0  }
0x9: {  	[smem:$0x3FAB] =	sst s1  }
0xa: {  	[smem:$0x3FAC] =	sst s2  }
0xb: {  	[smem:$0x3FAD] =	sst s3  }
0xc: {  	[smem:$0x3FAE] =	sst s4  }
0xd: {  	[smem:$0x3FAF] =	sst s5  }
0xe: {  	[smem:$0x3FB0] =	sst s6  }
0xf: {  	[smem:$0x3FB1] =	sst s7  }
0x10: {  	[smem:$0x3FB2] =	sst s8  }
0x11: {  	[smem:$0x3FB3] =	sst s9;
	s0 =	simm.s32 @!p0 $0x0  }
0x12: {  	s1 =	sld [smem:$0x3F99];
	s0 =	simm.s32 @p0 $0x1  }
0x13: {  	[smem:$0x3FB4] =	sst s0;
	s0 =	simm.s32 @!p1 $0x0  }
0x14: {  	s2 =	sld [smem:$0x3F98];
	s0 =	simm.s32 @p1 $0x1  }
0x15: {  	[smem:$0x3FB5] =	sst s0;
	s0 =	simm.s32 @!p2 $0x0  }
0x16: {  	s3 =	sld [smem:$0x3FDB];
	s0 =	simm.s32 @p2 $0x1  }
0x17: {  	s4 =	simm.s32 $0x1BF5;
	[smem:$0x3FB7] =	sst s0  }
0x18: {  	s0 =	sld [smem:$0x3F9A];
	_ =	swait.ge [sflag:s4], $0x0  }
0x19: {  	s7 =	sld [smem:$0x3F9B]  }
0x1a: {  	s8 =	sadd.s32 $0xFFFFE003, lr  }
0x1b: {  	s9 =	sadd.s32 $0xFFFFFEF7, lr;
	s5 =	simm.s32 $0xFFFFFFFF;
	p2 =	slt.u32 s8, $0xFFFFF086  }
0x1c: {  	p1 =	slt.u32 s9, $0xF7A;
	s5 =	simm.s32 @!p2 $0x0  }
0x1d: {  	s5 =	simm.s32 @p1 $0x1;
	p0 =	seq.s32 s7, s2  }
0x1e: {  	s7 =	smul.u32 @!p0 $0xF7A, s2;
	p2 =	seq.s32 @!p0 s5, $0x0  }
0x1f: {  	s9 =	smul.u32 $0xF7A, s1;
	s8 =	simm.s32 @!p0 $0x1BF5;
	p2 =	por !p2, p0  }
0x20: {  	[sflag:s8] =	ssyncset.s32 @!p0 $0xFFFFF086;
	s6 =	sadd.s32 @!p0 s3, s7;
	s7 =	simm.s32 @!p0 $0x108  }
0x21: {  	s3 =	sadd.s32 s3, s9;
	s6 =	sadd.s32 @!p0 $0x88, s6;
	s7 =	simm.s32 @p2 $0x1082  }
0x22: {  	[simem:s7], [sflag:s8] =	dma.local @!p0 [hbm:s6], $0xF7A  }
0x23: {  	s9 =	sor.u32 $0xD0000000, s2;
	s6 =	simm.s32 $0x108;
	_ =	swait.ge @!p0 [sflag:s8], $0x0  }
0x24: {  	s3 =	sadd.s32 $0x88, s3;
	s6 =	simm.s32 @!p1 $0x1082;
	[sflag:s4] =	ssyncset.s32 $0xFFFFF086  }
0x25: {  	[simem:s6], [sflag:s4] =	dma.local [hbm:s3], $0xF7A  }
0x26: {  	[smem:$0x3F9B] =	sst s1;
	(tag) =	ssettag s2;
	_ =	strace s9  }
0x27: {  	s1 =	sld [smem:$0x3FAB]  }
0x28: {  	s2 =	sld [smem:$0x3FAC]  }
0x29: {  	s4 =	sld [smem:$0x3FAE]  }
0x2a: {  	p0 =	seq.s32 s5, $0x0;
	s5 =	sld [smem:$0x3FAF]  }
0x2b: {  	s6 =	sld [smem:$0x3FB0]  }
0x2c: {  	s7 =	sld [smem:$0x3FB1]  }
0x2d: {  	s3 =	simm.s32 $0x108;
	s8 =	sld [smem:$0x3FB2]  }
0x2e: {  	s3 =	simm.s32 @!p0 $0x1082;
	s9 =	sld [smem:$0x3FB3]  }
0x2f: {  	lr =	sadd.s32 s0, s3;
	s0 =	sld [smem:$0x3FAA]  }
0x30: {  	s3 =	sld [smem:$0x3FAD]  }
0x31: {  	[smem:$0x3FB6] =	sst s10  }
0x32: {  	s10 =	sld [smem:$0x3FB4];
	_ =	sdelay $0x3  }
0x33: {  	p0 =	seq.s32 s10, $0x1;
	s10 =	sld [smem:$0x3FB6];
	_ =	sdelay $0x3  }
0x34: {  	[smem:$0x3FB6] =	sst s10  }
0x35: {  	s10 =	sld [smem:$0x3FB5];
	_ =	sdelay $0x3  }
0x36: {  	p1 =	seq.s32 s10, $0x1;
	s10 =	sld [smem:$0x3FB6];
	_ =	sdelay $0x3  }
0x37: {  	[smem:$0x3FB6] =	sst s10  }
0x38: {  	s10 =	sld [smem:$0x3FB7]  }
0x39: {  	_ = 	snop;
	(pc) =	sbr.ind lr, $3  }
0x3a: {  	_ = 	snop  }
0x3b: {  	_ = 	snop  }
0x3c: {  	p2 =	seq.s32 s10, $0x1;
	s10 =	sld [smem:$0x3FB6]  }
0x3d: {  	_ =	shalt  }
0x3e: {  	_ =	shalt  }
0x3f: {  	_ =	shalt  }
0x40: {  	_ =	shalt  }
0x41: {  	_ =	shalt  }
0x42: {  	_ =	shalt  }
0x43: {  	_ =	shalt  }
0x44: {  	_ =	shalt  }
0x45: {  	_ =	shalt  }
0x46: {  	_ =	shalt  }
0x47: {  	_ =	shalt  }
0x48: {  	_ =	shalt  }
0x49: {  	_ =	shalt  }
0x4a: {  	_ =	shalt  }
0x4b: {  	_ =	shalt  }
0x4c: {  	_ =	shalt  }
0x4d: {  	_ =	shalt  }
0x4e: {  	_ =	shalt  }
0x4f: {  	_ =	shalt  }
0x50: {  	_ =	shalt  }
0x51: {  	_ =	shalt  }
0x52: {  	_ =	shalt  }
0x53: {  	_ =	shalt  }
0x54: {  	_ =	shalt  }
0x55: {  	_ =	shalt  }
0x56: {  	_ =	shalt  }
0x57: {  	_ =	shalt  }
0x58: {  	_ =	shalt  }
0x59: {  	_ =	shalt  }
0x5a: {  	_ =	shalt  }
0x5b: {  	_ =	shalt  }
0x5c: {  	_ =	shalt  }
0x5d: {  	_ =	shalt  }
0x5e: {  	_ =	shalt  }
0x5f: {  	_ =	shalt  }
0x60: {  	_ =	shalt  }
0x61: {  	_ =	shalt  }
0x62: {  	_ =	shalt  }
0x63: {  	_ =	shalt  }
0x64: {  	_ =	shalt  }
0x65: {  	_ =	shalt  }
0x66: {  	_ =	shalt  }
0x67: {  	_ =	shalt  }
0x68: {  	_ =	shalt  }
0x69: {  	_ =	shalt  }
0x6a: {  	_ =	shalt  }
0x6b: {  	_ =	shalt  }
0x6c: {  	_ =	shalt  }
0x6d: {  	_ =	shalt  }
0x6e: {  	_ =	shalt  }
0x6f: {  	_ =	shalt  }
0x70: {  	_ =	shalt  }
0x71: {  	_ =	shalt  }
0x72: {  	_ =	shalt  }
0x73: {  	_ =	shalt  }
0x74: {  	_ =	shalt  }
0x75: {  	_ =	shalt  }
0x76: {  	_ =	shalt  }
0x77: {  	_ =	shalt  }
0x78: {  	_ =	shalt  }
0x79: {  	_ =	shalt  }
0x7a: {  	_ =	shalt  }
0x7b: {  	_ =	shalt  }
0x7c: {  	_ =	shalt  }
0x7d: {  	_ =	shalt  }
0x7e: {  	_ =	shalt  }
0x7f: {  	_ =	shalt  }
0x80: {  	_ =	shalt  }
0x81: {  	_ =	shalt  }
0x82: {  	_ =	shalt  }
0x83: {  	_ =	shalt  }
0x84: {  	_ =	shalt  }
0x85: {  	_ =	shalt  }
0x86: {  	_ =	shalt  }
0x87: {  	_ =	shalt  }
.Lfunc_end0:
.L_simem_size_0:
called_computation_lowered:
.L_overlay_start_0:
0x88: {  	s2 =	sld [smem:$0x3FD9]  }
0x89: {  	s3 =	sld [smem:$0x3FFE];
	_ =	sdelay $0x1  }
0x8a: {  	s1 =	srdreg.scid  }
0x8b: {  	s0 =	sand.u32 $0x1, s1  }
0x8c: {  	s17 =	sshll.u32 s0, $0xA;
	s2 =	sadd.s32 s3, s2  }
0x8d: {  	s2 =	sadd.s32 s2, s17  }
0x8e: {  	[smem:$0x3FC2] =	sst s2  }
0x8f: {  	_ = 	snop  }
0x90: {  	s2 =	sld [smem:$0x3FC8]  }
0x91: {  	s18 =	sld [smem:$0x3FC4]  }
0x92: {  	s4 =	sld [smem:$0x3FD0];
	(tm) =	ssettm $0x1  }
0x93: {  	s5 =	sld [smem:$0x3FFB];
	_ =	sdelay $0x3  }
0x94: {  	_ =	strace s5  }
0x95: {  	s5 =	sld [smem:$0x3FFC];
	_ =	sdelay $0x3  }
0x96: {  	_ =	strace s5  }
0x97: {  	s5 =	sld [smem:$0x3FFD];
	_ =	sdelay $0x3  }
0x98: {  	_ =	strace s5  }
0x99: {  	_ =	strace $0x8FFFFFFF  }
0x9a: {  	s19 =	sld [smem:$0x3FDB];
	_ =	sdelay $0x1  }
0x9b: {  	s6 =	simm.s32 $_scs_section_size  }
0x9c: {  	s7 =	simm.s32 $_size__tile_overlayer_lowered;
	s8 =	simm.s32 $_tile_overlayer_lowered  }
0x9d: {  	s22 =	simm.s32 $0x1BFF;
	s21 =	sshll.u32 s8, $0x1;
	s5 =	sadd.s32 s6, s19  }
0x9e: {  	s9 =	simm.s32 $0x0;
	s20 =	sshll.u32 s7, $0x1;
	s7 =	sadd.s32 s21, s5  }
0x9f: {  	[timem:s9], [sflag:s22] =	dma.local [hbm:s7], s20  }
0xa0: {  	_ =	swait.ge [sflag:s22], s20  }
0xa1: {  	s6 =	ssub.s32 $0x0, s20;
	[sflag:s22] =	ssyncset.done $0x0  }
0xa2: {  	[sflag:s22] =	ssyncadd.s32 s6;
	_ =	sdelay $0x1  }
0xa3: {  	s23 =	simm.s32 $0x1B8B  }
0xa4: {  	_ =	swait.ge [sflag:s23], $0x1  }
0xa5: {  	[sflag:s23] =	ssyncset.done $0x0  }
0xa6: {  	s25 =	simm.s32 $0x1B8E;
	s24 =	sld [smem:$0x3FFE];
	[sflag:s23] =	ssyncadd.s32 $0xFFFFFFFF  }
0xa7: {  	s26 =	simm.s32 $execute0_lowered;
	[smem:$0x3FD2] =	sst s25  }
0xa8: {  	s7 =	sshll.u32 s26, $0x1;
	_ =	strace $0x80000046;
	[dreg:$0x1] =	wrdreg $0xFFFFFFFF  }
0xa9: {  	s28 =	simm.s32 $_size_execute0_lowered;
	s5 =	sadd.s32 s5, s7;
	[dreg:$0x0] =	wrdreg $0x0  }
0xaa: {  	s7 =	sshll.u32 s28, $0x1;
	[dreg:$0x2] =	wrdreg s5  }
0xab: {  	[dreg:$0x3] =	wrdreg s7  }
0xac: {  	[dreg:$0x4] =	wrdreg $0xC0  }
0xad: {  	_ =	task [dreg:s9], $0x5FFFF  }
0xae: {  	[dreg:$0x1] =	wrdreg $0xFFFFFFFF  }
0xaf: {  	[dreg:$0x0] =	wrdreg $0x60  }
0xb0: {  	[dreg:$0x2] =	wrdreg s24  }
0xb1: {  	[dreg:$0x3] =	wrdreg s2  }
0xb2: {  	[dreg:$0x4] =	wrdreg s18  }
0xb3: {  	[dreg:$0x5] =	wrdreg s4  }
0xb4: {  	[dreg:$0x6] =	wrdreg $0x9  }
0xb5: {  	_ =	task.clear_ibuf [dreg:s9], $0x7FFFF;
	_ =	strace $0x90000046  }
0xb6: {  	s29 =	simm.s32 $0x9;
	_ =	strace $0x80000048  }
0xb7: {  	_ =	swait.ge [sflag:s29], $0x1  }
0xb8: {  	[sflag:s29] =	ssyncadd.s32 $0xFFFFFFFF  }
0xb9: {  	_ =	strace $0x90000048  }
0xba: {  	_ =	sfence  }
0xbb: {  	s30 =	sld [smem:$0x0];
	_ =	sdelay $0x2  }
0xbc: {  	s31 =	sshll.u32 s1, $0xD;
	s1 =	sshrl.u32 s1, $0x2  }
0xbd: {  	s3 =	sand.u32 $0x4000, s31;
	s1 =	sadd.s32 s1, s30  }
0xbe: {  	s0 =	sor.u32 s3, s0;
	s1 =	sshll.u32 s1, $0x11  }
0xbf: {  	s0 =	sor.u32 s1, s0  }
0xc0: {  	s0 =	sadd.s32 $0x8F2B, s0  }
0xc1: {  	[sflag:s0] =	ssyncadd.remote.s32 $0x1  }
0xc2: {  	_ =	sfence.sel $0xFFFF  }
0xc3: {  	[dreg:$0x0] =	wrdreg $0xFFFFFFFF;
	(pc) =	sbr.abs _section_cstart, $3  }
0xc4: {  	[dreg:$0x1] =	wrdreg $0xFFFFFFFF  }
0xc5: {  	_ =	task.clear_ibuf [dreg:s9], $0x2FFFF;
	_ =	strace $0x9FFFFFFF  }
0xc6: {  	(tm) =	ssettm $0x7FFFFFFF  }
0xc7: {  	_ =	shalt  }
tec
execute0_lowered:
.L_overlay_start_1:
0x0: {  	(tag) =	ssettag $0x1  }
0x1: {  	s0 =	rddreg [dreg:$0x0]  }
0x2: {  	s1 =	rddreg [dreg:$0x3]  }
0x3: {  	s3 =	simm.s32 $0x0;
	s5 =	srdreg.scid;
	s8 =	stileid.u32  }
0x4: {  	s28 =	simm.s32 $0x18248;
	s31 =	simm.s32 $0x19260;
	s29 =	simm.s32 $0x1  }
0x5: {  	s30 =	simm.s32 $0x194B0;
	[smem:$0x7FF] =	sst s3;
	s2 =	sadd.s32 $0x40C00, s0  }
0x6: {  	s4 =	sadd.s32 $0xC00, s0;
	s6 =	sadd.s32 $0x600, s0;
	s12 =	sadd.s32 $0x800, s0  }
0x7: {  	s5 =	sand.u32 $0x1, s5;
	_ =	strace $0x80000047;
	[dreg:$0x5] =	wrdreg s6  }
0x8: {  	s13 =	sadd.s32 $0xA00, s0;
	s8 =	sshll.u32 s8, $0xE;
	[dreg:$0x6] =	wrdreg s12  }
0x9: {  	s0 =	sadd.s32 $0x80C00, s0;
	[dreg:$0x7] =	wrdreg s13;
	s14 =	ssub.s32 $0x2, s5  }
0xa: {  	s5 =	sshll.u32 s5, $0xD;
	[dreg:$0x8] =	wrdreg s0;
	s13 =	simm.s32 $0x8000  }
0xb: {  	s0 =	simm.s32 $0x19270;
	s7 =	sshrl.u32 s14, $0x1;
	s5 =	sor.u32 s5, s8  }
0xc: {  	s6 =	simm.s32 $0x0;
	s15 =	ssub.s32 s14, s7;
	s19 =	sadd.s32 s2, s5  }
0xd: {  	s20 =	sadd.s32 s4, s5;
	s21 =	sor.u32 $0x800, s5;
	s24 =	sor.u32 $0x1000, s5  }
0xe: {  	s8 =	sadd.s32 s1, s5;
	s5 =	sor.u32 $0x1800, s5;
	[dreg:$0x9] =	wrdreg s19  }
0xf: {  	s7 =	simm.s32 $0x6;
	[dreg:$0xa] =	wrdreg s20;
	s22 =	sadd.s32 s2, s21  }
0x10: {  	s23 =	sadd.s32 s4, s21;
	[dreg:$0xd] =	wrdreg s8;
	s25 =	sadd.s32 s2, s24  }
0x11: {  	s26 =	sadd.s32 s4, s24;
	s16 =	sadd.s32 s1, s21;
	s17 =	sadd.s32 s2, s5  }
0x12: {  	s18 =	sadd.s32 s4, s5;
	s19 =	sadd.s32 s1, s24;
	s20 =	sadd.s32 s1, s5  }
0x13: {  	s21 =	smax.u32 s15, $0x1;
	s24 =	simm.s32 $0x7;
	[dreg:$0xb] =	wrdreg s22  }
0x14: {  	s15 =	simm.s32 $0x19258;
	s4 =	simm.s32 $0x192B0;
	[dreg:$0xc] =	wrdreg s23  }
0x15: {  	v0 =	vlaneseq.u32;
	s2 =	simm.s32 $0x2;
	s5 =	simm.s32 $0x4;
	[dreg:$0xe] =	wrdreg s25  }
0x16: {  	v1 =	vand.u32 $0x7, v0;
	s1 =	simm.s32 $0x5;
	[dreg:$0xf] =	wrdreg s26;
	s23 =	simm.s32 $0x18000  }
0x17: {  	v2 =	vmul.u32 $0x8, v0;
	v1 =	vmul.u32 $0x8, v1;
	s25 =	simm.s32 $0x18008;
	s26 =	simm.s32 $0x18048;
	s22 =	simm.s32 $0x3  }
.LBB2_1:
0x18: {  	s8 =	rddreg [dreg:$0x9]  }
0x19: {  	[tilespmem:s3], [sflag:$0x1] =	stream.linear.gather [hbm4b:s8+s3], $0x4000, $0x38;
	[tilespmem:$0x198C0] =	vst v63  }
0x1a: {  	s12 =	rddreg [dreg:$0xa]  }
0x1b: {  	[tilespmem:s13], [sflag:$0x3] =	stream.linear.gather [hbm4b:s12+s3], $0x4000, $0x38;
	[tilespmem:$0x198C0] =	vst v63  }
0x1c: {  	s14 =	rddreg [dreg:$0x1]  }
0x1d: {  	[tilespmem:s23], [sflag:$0x7] =	stream.linear.gather [hbm4b:s14+s3], $0x8, $0x38;
	[tilespmem:$0x198C0] =	vst v63  }
0x1e: {  	_ =	swait.ge [sflag:s24], $0x8  }
0x1f: {  	[sflag:s24] =	ssyncset.done $0x0  }
0x20: {  	s9 =	rddreg [dreg:$0x5];
	[sflag:s24] =	ssyncadd.s32 $0xFFFFFFF8  }
0x21: {  	[tilespmem:s25], [sflag:$0x7] =	stream.linear.gather [hbm4b:s9+s3], $0x40, $0x38;
	[tilespmem:$0x198C0] =	vst v63  }
0x22: {  	_ =	swait.ge [sflag:s24], $0x40  }
0x23: {  	[sflag:s24] =	ssyncset.done $0x0  }
0x24: {  	s10 =	rddreg [dreg:$0x6];
	[sflag:s24] =	ssyncadd.s32 $0xFFFFFFC0  }
0x25: {  	[tilespmem:s26], [sflag:$0x7] =	stream.linear.gather [hbm4b:s10+s3], $0x200, $0x38;
	[tilespmem:$0x198C0] =	vst v63  }
0x26: {  	_ =	swait.ge [sflag:s24], $0x200  }
0x27: {  	[sflag:s24] =	ssyncset.done $0x0  }
0x28: {  	s11 =	rddreg [dreg:$0x7];
	[sflag:s24] =	ssyncadd.s32 $0xFFFFFE00  }
0x29: {  	[tilespmem:s28], [sflag:$0x7] =	stream.linear.gather [hbm4b:s11+s3], $0x1000, $0x38;
	[tilespmem:$0x198C0] =	vst v63  }
0x2a: {  	_ =	swait.ge [sflag:s24], $0x1000  }
0x2b: {  	[sflag:s24] =	ssyncset.done $0x0  }
0x2c: {  	s9 =	simm.s32 $0x19248;
	s12 =	rddreg [dreg:$0x8];
	[sflag:s24] =	ssyncadd.s32 $0xFFFFF000  }
0x2d: {  	[tilespmem:s9], [sflag:$0x7] =	stream.linear.gather [hbm4b:s12+s3], $0x10, $0x38;
	[tilespmem:$0x198C0] =	vst v63  }
0x2e: {  	_ =	swait.ge [sflag:s24], $0x10  }
0x2f: {  	[sflag:s24] =	ssyncset.done $0x0  }
0x30: {  	[sflag:s24] =	ssyncadd.s32 $0xFFFFFFF0  }
0x31: {  	s13 =	rddreg [dreg:$0x2]  }
0x32: {  	[tilespmem:s15], [sflag:$0x7] =	stream.linear.gather [hbm4b:s13+s3], $0x8, $0x38;
	[tilespmem:$0x198C0] =	vst v63  }
0x33: {  	_ =	swait.ge [sflag:s24], $0x8  }
0x34: {  	[sflag:s24] =	ssyncset.done $0x0  }
0x35: {  	[sflag:s24] =	ssyncadd.s32 $0xFFFFFFF8  }
0x36: {  	v4 =	vld [tilespmem:$0x19248];
	_ =	sdelay $0x4  }
0x37: {  	v6 =	vand.u32 $0xFFFFFFF8, v4;
	v7 =	vand.u32 $0x7, v4;
	v5 =	vadd.s32 $0x1, v4  }
0x38: {  	v14 =	vadd.s32 $0x2, v4;
	v15 =	vadd.s32 $0x3, v4;
	v16 =	vadd.s32 $0x4, v4  }
0x39: {  	v17 =	vadd.s32 $0x5, v4;
	v18 =	vadd.s32 $0x6, v4;
	v8 =	vand.u32 $0xFFFFFFF8, v5  }
0x3a: {  	v9 =	vand.u32 $0x7, v5;
	v10 =	vand.u32 $0xFFFFFFF8, v14;
	v11 =	vand.u32 $0x7, v14  }
0x3b: {  	v12 =	vand.u32 $0xFFFFFFF8, v15;
	v13 =	vand.u32 $0x7, v15;
	v20 =	vand.u32 $0xFFFFFFF8, v16  }
0x3c: {  	v21 =	vand.u32 $0x7, v16;
	v22 =	vand.u32 $0xFFFFFFF8, v17;
	v3 =	vor.u32 v7, v6  }
0x3d: {  	v23 =	vand.u32 $0x7, v17;
	v3 =	vadd.s32 v1, v3;
	v19 =	vor.u32 v9, v8  }
0x3e: {  	v24 =	vand.u32 $0xFFFFFFF8, v18;
	v25 =	vadd.s32 v1, v19;
	v19 =	vor.u32 v11, v10  }
0x3f: {  	v26 =	vand.u32 $0x7, v18;
	v28 =	vor.u32 v13, v12;
	v27 =	vadd.s32 v1, v19  }
0x40: {  	v29 =	vor.u32 v21, v20;
	v31 =	vor.u32 v23, v22;
	v28 =	vadd.s32 v1, v28  }
0x41: {  	v33 =	vor.u32 v26, v24;
	v29 =	vadd.s32 v1, v29;
	v19 =	vadd.s32 $0x7, v4  }
0x42: {  	v31 =	vadd.s32 v1, v31;
	v30 =	vand.u32 $0xFFFFFFF8, v19;
	v32 =	vand.u32 $0x7, v19;
	v3 =	vld.idx.msk [tilespmem:v3+s25+$0x0], $0xffff  }
0x43: {  	v33 =	vadd.s32 v1, v33;
	v34 =	vor.u32 v32, v30;
	v25 =	vld.idx.msk [tilespmem:v25+s25+$0x0], $0xffff  }
0x44: {  	v34 =	vadd.s32 v1, v34;
	v27 =	vld.idx.msk [tilespmem:v27+s25+$0x0], $0xffff  }
0x45: {  	v28 =	vld.idx.msk [tilespmem:v28+s25+$0x0], $0xffff  }
0x46: {  	v29 =	vld.idx.msk [tilespmem:v29+s25+$0x0], $0xffff  }
0x47: {  	v31 =	vld.idx.msk [tilespmem:v31+s25+$0x0], $0xffff  }
0x48: {  	v33 =	vld.idx.msk [tilespmem:v33+s25+$0x0], $0xffff;
	v35 =	vmax.f32 v3, v25  }
0x49: {  	v34 =	vld.idx.msk [tilespmem:v34+s25+$0x0], $0xffff;
	v35 =	vmax.f32 v35, v27  }
0x4a: {  	v35 =	vmax.f32 v35, v28  }
0x4b: {  	v35 =	vmax.f32 v35, v29  }
0x4c: {  	v35 =	vmax.f32 v35, v31  }
0x4d: {  	v35 =	vmax.f32 v35, v33  }
0x4e: {  	v35 =	vmax.f32 v35, v34  }
0x4f: {  	v3 =	vsub.f32 v3, v35  }
0x50: {  	v25 =	vsub.f32 v25, v35  }
0x51: {  	v3 =	vmul.f32 $1.442695020e+00, v3  }
0x52: {  	v27 =	vsub.f32 v27, v35;
	v25 =	vmul.f32 $1.442695020e+00, v25  }
0x53: {  	(erf) = vpow2.f32 v3  }
0x54: {  	v3 =	vmul.f32 $1.442695020e+00, v27;
	(erf) = vpow2.f32 v25;
	v25 =	vsub.f32 v28, v35;
	_ =	sdelay $0x1  }
0x55: {  	(erf) = vpow2.f32 v3;
	v3 =	vmul.f32 $1.442695020e+00, v25;
	v25 =	vsub.f32 v29, v35;
	_ =	sdelay $0x1  }
0x56: {  	(erf) = vpow2.f32 v3;
	v3 =	vmul.f32 $1.442695020e+00, v25;
	v25 =	vsub.f32 v31, v35;
	_ =	sdelay $0x1  }
0x57: {  	(erf) = vpow2.f32 v3;
	v3 =	vmul.f32 $1.442695020e+00, v25;
	v25 =	vsub.f32 v33, v35;
	_ =	sdelay $0x1  }
0x58: {  	v27 =	vpop (erf);
	(erf) = vpow2.f32 v3;
	v3 =	vmul.f32 $1.442695020e+00, v25;
	v25 =	vsub.f32 v34, v35;
	_ =	sdelay $0x1  }
0x59: {  	v50 =	vpop (erf)  }
0x5a: {  	v27 =	vadd.f32 v50, v27;
	(erf) = vpow2.f32 v3;
	v3 =	vmul.f32 $1.442695020e+00, v25  }
0x5b: {  	v25 =	vpop (erf)  }
0x5c: {  	v25 =	vadd.f32 v27, v25  }
0x5d: {  	(erf) = vpow2.f32 v3  }
0x5e: {  	v3 =	vpop (erf)  }
0x5f: {  	v3 =	vadd.f32 v25, v3  }
0x60: {  	v25 =	vpop (erf)  }
0x61: {  	v3 =	vadd.f32 v3, v25  }
0x62: {  	v25 =	vpop (erf)  }
0x63: {  	v3 =	vadd.f32 v3, v25  }
0x64: {  	v25 =	vpop (erf)  }
0x65: {  	v3 =	vadd.f32 v3, v25  }
0x66: {  	v25 =	vpop (erf)  }
0x67: {  	v25 =	vadd.f32 v3, v25;
	_ =	sdelay $0x1  }
0x68: {  	v3 =	vand.u32 $0x7FFFFF, v25  }
0x69: {  	v3 =	vor.u32 $0x3F800000, v3  }
0x6a: {  	v27 =	vadd.f32 $1.000000000e+00, v3;
	_ =	sdelay $0x1  }
0x6b: {  	(erf) = vrcp.f32 v27;
	_ =	sdelay $0x7  }
0x6c: {  	v3 =	vadd.f32 $-1.000000000e+00, v3  }
0x6d: {  	v27 =	vpop (erf)  }
0x6e: {  	v27 =	vmul.f32 v27, v3;
	_ =	sdelay $0x1  }
0x6f: {  	v51 =	vmul.f32 v27, v27;
	_ =	sdelay $0x1  }
0x70: {  	v3 =	vmul.f32 $1.111111120e-01, v51;
	_ =	sdelay $0x1  }
0x71: {  	v3 =	vadd.f32 $1.428571490e-01, v3;
	_ =	sdelay $0x1  }
0x72: {  	v52 =	vmul.f32 v3, v51;
	_ =	sdelay $0x1  }
0x73: {  	v3 =	vshll.u32 v4, $0x3;
	v29 =	vadd.f32 $2.000000030e-01, v52  }
0x74: {  	v6 =	vadd.s32 v6, v3  }
0x75: {  	v8 =	vadd.s32 v3, v8;
	v10 =	vadd.s32 v3, v10;
	v29 =	vmul.f32 v29, v51  }
0x76: {  	v6 =	vor.u32 v7, v6;
	v7 =	vor.u32 v9, v8;
	v8 =	vor.u32 v11, v10  }
0x77: {  	v9 =	vadd.s32 v3, v12;
	v10 =	vadd.s32 v3, v20;
	v11 =	vadd.f32 $3.333333430e-01, v29  }
0x78: {  	v9 =	vor.u32 v13, v9;
	v20 =	vor.u32 v21, v10;
	v10 =	vadd.s32 v3, v22  }
0x79: {  	v21 =	vor.u32 v23, v10;
	v10 =	vshra.s32 v25, $0x17;
	v11 =	vmul.f32 v11, v51  }
0x7a: {  	v22 =	vadd.s32 v3, v24;
	v24 =	vadd.f32 v27, v27;
	v10 =	vadd.s32 $0xFFFFFF81, v10  }
0x7b: {  	v23 =	vadd.s32 v3, v30;
	v10 =	vcvt.s32.f32 v10;
	v12 =	vld.idx.msk [tilespmem:v6+s23+$0x0], $0xffff;
	v6 =	vadd.f32 $1.000000000e+00, v11  }
0x7c: {  	v13 =	vld.idx.msk [tilespmem:v7+s23+$0x0], $0xffff;
	v7 =	vor.u32 v26, v22;
	v22 =	vor.u32 v32, v23;
	v23 =	vmov s3  }
0x7d: {  	v23 =	vshll.u32 v23, $0x3;
	v11 =	vld.idx.msk [tilespmem:v8+s23+$0x0], $0xffff;
	v8 =	vmul.f32 $6.931471820e-01, v10;
	v6 =	vmul.f32 v6, v24  }
0x7e: {  	v23 =	vor.u32 v2, v23;
	v10 =	vld.idx.msk [tilespmem:v9+s23+$0x0], $0xffff  }
0x7f: {  	v9 =	vld.idx.msk [tilespmem:v20+s23+$0x0], $0xffff;
	v20 =	vadd.s32 v4, v23;
	v6 =	vadd.f32 v6, v8  }
0x80: {  	v8 =	vld.idx.msk [tilespmem:v21+s23+$0x0], $0xffff;
	v21 =	vadd.s32 v5, v23  }
0x81: {  	v25 =	vadd.s32 v14, v23;
	v24 =	vadd.f32 v6, v35  }
0x82: {  	v6 =	vld.idx.msk [tilespmem:v22+s23+$0x0], $0xffff;
	v22 =	vadd.s32 v15, v23  }
0x83: {  	v7 =	vld.idx.msk [tilespmem:v7+s23+$0x0], $0xffff;
	[tilespmem:$0x19260] =	vst v24;
	v24 =	vadd.s32 v16, v23  }
0x84: {  	v26 =	vadd.s32 v17, v23;
	v27 =	vld.idx.msk [tilespmem:v20+s26+$0x0], $0xffff  }
0x85: {  	v20 =	vadd.s32 v18, v23;
	v21 =	vld.idx.msk [tilespmem:v21+s26+$0x0], $0xffff  }
0x86: {  	v23 =	vadd.s32 v19, v23;
	v25 =	vld.idx.msk [tilespmem:v25+s26+$0x0], $0xffff  }
0x87: {  	v22 =	vld.idx.msk [tilespmem:v22+s26+$0x0], $0xffff  }
0x88: {  	v24 =	vld.idx.msk [tilespmem:v24+s26+$0x0], $0xffff  }
0x89: {  	v26 =	vld.idx.msk [tilespmem:v26+s26+$0x0], $0xffff  }
0x8a: {  	v53 =	vld.idx.msk [tilespmem:v20+s26+$0x0], $0xffff;
	v20 =	vmax.f32 v27, v21  }
0x8b: {  	v23 =	vld.idx.msk [tilespmem:v23+s26+$0x0], $0xffff;
	v20 =	vmax.f32 v20, v25  }
0x8c: {  	v20 =	vmax.f32 v20, v22  }
0x8d: {  	v20 =	vmax.f32 v20, v24  }
0x8e: {  	v20 =	vmax.f32 v20, v26  }
0x8f: {  	v20 =	vmax.f32 v20, v53  }
0x90: {  	v20 =	vmax.f32 v20, v23  }
0x91: {  	v27 =	vsub.f32 v27, v20  }
0x92: {  	v21 =	vsub.f32 v21, v20  }
0x93: {  	v27 =	vmul.f32 $1.442695020e+00, v27  }
0x94: {  	v25 =	vsub.f32 v25, v20;
	v21 =	vmul.f32 $1.442695020e+00, v21  }
0x95: {  	(erf) = vpow2.f32 v27  }
0x96: {  	v22 =	vsub.f32 v22, v20;
	v25 =	vmul.f32 $1.442695020e+00, v25;
	(erf) = vpow2.f32 v21;
	_ =	sdelay $0x1  }
0x97: {  	v22 =	vmul.f32 $1.442695020e+00, v22;
	v21 =	vsub.f32 v24, v20;
	(erf) = vpow2.f32 v25  }
0x98: {  	v24 =	vsub.f32 v26, v20  }
0x99: {  	v21 =	vmul.f32 $1.442695020e+00, v21;
	(erf) = vpow2.f32 v22  }
0x9a: {  	v22 =	vsub.f32 v53, v20;
	v24 =	vmul.f32 $1.442695020e+00, v24  }
0x9b: {  	(erf) = vpow2.f32 v21  }
0x9c: {  	v22 =	vmul.f32 $1.442695020e+00, v22  }
0x9d: {  	v21 =	vsub.f32 v23, v20;
	(erf) = vpow2.f32 v24;
	v23 =	vpop (erf)  }
0x9e: {  	v24 =	vpop (erf)  }
0x9f: {  	v21 =	vmul.f32 $1.442695020e+00, v21;
	(erf) = vpow2.f32 v22;
	v23 =	vadd.f32 v24, v23  }
0xa0: {  	v22 =	vpop (erf)  }
0xa1: {  	(erf) = vpow2.f32 v21;
	v21 =	vadd.f32 v23, v22  }
0xa2: {  	v22 =	vpop (erf)  }
0xa3: {  	v21 =	vadd.f32 v21, v22  }
0xa4: {  	s14 =	simm.s32 $0x10;
	v22 =	vpop (erf)  }
0xa5: {  	v23 =	vmov s14;
	v21 =	vadd.f32 v21, v22  }
0xa6: {  	v22 =	vpop (erf)  }
0xa7: {  	v21 =	vadd.f32 v21, v22;
	v22 =	vshll.u32 v23, $0x3  }
0xa8: {  	v23 =	vpop (erf);
	v22 =	vor.u32 v2, v22  }
0xa9: {  	v21 =	vadd.f32 v21, v23;
	v23 =	vadd.s32 v4, v22  }
0xaa: {  	v24 =	vpop (erf);
	v25 =	vadd.s32 v5, v22  }
0xab: {  	v24 =	vadd.f32 v21, v24;
	v21 =	vadd.s32 v14, v22  }
0xac: {  	v26 =	vadd.s32 v15, v22  }
0xad: {  	v54 =	vadd.s32 v16, v22;
	v27 =	vand.u32 $0x7FFFFF, v24  }
0xae: {  	v55 =	vadd.s32 v17, v22;
	v27 =	vor.u32 $0x3F800000, v27;
	v23 =	vld.idx.msk [tilespmem:v23+s26+$0x0], $0xffff  }
0xaf: {  	v57 =	vadd.s32 v18, v22;
	v25 =	vld.idx.msk [tilespmem:v25+s26+$0x0], $0xffff;
	v56 =	vadd.f32 $1.000000000e+00, v27  }
0xb0: {  	v22 =	vadd.s32 v19, v22;
	v58 =	vld.idx.msk [tilespmem:v21+s26+$0x0], $0xffff  }
0xb1: {  	v26 =	vld.idx.msk [tilespmem:v26+s26+$0x0], $0xffff;
	(erf) = vrcp.f32 v56  }
0xb2: {  	v28 =	vld.idx.msk [tilespmem:v54+s26+$0x0], $0xffff  }
0xb3: {  	v29 =	vld.idx.msk [tilespmem:v55+s26+$0x0], $0xffff  }
0xb4: {  	v59 =	vld.idx.msk [tilespmem:v57+s26+$0x0], $0xffff;
	v21 =	vmax.f32 v23, v25  }
0xb5: {  	v22 =	vld.idx.msk [tilespmem:v22+s26+$0x0], $0xffff;
	v21 =	vmax.f32 v21, v58  }
0xb6: {  	v21 =	vmax.f32 v21, v26  }
0xb7: {  	v21 =	vmax.f32 v21, v28  }
0xb8: {  	v21 =	vmax.f32 v21, v29  }
0xb9: {  	v27 =	vadd.f32 $-1.000000000e+00, v27;
	v21 =	vmax.f32 v21, v59  }
0xba: {  	v60 =	vpop (erf);
	v21 =	vmax.f32 v21, v22  }
0xbb: {  	v27 =	vmul.f32 v60, v27;
	v23 =	vsub.f32 v23, v21  }
0xbc: {  	v25 =	vsub.f32 v25, v21  }
0xbd: {  	v31 =	vmul.f32 v27, v27;
	v23 =	vmul.f32 $1.442695020e+00, v23  }
0xbe: {  	v32 =	vsub.f32 v58, v21;
	v25 =	vmul.f32 $1.442695020e+00, v25  }
0xbf: {  	v61 =	vmul.f32 $1.111111120e-01, v31;
	(erf) = vpow2.f32 v23  }
0xc0: {  	v26 =	vsub.f32 v26, v21;
	v23 =	vmul.f32 $1.442695020e+00, v32;
	(erf) = vpow2.f32 v25  }
0xc1: {  	v28 =	vsub.f32 v28, v21;
	v25 =	vadd.f32 $1.428571490e-01, v61  }
0xc2: {  	v26 =	vmul.f32 $1.442695020e+00, v26;
	(erf) = vpow2.f32 v23  }
0xc3: {  	v23 =	vmul.f32 v25, v31;
	v25 =	vmul.f32 $1.442695020e+00, v28  }
0xc4: {  	(erf) = vpow2.f32 v26  }
0xc5: {  	(erf) = vpow2.f32 v25;
	v25 =	vsub.f32 v29, v21  }
0xc6: {  	v23 =	vadd.f32 $2.000000030e-01, v23  }
0xc7: {  	v25 =	vmul.f32 $1.442695020e+00, v25  }
0xc8: {  	v26 =	vsub.f32 v59, v21;
	v23 =	vmul.f32 v23, v31;
	v62 =	vpop (erf)  }
0xc9: {  	v22 =	vsub.f32 v22, v21;
	v63 =	vpop (erf);
	(erf) = vpow2.f32 v25  }
0xca: {  	v26 =	vmul.f32 $1.442695020e+00, v26;
	v23 =	vadd.f32 $3.333333430e-01, v23;
	v28 =	vadd.f32 v63, v62  }
0xcb: {  	v24 =	vshra.s32 v24, $0x17;
	v22 =	vmul.f32 $1.442695020e+00, v22;
	v25 =	vpop (erf)  }
0xcc: {  	(erf) = vpow2.f32 v26;
	v23 =	vmul.f32 v23, v31;
	v25 =	vadd.f32 v28, v25  }
0xcd: {  	v24 =	vadd.s32 $0xFFFFFF81, v24;
	(erf) = vpow2.f32 v22  }
0xce: {  	v24 =	vcvt.s32.f32 v24;
	v27 =	vadd.f32 v27, v27;
	v23 =	vadd.f32 $1.000000000e+00, v23  }
0xcf: {  	v26 =	vpop (erf)  }
0xd0: {  	s8 =	simm.s32 $0x19270;
	s10 =	simm.s32 $0x20;
	s9 =	simm.s32 $0x19270;
	v22 =	vmul.f32 $6.931471820e-01, v24;
	v24 =	vadd.f32 v25, v26;
	v23 =	vmul.f32 v23, v27;
	v25 =	vpop (erf)  }
.LBB2_2:
0xd1: {  	p0 =	sne.s32 s10, $0x30  }
0xd2: {  	s8 =	sadd.s32 $0x10, s8;
	s11 =	smov.u32 s10;
	s10 =	sadd.s32 $0x10, s10;
	v24 =	vadd.f32 v24, v25;
	v25 =	vpop (erf);
	v22 =	vadd.f32 v23, v22  }
0xd3: {  	v27 =	vmov s11  }
0xd4: {  	v26 =	vshll.u32 v27, $0x3;
	v24 =	vadd.f32 v24, v25;
	v22 =	vadd.f32 v22, v20;
	v20 =	vmovc v21  }
0xd5: {  	v21 =	vor.u32 v2, v26;
	v23 =	vpop (erf)  }
0xd6: {  	v25 =	vadd.s32 v4, v21;
	v26 =	vadd.s32 v5, v21;
	v27 =	vadd.s32 v14, v21;
	v28 =	vpop (erf);
	[tilespmem:s9+$0x0] =	vst v22;
	s9 =	smov.u32 s8  }
0xd7: {  	v29 =	vadd.s32 v16, v21;
	v22 =	vadd.s32 v15, v21;
	v23 =	vadd.f32 v24, v23  }
0xd8: {  	v30 =	vadd.s32 v18, v21;
	v24 =	vadd.s32 v17, v21;
	v21 =	vadd.s32 v19, v21  }
0xd9: {  	v23 =	vadd.f32 v23, v28;
	_ =	sdelay $0x1  }
0xda: {  	v28 =	vshra.s32 v23, $0x17;
	v23 =	vand.u32 $0x7FFFFF, v23;
	v27 =	vld.idx.msk [tilespmem:v27+s26+$0x0], $0xffff  }
0xdb: {  	v28 =	vadd.s32 $0xFFFFFF81, v28;
	v23 =	vor.u32 $0x3F800000, v23;
	v25 =	vld.idx.msk [tilespmem:v25+s26+$0x0], $0xffff  }
0xdc: {  	v31 =	vadd.f32 $1.000000000e+00, v23;
	v28 =	vcvt.s32.f32 v28;
	v26 =	vld.idx.msk [tilespmem:v26+s26+$0x0], $0xffff;
	_ =	sdelay $0x1  }
0xdd: {  	v22 =	vld.idx.msk [tilespmem:v22+s26+$0x0], $0xffff;
	(erf) = vrcp.f32 v31  }
0xde: {  	v29 =	vld.idx.msk [tilespmem:v29+s26+$0x0], $0xffff  }
0xdf: {  	v24 =	vld.idx.msk [tilespmem:v24+s26+$0x0], $0xffff  }
0xe0: {  	v30 =	vld.idx.msk [tilespmem:v30+s26+$0x0], $0xffff  }
0xe1: {  	v31 =	vld.idx.msk [tilespmem:v21+s26+$0x0], $0xffff;
	v21 =	vmax.f32 v25, v26  }
0xe2: {  	v21 =	vmax.f32 v21, v27  }
0xe3: {  	v23 =	vadd.f32 $-1.000000000e+00, v23;
	v21 =	vmax.f32 v21, v22  }
0xe4: {  	v21 =	vmax.f32 v21, v29  }
0xe5: {  	v21 =	vmax.f32 v21, v24  }
0xe6: {  	v21 =	vmax.f32 v21, v30;
	v32 =	vpop (erf)  }
0xe7: {  	v21 =	vmax.f32 v21, v31;
	v23 =	vmul.f32 v32, v23  }
0xe8: {  	v25 =	vsub.f32 v25, v21;
	v26 =	vsub.f32 v26, v21  }
0xe9: {  	v27 =	vsub.f32 v27, v21;
	v22 =	vsub.f32 v22, v21;
	v32 =	vmul.f32 v23, v23  }
0xea: {  	v29 =	vsub.f32 v29, v21;
	v25 =	vmul.f32 $1.442695020e+00, v25;
	v26 =	vmul.f32 $1.442695020e+00, v26  }
0xeb: {  	v24 =	vsub.f32 v24, v21;
	v27 =	vmul.f32 $1.442695020e+00, v27;
	v33 =	vmul.f32 $1.111111120e-01, v32  }
0xec: {  	v30 =	vsub.f32 v30, v21;
	v22 =	vmul.f32 $1.442695020e+00, v22;
	(erf) = vpow2.f32 v25  }
0xed: {  	v25 =	vmul.f32 $1.442695020e+00, v29;
	(erf) = vpow2.f32 v26;
	v26 =	vadd.f32 $1.428571490e-01, v33  }
0xee: {  	v24 =	vmul.f32 $1.442695020e+00, v24;
	v29 =	vsub.f32 v31, v21;
	(erf) = vpow2.f32 v27  }
0xef: {  	v27 =	vmul.f32 $1.442695020e+00, v30;
	v26 =	vmul.f32 v26, v32  }
0xf0: {  	v29 =	vmul.f32 $1.442695020e+00, v29;
	(erf) = vpow2.f32 v22  }
0xf1: {  	v22 =	vadd.f32 $2.000000030e-01, v26  }
0xf2: {  	(erf) = vpow2.f32 v25  }
0xf3: {  	v22 =	vmul.f32 v22, v32  }
0xf4: {  	(erf) = vpow2.f32 v24  }
0xf5: {  	v24 =	vpop (erf);
	v22 =	vadd.f32 $3.333333430e-01, v22  }
0xf6: {  	v23 =	vadd.f32 v23, v23;
	v25 =	vpop (erf)  }
.Ltmp0:
0xf7: {  	v24 =	vadd.f32 v25, v24;
	v25 =	vpop (erf);
	(erf) = vpow2.f32 v27;
	v22 =	vmul.f32 v22, v32;
	(pc) =	sbr.rel @p0 .LBB2_2-.Ltmp0, $3  }
0xf8: {  	(erf) = vpow2.f32 v29  }
0xf9: {  	v24 =	vadd.f32 v24, v25;
	v25 =	vpop (erf);
	v26 =	vadd.f32 $1.000000000e+00, v22;
	v22 =	vmul.f32 $6.931471820e-01, v28;
	_ =	sdelay $0x1  }
0xfa: {  	v24 =	vadd.f32 v24, v25;
	v25 =	vpop (erf);
	v23 =	vmul.f32 v26, v23  }
0xfb: {  	_ = 	snop  }
0xfc: {  	v14 =	vadd.f32 v24, v25  }
0xfd: {  	v15 =	vpop (erf)  }
0xfe: {  	v14 =	vadd.f32 v14, v15  }
0xff: {  	v15 =	vpop (erf)  }
0x100: {  	v14 =	vadd.f32 v14, v15  }
0x101: {  	v15 =	vpop (erf)  }
0x102: {  	v14 =	vadd.f32 v14, v15;
	_ =	sdelay $0x1  }
0x103: {  	v15 =	vand.u32 $0x7FFFFF, v14  }
0x104: {  	v15 =	vor.u32 $0x3F800000, v15  }
0x105: {  	v16 =	vadd.f32 $1.000000000e+00, v15;
	_ =	sdelay $0x1  }
0x106: {  	(erf) = vrcp.f32 v16;
	_ =	sdelay $0x7  }
0x107: {  	v15 =	vadd.f32 $-1.000000000e+00, v15  }
0x108: {  	v16 =	vpop (erf)  }
0x109: {  	v15 =	vmul.f32 v16, v15;
	_ =	sdelay $0x1  }
0x10a: {  	v16 =	vmul.f32 v15, v15;
	_ =	sdelay $0x1  }
0x10b: {  	v17 =	vmul.f32 $1.111111120e-01, v16;
	_ =	sdelay $0x1  }
0x10c: {  	v17 =	vadd.f32 $1.428571490e-01, v17;
	_ =	sdelay $0x1  }
0x10d: {  	v17 =	vmul.f32 v17, v16;
	_ =	sdelay $0x1  }
0x10e: {  	v17 =	vadd.f32 $2.000000030e-01, v17;
	_ =	sdelay $0x1  }
0x10f: {  	v17 =	vmul.f32 v17, v16;
	_ =	sdelay $0x1  }
0x110: {  	v17 =	vadd.f32 $3.333333430e-01, v17;
	_ =	sdelay $0x1  }
0x111: {  	v14 =	vshra.s32 v14, $0x17;
	v16 =	vmul.f32 v17, v16  }
0x112: {  	v14 =	vadd.s32 $0xFFFFFF81, v14  }
0x113: {  	s10 =	simm.s32 $0x10;
	v14 =	vcvt.s32.f32 v14;
	v15 =	vadd.f32 v15, v15;
	v16 =	vadd.f32 $1.000000000e+00, v16  }
0x114: {  	v17 =	vmov s10  }
0x115: {  	s13 =	simm.s32 $0x20;
	v14 =	vmul.f32 $6.931471820e-01, v14;
	v15 =	vmul.f32 v16, v15;
	v16 =	vshll.u32 v17, $0x3  }
0x116: {  	v18 =	vmov s13;
	v17 =	vadd.f32 v23, v22;
	v16 =	vor.u32 v2, v16  }
0x117: {  	v14 =	vadd.f32 v15, v14;
	v15 =	vshll.u32 v18, $0x3;
	v18 =	vadd.s32 v5, v16  }
0x118: {  	v17 =	vadd.f32 v17, v20;
	v16 =	vadd.s32 v4, v16;
	v15 =	vor.u32 v2, v15  }
0x119: {  	v14 =	vadd.f32 v14, v21;
	v19 =	vadd.s32 v4, v15  }
0x11a: {  	s8 =	sadd.s32 $0x10, s8;
	[tilespmem:s9+$0x0] =	vst v17;
	v15 =	vadd.s32 v5, v15  }
0x11b: {  	s14 =	simm.s32 $0x30;
	[tilespmem:s8+$0x0] =	vst v14  }
0x11c: {  	v14 =	vmov s14;
	v17 =	vld.idx.msk [tilespmem:v18+s28+$0x0], $0xffff  }
0x11d: {  	v14 =	vshll.u32 v14, $0x3;
	v16 =	vld.idx.msk [tilespmem:v16+s28+$0x0], $0xffff  }
0x11e: {  	v14 =	vor.u32 v2, v14;
	v19 =	vld.idx.msk [tilespmem:v19+s28+$0x0], $0xffff  }
0x11f: {  	v18 =	vadd.s32 v5, v14;
	v14 =	vadd.s32 v4, v14;
	v15 =	vld.idx.msk [tilespmem:v15+s28+$0x0], $0xffff;
	_ =	sdelay $0x3  }
0x120: {  	v21 =	vmax.f32 v16, v17  }
0x121: {  	v22 =	vld.idx.msk [tilespmem:v14+s28+$0x0], $0xffff;
	v14 =	vsub.f32 v16, v21;
	v20 =	vmax.f32 v19, v15  }
0x122: {  	s10 =	simm.s32 $0x0;
	v18 =	vld.idx.msk [tilespmem:v18+s28+$0x0], $0xffff;
	v16 =	vsub.f32 v19, v20  }
0x123: {  	v17 =	vsub.f32 v17, v21;
	v19 =	vmov s10;
	v14 =	vmul.f32 $1.442695020e+00, v14  }
0x124: {  	v15 =	vsub.f32 v15, v20;
	v19 =	vshll.u32 v19, $0x3;
	v16 =	vmul.f32 $1.442695020e+00, v16  }
0x125: {  	v17 =	vmul.f32 $1.442695020e+00, v17;
	v19 =	vor.u32 v2, v19;
	(erf) = vpow2.f32 v14  }
0x126: {  	v15 =	vmul.f32 $1.442695020e+00, v15;
	(erf) = vpow2.f32 v16;
	v16 =	vadd.s32 v4, v19  }
0x127: {  	v14 =	vmax.f32 v22, v18;
	v19 =	vadd.s32 v5, v19;
	(erf) = vpow2.f32 v17  }
0x128: {  	v17 =	vsub.f32 v22, v14  }
0x129: {  	v18 =	vsub.f32 v18, v14;
	(erf) = vpow2.f32 v15  }
0x12a: {  	v15 =	vmul.f32 $1.442695020e+00, v17  }
0x12b: {  	v17 =	vmul.f32 $1.442695020e+00, v18;
	v18 =	vld.idx.msk [tilespmem:v16+s28+$0x0], $0xffff  }
0x12c: {  	(erf) = vpow2.f32 v15;
	v15 =	vld.idx.msk [tilespmem:v19+s28+$0x0], $0xffff;
	_ =	sdelay $0x1  }
0x12d: {  	(erf) = vpow2.f32 v17;
	v16 =	vpop (erf)  }
0x12e: {  	v17 =	vpop (erf)  }
0x12f: {  	v19 =	vpop (erf)  }
0x130: {  	v19 =	vadd.f32 v19, v16;
	v16 =	vmax.f32 v18, v15  }
0x131: {  	v22 =	vpop (erf);
	v18 =	vsub.f32 v18, v16  }
0x132: {  	v17 =	vadd.f32 v22, v17;
	v22 =	vand.u32 $0x7FFFFF, v19  }
0x133: {  	v15 =	vsub.f32 v15, v16;
	v18 =	vmul.f32 $1.442695020e+00, v18;
	v22 =	vor.u32 $0x3F800000, v22  }
0x134: {  	v24 =	vadd.f32 $1.000000000e+00, v22  }
0x135: {  	v23 =	vpop (erf);
	v15 =	vmul.f32 $1.442695020e+00, v15;
	v26 =	vand.u32 $0x7FFFFF, v17;
	(erf) = vpow2.f32 v18  }
0x136: {  	v25 =	vpop (erf);
	v18 =	vor.u32 $0x3F800000, v26;
	(erf) = vrcp.f32 v24  }
0x137: {  	s13 =	simm.s32 $0x70;
	v23 =	vadd.f32 v25, v23;
	v24 =	vadd.f32 $1.000000000e+00, v18;
	(erf) = vpow2.f32 v15  }
0x138: {  	v29 =	vmov s13  }
0x139: {  	v29 =	vshll.u32 v29, $0x3;
	v25 =	vand.u32 $0x7FFFFF, v23;
	(erf) = vrcp.f32 v24  }
0x13a: {  	s11 =	simm.s32 $0x50;
	v29 =	vor.u32 v2, v29;
	v15 =	vor.u32 $0x3F800000, v25  }
0x13b: {  	v31 =	vadd.s32 v4, v29;
	s14 =	simm.s32 $0x40;
	v25 =	vmov s11;
	v24 =	vadd.f32 $1.000000000e+00, v15  }
0x13c: {  	s12 =	simm.s32 $0x60;
	v29 =	vadd.s32 v5, v29;
	v52 =	vmov s14;
	v25 =	vshll.u32 v25, $0x3  }
0x13d: {  	v26 =	vmov s12;
	v25 =	vor.u32 v2, v25;
	(erf) = vrcp.f32 v24  }
0x13e: {  	v22 =	vadd.f32 $-1.000000000e+00, v22;
	v24 =	vshll.u32 v26, $0x3;
	v26 =	vadd.s32 v5, v25;
	v27 =	vpop (erf)  }
0x13f: {  	v19 =	vshra.s32 v19, $0x17;
	v25 =	vadd.s32 v4, v25;
	v24 =	vor.u32 v2, v24;
	v30 =	vpop (erf)  }
0x140: {  	v28 =	vadd.s32 v5, v24;
	v24 =	vadd.s32 v4, v24;
	v22 =	vmul.f32 v30, v22;
	v30 =	vpop (erf)  }
0x141: {  	v19 =	vadd.s32 $0xFFFFFF81, v19;
	v18 =	vadd.f32 $-1.000000000e+00, v18;
	v27 =	vadd.f32 v30, v27  }
0x142: {  	v17 =	vshra.s32 v17, $0x17;
	v33 =	vcvt.s32.f32 v19;
	v32 =	vpop (erf);
	v30 =	vmul.f32 v22, v22  }
0x143: {  	v17 =	vadd.s32 $0xFFFFFF81, v17;
	v26 =	vld.idx.msk [tilespmem:v26+s28+$0x0], $0xffff;
	v32 =	vmul.f32 v32, v18;
	v18 =	vand.u32 $0x7FFFFF, v27  }
0x144: {  	v39 =	vcvt.s32.f32 v17;
	v23 =	vshra.s32 v23, $0x17;
	v25 =	vld.idx.msk [tilespmem:v25+s28+$0x0], $0xffff;
	v19 =	vmul.f32 $1.111111120e-01, v30  }
0x145: {  	v33 =	vmul.f32 $6.931471820e-01, v33;
	v23 =	vadd.s32 $0xFFFFFF81, v23;
	v15 =	vadd.f32 $-1.000000000e+00, v15;
	v24 =	vld.idx.msk [tilespmem:v24+s28+$0x0], $0xffff  }
0x146: {  	v28 =	vld.idx.msk [tilespmem:v28+s28+$0x0], $0xffff;
	v34 =	vor.u32 $0x3F800000, v18;
	v35 =	vmul.f32 v32, v32;
	v18 =	vpop (erf);
	v19 =	vadd.f32 $1.428571490e-01, v19  }
0x147: {  	v27 =	vshra.s32 v27, $0x17;
	v36 =	vadd.f32 $1.000000000e+00, v34;
	v37 =	vmul.f32 v18, v15  }
0x148: {  	v15 =	vadd.s32 $0xFFFFFF81, v27;
	v18 =	vmul.f32 $1.111111120e-01, v35;
	v27 =	vmul.f32 v19, v30  }
0x149: {  	v53 =	vadd.f32 v22, v22;
	v34 =	vadd.f32 $-1.000000000e+00, v34;
	(erf) = vrcp.f32 v36  }
0x14a: {  	v29 =	vld.idx.msk [tilespmem:v29+s28+$0x0], $0xffff;
	v38 =	vadd.f32 $1.428571490e-01, v18;
	v18 =	vmax.f32 v25, v26;
	v27 =	vadd.f32 $2.000000030e-01, v27  }
0x14b: {  	v31 =	vld.idx.msk [tilespmem:v31+s28+$0x0], $0xffff;
	v50 =	vcvt.s32.f32 v15;
	v15 =	vmax.f32 v24, v28;
	v17 =	vsub.f32 v25, v18  }
0x14c: {  	v19 =	vmul.f32 v37, v37;
	v24 =	vsub.f32 v24, v15;
	v27 =	vmul.f32 v27, v30  }
0x14d: {  	v28 =	vsub.f32 v28, v15;
	v25 =	vmul.f32 v38, v35;
	v40 =	vmul.f32 $1.442695020e+00, v17  }
0x14e: {  	v51 =	vmul.f32 $1.111111120e-01, v19;
	v24 =	vmul.f32 $1.442695020e+00, v24;
	v27 =	vadd.f32 $3.333333430e-01, v27  }
0x14f: {  	v26 =	vsub.f32 v26, v18;
	v28 =	vmul.f32 $1.442695020e+00, v28;
	(erf) = vpow2.f32 v40  }
0x150: {  	v17 =	vmax.f32 v31, v29;
	(erf) = vpow2.f32 v24;
	v24 =	vmul.f32 v27, v30  }
0x151: {  	v26 =	vmul.f32 $1.442695020e+00, v26;
	v25 =	vadd.f32 $2.000000030e-01, v25;
	v31 =	vsub.f32 v31, v17  }
0x152: {  	v29 =	vsub.f32 v29, v17;
	v30 =	vshll.u32 v52, $0x3;
	v27 =	vpop (erf);
	v24 =	vadd.f32 $1.000000000e+00, v24  }
0x153: {  	v25 =	vmul.f32 v25, v35;
	v30 =	vor.u32 v2, v30;
	v27 =	vmul.f32 v27, v34  }
0x154: {  	(erf) = vpow2.f32 v26;
	v54 =	vadd.s32 v4, v30;
	v24 =	vmul.f32 v24, v53  }
0x155: {  	(erf) = vpow2.f32 v28;
	v30 =	vadd.s32 v5, v30;
	v28 =	vmul.f32 v27, v27  }
0x156: {  	v29 =	vmul.f32 $1.442695020e+00, v29;
	v26 =	vadd.f32 $1.428571490e-01, v51;
	v24 =	vadd.f32 v24, v33  }
0x157: {  	v22 =	vadd.f32 v27, v27;
	v27 =	vmul.f32 $1.442695020e+00, v31;
	v31 =	vmul.f32 $1.111111120e-01, v28  }
0x158: {  	v26 =	vmul.f32 v26, v19;
	v33 =	vadd.f32 v24, v21;
	v21 =	vadd.f32 $3.333333430e-01, v25  }
0x159: {  	v23 =	vcvt.s32.f32 v23;
	(erf) = vpow2.f32 v27;
	v27 =	vld.idx.msk [tilespmem:v54+s28+$0x0], $0xffff;
	v25 =	vadd.f32 $1.428571490e-01, v31  }
0x15a: {  	v26 =	vadd.f32 $2.000000030e-01, v26;
	(erf) = vpow2.f32 v29;
	v29 =	vld.idx.msk [tilespmem:v30+s28+$0x0], $0xffff;
	v21 =	vmul.f32 v21, v35  }
0x15b: {  	v55 =	vmul.f32 $6.931471820e-01, v39;
	v30 =	vpop (erf);
	v25 =	vmul.f32 v25, v28  }
0x15c: {  	v32 =	vadd.f32 v32, v32;
	v58 =	vmul.f32 v26, v19;
	v31 =	vpop (erf);
	v21 =	vadd.f32 $1.000000000e+00, v21  }
0x15d: {  	v26 =	vmul.f32 $6.931471820e-01, v50;
	v24 =	vadd.f32 v37, v37;
	v56 =	vpop (erf);
	v57 =	vadd.f32 $2.000000030e-01, v25  }
0x15e: {  	v25 =	vmul.f32 $6.931471820e-01, v23;
	v30 =	vadd.f32 v56, v30;
	v23 =	vpop (erf);
	v32 =	vmul.f32 v21, v32  }
0x15f: {  	v21 =	vmax.f32 v27, v29;
	v23 =	vadd.f32 v23, v31;
	v31 =	vmul.f32 v57, v28  }
0x160: {  	v59 =	vsub.f32 v27, v21;
	v27 =	vshra.s32 v30, $0x17;
	v60 =	vsub.f32 v29, v21  }
0x161: {  	v29 =	vand.u32 $0x7FFFFF, v30;
	v32 =	vadd.f32 v32, v55;
	v31 =	vadd.f32 $3.333333430e-01, v31  }
0x162: {  	v61 =	vpop (erf);
	v29 =	vor.u32 $0x3F800000, v29;
	v35 =	vmul.f32 $1.442695020e+00, v59;
	v30 =	vmul.f32 $1.442695020e+00, v60  }
0x163: {  	v63 =	vadd.f32 $1.000000000e+00, v29;
	v62 =	vadd.f32 v32, v20;
	v20 =	vpop (erf);
	v31 =	vmul.f32 v31, v28  }
0x164: {  	s8 =	simm.s32 $0x192D0;
	v28 =	vand.u32 $0x7FFFFF, v23;
	v20 =	vadd.f32 v20, v61;
	(erf) = vpow2.f32 v35  }
0x165: {  	[tilespmem:s8+$0xFFFFFFF0] =	vst v33;
	v32 =	vadd.f32 $3.333333430e-01, v58;
	v28 =	vor.u32 $0x3F800000, v28;
	(erf) = vrcp.f32 v63  }
0x166: {  	s9 =	simm.s32 $0x19310;
	s10 =	simm.s32 $0x4;
	s11 =	simm.s32 $0x80;
	[tilespmem:s8+$0x0] =	vst v62;
	v33 =	vadd.f32 $1.000000000e+00, v28;
	v34 =	vand.u32 $0x7FFFFF, v20;
	v31 =	vadd.f32 $1.000000000e+00, v31  }
.LBB2_4:
0x167: {  	s12 =	sadd.s32 $0x10, s11;
	s13 =	sadd.s32 $0x20, s11;
	s14 =	sadd.s32 $0x30, s11;
	v34 =	vor.u32 $0x3F800000, v34;
	(erf) = vpow2.f32 v30;
	v19 =	vmul.f32 v32, v19  }
0x168: {  	s10 =	sadd.s32 $0x4, s10;
	v30 =	vmov s12;
	v32 =	vmov s13;
	(erf) = vrcp.f32 v33  }
0x169: {  	p0 =	slt.u32 s10, $0x1C;
	v33 =	vadd.f32 $1.000000000e+00, v34;
	v30 =	vshll.u32 v30, $0x3;
	v32 =	vshll.u32 v32, $0x3  }
0x16a: {  	v22 =	vmul.f32 v31, v22;
	v30 =	vor.u32 v2, v30;
	v32 =	vor.u32 v2, v32  }
0x16b: {  	v31 =	vadd.s32 v4, v30;
	v30 =	vadd.s32 v5, v30;
	(erf) = vrcp.f32 v33  }
0x16c: {  	v35 =	vmov s14;
	v22 =	vadd.f32 v22, v26;
	v33 =	vadd.s32 v5, v32  }
0x16d: {  	v29 =	vadd.f32 $-1.000000000e+00, v29;
	v19 =	vadd.f32 $1.000000000e+00, v19;
	v26 =	vadd.s32 v4, v32;
	v32 =	vpop (erf)  }
0x16e: {  	v27 =	vadd.s32 $0xFFFFFF81, v27;
	v38 =	vshll.u32 v35, $0x3;
	v22 =	vadd.f32 v22, v16;
	v36 =	vpop (erf)  }
0x16f: {  	v37 =	vor.u32 v2, v38;
	v19 =	vmul.f32 v19, v24;
	v16 =	vmovc v21;
	v29 =	vmul.f32 v36, v29  }
0x170: {  	v28 =	vadd.f32 $-1.000000000e+00, v28;
	v24 =	vadd.s32 v5, v37;
	v21 =	vadd.s32 v4, v37;
	v35 =	vpop (erf);
	[tilespmem:s8+$0xFFFFFFE0] =	vst v22  }
0x171: {  	v19 =	vadd.f32 v19, v25;
	v22 =	vld.idx.msk [tilespmem:v30+s28+$0x0], $0xffff;
	v30 =	vadd.f32 v35, v32;
	v32 =	vmul.f32 v29, v29;
	v35 =	vpop (erf)  }
0x172: {  	v27 =	vcvt.s32.f32 v27;
	v25 =	vld.idx.msk [tilespmem:v31+s28+$0x0], $0xffff;
	v28 =	vmul.f32 v35, v28;
	v31 =	vadd.f32 $-1.000000000e+00, v34  }
0x173: {  	v19 =	vadd.f32 v19, v14;
	v14 =	vmovc v17;
	v26 =	vld.idx.msk [tilespmem:v26+s28+$0x0], $0xffff;
	v34 =	vand.u32 $0x7FFFFF, v30;
	v35 =	vmul.f32 $1.111111120e-01, v32  }
0x174: {  	v30 =	vshra.s32 v30, $0x17;
	v17 =	vld.idx.msk [tilespmem:v33+s28+$0x0], $0xffff;
	v33 =	vor.u32 $0x3F800000, v34;
	v34 =	vmul.f32 v28, v28;
	v36 =	vpop (erf)  }
0x175: {  	v24 =	vld.idx.msk [tilespmem:v24+s28+$0x0], $0xffff;
	v37 =	vadd.f32 $1.000000000e+00, v33;
	v35 =	vadd.f32 $1.428571490e-01, v35;
	v31 =	vmul.f32 v36, v31;
	[tilespmem:s8+$0x10] =	vst v19;
	s8 =	smov.u32 s9  }
0x176: {  	v23 =	vshra.s32 v23, $0x17;
	v19 =	vadd.s32 $0xFFFFFF81, v30;
	v30 =	vmul.f32 $1.111111120e-01, v34  }
0x177: {  	v23 =	vadd.s32 $0xFFFFFF81, v23;
	v21 =	vld.idx.msk [tilespmem:v21+s28+$0x0], $0xffff;
	v35 =	vmul.f32 v35, v32;
	(erf) = vrcp.f32 v37  }
0x178: {  	v36 =	vcvt.s32.f32 v19;
	v19 =	vmul.f32 v31, v31;
	v30 =	vadd.f32 $1.428571490e-01, v30  }
0x179: {  	v23 =	vcvt.s32.f32 v23;
	v37 =	vmax.f32 v25, v22;
	v35 =	vadd.f32 $2.000000030e-01, v35  }
0x17a: {  	v25 =	vsub.f32 v25, v37;
	v38 =	vmax.f32 v26, v17;
	v30 =	vmul.f32 v30, v34  }
0x17b: {  	v22 =	vsub.f32 v22, v37;
	v39 =	vmul.f32 $1.111111120e-01, v19;
	v35 =	vmul.f32 v35, v32  }
0x17c: {  	v27 =	vmul.f32 $6.931471820e-01, v27;
	v33 =	vadd.f32 $-1.000000000e+00, v33;
	v26 =	vsub.f32 v26, v38  }
0x17d: {  	v25 =	vmul.f32 $1.442695020e+00, v25;
	v40 =	vsub.f32 v17, v38;
	v35 =	vadd.f32 $3.333333430e-01, v35  }
0x17e: {  	v42 =	vmul.f32 $1.442695020e+00, v26;
	v17 =	vmax.f32 v21, v24;
	v30 =	vadd.f32 $2.000000030e-01, v30  }
0x17f: {  	v41 =	vmul.f32 $1.442695020e+00, v22;
	v21 =	vsub.f32 v21, v17;
	(erf) = vpow2.f32 v25  }
0x180: {  	v22 =	vmov s11;
	v25 =	vmul.f32 v35, v32;
	(erf) = vpow2.f32 v42;
	v26 =	vpop (erf)  }
0x181: {  	v22 =	vshll.u32 v22, $0x3;
	v32 =	vmul.f32 $1.442695020e+00, v40;
	v26 =	vmul.f32 v26, v33  }
0x182: {  	v29 =	vadd.f32 v29, v29;
	v22 =	vor.u32 v2, v22;
	v25 =	vadd.f32 $1.000000000e+00, v25  }
0x183: {  	v35 =	vadd.s32 v5, v22;
	v33 =	vadd.s32 v4, v22;
	v22 =	vadd.f32 v26, v26  }
0x184: {  	v24 =	vsub.f32 v24, v17;
	v25 =	vmul.f32 v25, v29;
	(erf) = vpow2.f32 v41  }
0x185: {  	(erf) = vpow2.f32 v32;
	v32 =	vmul.f32 v26, v26;
	v26 =	vadd.f32 $1.428571490e-01, v39  }
0x186: {  	v21 =	vmul.f32 $1.442695020e+00, v21;
	v25 =	vadd.f32 v25, v27;
	v39 =	vmul.f32 v30, v34  }
0x187: {  	v20 =	vshra.s32 v20, $0x17;
	v24 =	vmul.f32 $1.442695020e+00, v24;
	v29 =	vmul.f32 $1.111111120e-01, v32  }
0x188: {  	v40 =	vadd.f32 v25, v18;
	v30 =	vld.idx.msk [tilespmem:v33+s28+$0x0], $0xffff;
	v33 =	vpop (erf);
	(erf) = vpow2.f32 v21;
	v21 =	vadd.f32 $3.333333430e-01, v39  }
0x189: {  	v26 =	vmul.f32 v26, v19;
	v35 =	vld.idx.msk [tilespmem:v35+s28+$0x0], $0xffff;
	v27 =	vpop (erf);
	(erf) = vpow2.f32 v24;
	v25 =	vadd.f32 $1.428571490e-01, v29  }
0x18a: {  	v20 =	vadd.s32 $0xFFFFFF81, v20;
	v18 =	vmovc v37;
	v24 =	vadd.f32 v31, v31;
	[tilespmem:s9+$0xFFFFFFF0] =	vst v40;
	v21 =	vmul.f32 v21, v34  }
0x18b: {  	v20 =	vcvt.s32.f32 v20;
	v26 =	vadd.f32 $2.000000030e-01, v26;
	v25 =	vmul.f32 v25, v32  }
0x18c: {  	v29 =	vmul.f32 $6.931471820e-01, v23;
	v23 =	vadd.f32 v28, v28;
	v21 =	vadd.f32 $1.000000000e+00, v21  }
0x18d: {  	v34 =	vmul.f32 v26, v19;
	v28 =	vpop (erf);
	v31 =	vadd.f32 $2.000000030e-01, v25;
	v25 =	vmul.f32 $6.931471820e-01, v20  }
0x18e: {  	v26 =	vmul.f32 $6.931471820e-01, v36;
	v20 =	vadd.f32 v28, v33;
	v28 =	vpop (erf);
	v33 =	vmul.f32 v21, v23  }
0x18f: {  	v21 =	vmax.f32 v30, v35;
	v23 =	vadd.f32 v28, v27;
	v28 =	vmul.f32 v31, v32  }
0x190: {  	v30 =	vsub.f32 v30, v21;
	v27 =	vshra.s32 v20, $0x17;
	v31 =	vadd.f32 v33, v29  }
0x191: {  	v33 =	vsub.f32 v35, v21;
	v37 =	vand.u32 $0x7FFFFF, v20;
	v35 =	vpop (erf);
	v28 =	vadd.f32 $3.333333430e-01, v28  }
.Ltmp1:
0x192: {  	v36 =	vmul.f32 $1.442695020e+00, v30;
	v29 =	vor.u32 $0x3F800000, v37;
	v20 =	vpop (erf);
	v31 =	vadd.f32 v31, v15;
	(pc) =	sbr.rel @p0 .LBB2_4-.Ltmp1, $4  }
0x193: {  	v30 =	vmul.f32 $1.442695020e+00, v33;
	v33 =	vadd.f32 $1.000000000e+00, v29;
	v15 =	vmovc v38;
	v37 =	vmul.f32 v28, v32  }
0x194: {  	v28 =	vand.u32 $0x7FFFFF, v23;
	v20 =	vadd.f32 v20, v35;
	(erf) = vpow2.f32 v36;
	[tilespmem:s9+$0x0] =	vst v31  }
0x195: {  	v32 =	vadd.f32 $3.333333430e-01, v34;
	v28 =	vor.u32 $0x3F800000, v28;
	(erf) = vrcp.f32 v33  }
0x196: {  	s11 =	sadd.s32 $0x40, s11;
	s9 =	sadd.s32 $0x40, s9;
	v33 =	vadd.f32 $1.000000000e+00, v28;
	v34 =	vand.u32 $0x7FFFFF, v20;
	v31 =	vadd.f32 $1.000000000e+00, v37  }
0x197: {  	(erf) = vpow2.f32 v30;
	_ =	sdelay $0x6  }
0x198: {  	v29 =	vadd.f32 $-1.000000000e+00, v29;
	v30 =	vpop (erf)  }
0x199: {  	(erf) = vrcp.f32 v33;
	v53 =	vpop (erf)  }
0x19a: {  	v5 =	vor.u32 $0x3F800000, v34;
	v29 =	vmul.f32 v53, v29;
	v54 =	vpop (erf)  }
0x19b: {  	v52 =	vadd.f32 $1.000000000e+00, v5;
	v30 =	vadd.f32 v54, v30  }
0x19c: {  	v19 =	vmul.f32 v32, v19;
	v55 =	vmul.f32 v29, v29  }
0x19d: {  	(erf) = vrcp.f32 v52;
	v56 =	vand.u32 $0x7FFFFF, v30  }
0x19e: {  	v19 =	vadd.f32 $1.000000000e+00, v19;
	v57 =	vmul.f32 $1.111111120e-01, v55;
	v33 =	vor.u32 $0x3F800000, v56  }
0x19f: {  	v28 =	vadd.f32 $-1.000000000e+00, v28;
	v22 =	vmul.f32 v31, v22;
	v31 =	vadd.f32 $1.000000000e+00, v33  }
0x1a0: {  	v23 =	vshra.s32 v23, $0x17;
	v19 =	vmul.f32 v19, v24;
	v34 =	vadd.f32 $1.428571490e-01, v57  }
0x1a1: {  	v20 =	vshra.s32 v20, $0x17;
	v22 =	vadd.f32 v22, v26;
	(erf) = vrcp.f32 v31  }
0x1a2: {  	v26 =	vadd.s32 $0xFFFFFF81, v27;
	v19 =	vadd.f32 v19, v25;
	v24 =	vpop (erf);
	v25 =	vmul.f32 v34, v55  }
0x1a3: {  	v23 =	vadd.s32 $0xFFFFFF81, v23;
	v26 =	vcvt.s32.f32 v26;
	v24 =	vmul.f32 v24, v28  }
0x1a4: {  	v5 =	vadd.f32 $-1.000000000e+00, v5;
	v23 =	vcvt.s32.f32 v23;
	v25 =	vadd.f32 $2.000000030e-01, v25  }
0x1a5: {  	v16 =	vadd.f32 v22, v16;
	v26 =	vmul.f32 $6.931471820e-01, v26;
	v22 =	vmul.f32 v24, v24  }
0x1a6: {  	v14 =	vadd.f32 v19, v14;
	v29 =	vadd.f32 v29, v29;
	v19 =	vpop (erf);
	v25 =	vmul.f32 v25, v55  }
0x1a7: {  	v27 =	vshra.s32 v30, $0x17;
	v19 =	vmul.f32 v19, v5;
	v5 =	vmul.f32 $1.111111120e-01, v22  }
0x1a8: {  	v27 =	vadd.s32 $0xFFFFFF81, v27;
	v31 =	vmax.f32 v12, v13;
	v25 =	vadd.f32 $3.333333430e-01, v25  }
0x1a9: {  	v30 =	vadd.f32 $-1.000000000e+00, v33;
	v31 =	vmax.f32 v31, v11;
	v5 =	vadd.f32 $1.428571490e-01, v5  }
0x1aa: {  	v31 =	vmax.f32 v31, v10;
	v28 =	vmul.f32 v19, v19;
	v25 =	vmul.f32 v25, v55;
	v59 =	vpop (erf)  }
0x1ab: {  	v31 =	vmax.f32 v31, v9;
	v5 =	vmul.f32 v5, v22;
	v30 =	vmul.f32 v59, v30  }
0x1ac: {  	v27 =	vcvt.s32.f32 v27;
	v31 =	vmax.f32 v31, v8;
	v25 =	vadd.f32 $1.000000000e+00, v25  }
0x1ad: {  	v58 =	vmul.f32 $1.111111120e-01, v28;
	v5 =	vadd.f32 $2.000000030e-01, v5;
	v32 =	vadd.f32 v30, v30  }
0x1ae: {  	v25 =	vmul.f32 v25, v29;
	v29 =	vmul.f32 v30, v30;
	v30 =	vmax.f32 v31, v7  }
0x1af: {  	v60 =	vmul.f32 v5, v22;
	v31 =	vadd.f32 $1.428571490e-01, v58;
	v5 =	vmax.f32 v30, v6  }
0x1b0: {  	v25 =	vadd.f32 v25, v26;
	v26 =	vmul.f32 $1.111111120e-01, v29;
	v12 =	vsub.f32 v12, v5  }
0x1b1: {  	v30 =	vadd.f32 $3.333333430e-01, v60;
	v13 =	vsub.f32 v13, v5;
	v31 =	vmul.f32 v31, v28  }
0x1b2: {  	v11 =	vsub.f32 v11, v5;
	v26 =	vadd.f32 $1.428571490e-01, v26;
	v12 =	vmul.f32 $1.442695020e+00, v12  }
0x1b3: {  	v10 =	vsub.f32 v10, v5;
	v9 =	vsub.f32 v9, v5;
	v13 =	vmul.f32 $1.442695020e+00, v13  }
0x1b4: {  	v18 =	vadd.f32 v25, v18;
	v25 =	vmul.f32 v26, v29;
	(erf) = vpow2.f32 v12  }
0x1b5: {  	v8 =	vsub.f32 v8, v5;
	v22 =	vmul.f32 v30, v22;
	v11 =	vmul.f32 $1.442695020e+00, v11  }
0x1b6: {  	(erf) = vpow2.f32 v13;
	v13 =	vadd.f32 v19, v19;
	v19 =	vadd.f32 $2.000000030e-01, v25  }
0x1b7: {  	v10 =	vmul.f32 $1.442695020e+00, v10;
	(erf) = vpow2.f32 v11;
	v11 =	vadd.f32 $2.000000030e-01, v31  }
0x1b8: {  	v7 =	vsub.f32 v7, v5;
	v9 =	vmul.f32 $1.442695020e+00, v9;
	v19 =	vmul.f32 v19, v29  }
0x1b9: {  	v6 =	vsub.f32 v6, v5;
	v8 =	vmul.f32 $1.442695020e+00, v8;
	v11 =	vmul.f32 v11, v28  }
0x1ba: {  	v7 =	vmul.f32 $1.442695020e+00, v7;
	(erf) = vpow2.f32 v10;
	v19 =	vadd.f32 $3.333333430e-01, v19  }
0x1bb: {  	v6 =	vmul.f32 $1.442695020e+00, v6;
	v12 =	vadd.s32 $0xFFFFFF81, v20;
	v11 =	vadd.f32 $3.333333430e-01, v11  }
0x1bc: {  	v10 =	vadd.f32 $1.000000000e+00, v22;
	(erf) = vpow2.f32 v9;
	v19 =	vmul.f32 v19, v29  }
0x1bd: {  	v11 =	vmul.f32 v11, v28;
	v20 =	vpop (erf);
	(erf) = vpow2.f32 v8;
	v8 =	vadd.f32 v24, v24  }
0x1be: {  	v12 =	vcvt.s32.f32 v12;
	v9 =	vmul.f32 $6.931471820e-01, v23  }
0x1bf: {  	v19 =	vadd.f32 $1.000000000e+00, v19;
	v22 =	vpop (erf);
	v8 =	vmul.f32 v10, v8;
	v10 =	vadd.f32 $1.000000000e+00, v11  }
0x1c0: {  	(erf) = vpow2.f32 v7;
	v7 =	vmul.f32 $6.931471820e-01, v27;
	v20 =	vadd.f32 v22, v20  }
0x1c1: {  	v11 =	vpop (erf);
	v19 =	vmul.f32 v19, v32;
	v8 =	vadd.f32 v8, v9;
	v9 =	vmul.f32 v10, v13  }
0x1c2: {  	(erf) = vpow2.f32 v6;
	v6 =	vmul.f32 $6.931471820e-01, v12;
	v11 =	vadd.f32 v20, v11  }
0x1c3: {  	v7 =	vadd.f32 v19, v7;
	v10 =	vpop (erf);
	v8 =	vadd.f32 v8, v15  }
0x1c4: {  	v6 =	vadd.f32 v9, v6;
	v10 =	vadd.f32 v11, v10  }
0x1c5: {  	[tilespmem:s8+$0xFFFFFFE0] =	vst v16;
	v7 =	vadd.f32 v7, v21;
	v9 =	vpop (erf)  }
0x1c6: {  	[tilespmem:s8+$0x10] =	vst v14;
	v6 =	vadd.f32 v6, v17;
	v9 =	vadd.f32 v10, v9  }
0x1c7: {  	[tilespmem:s9+$0x0] =	vst v8;
	v8 =	vpop (erf)  }
0x1c8: {  	[tilespmem:s9+$0xFFFFFFE0] =	vst v7;
	v7 =	vadd.f32 v9, v8  }
0x1c9: {  	[tilespmem:s9+$0xFFFFFFF0] =	vst v18  }
0x1ca: {  	[tilespmem:s9+$0x10] =	vst v6;
	v6 =	vpop (erf)  }
0x1cb: {  	v4 =	vld.idx.msk [tilespmem:v4+s15+$0x0], $0xffff;
	v6 =	vadd.f32 v7, v6  }
0x1cc: {  	v7 =	vpop (erf)  }
0x1cd: {  	v6 =	vadd.f32 v6, v7;
	_ =	sdelay $0x1  }
0x1ce: {  	v7 =	vand.u32 $0x7FFFFF, v6  }
0x1cf: {  	v4 =	vsub.f32 $0.0e+00, v4;
	v7 =	vor.u32 $0x3F800000, v7  }
0x1d0: {  	v8 =	vadd.f32 $1.000000000e+00, v7  }
0x1d1: {  	v4 =	vmul.f32 $1.442695020e+00, v4  }
0x1d2: {  	(erf) = vrcp.f32 v8  }
0x1d3: {  	(erf) = vpow2.f32 v4;
	_ =	sdelay $0x7  }
0x1d4: {  	v4 =	vpop (erf)  }
0x1d5: {  	v8 =	vpop (erf)  }
0x1d6: {  	v8 =	vadd.f32 $1.000000000e+00, v8;
	_ =	sdelay $0x1  }
0x1d7: {  	(erf) = vrcp.f32 v8;
	_ =	sdelay $0x8  }
0x1d8: {  	v8 =	vpop (erf)  }
0x1d9: {  	v9 =	vsub.f32 $1.000000000e+00, v8  }
0x1da: {  	v10 =	vand.u32 $0x7FFFFF, v8  }
0x1db: {  	v10 =	vor.u32 $0x3F800000, v10;
	v11 =	vand.u32 $0x7FFFFF, v9  }
0x1dc: {  	v12 =	vadd.f32 $1.000000000e+00, v10;
	v11 =	vor.u32 $0x3F800000, v11  }
0x1dd: {  	v13 =	vadd.f32 $1.000000000e+00, v11  }
0x1de: {  	(erf) = vrcp.f32 v12  }
0x1df: {  	(erf) = vrcp.f32 v13  }
0x1e0: {  	v7 =	vadd.f32 $-1.000000000e+00, v7;
	_ =	sdelay $0x1  }
0x1e1: {  	v4 =	vmul.f32 v4, v7;
	_ =	sdelay $0x1  }
0x1e2: {  	v7 =	vmul.f32 v4, v4;
	_ =	sdelay $0x1  }
0x1e3: {  	v12 =	vmul.f32 $1.111111120e-01, v7  }
0x1e4: {  	v10 =	vadd.f32 $-1.000000000e+00, v10;
	v11 =	vadd.f32 $-1.000000000e+00, v11;
	v13 =	vpop (erf)  }
0x1e5: {  	v12 =	vadd.f32 $1.428571490e-01, v12;
	v14 =	vpop (erf)  }
0x1e6: {  	v10 =	vmul.f32 v13, v10;
	v11 =	vmul.f32 v14, v11  }
0x1e7: {  	v12 =	vmul.f32 v12, v7  }
0x1e8: {  	v14 =	vmul.f32 v10, v10;
	v13 =	vmul.f32 v11, v11;
	_ =	sdelay $0x1  }
0x1e9: {  	v12 =	vadd.f32 $2.000000030e-01, v12;
	v16 =	vmul.f32 $1.111111120e-01, v14;
	v15 =	vmul.f32 $1.111111120e-01, v13;
	_ =	sdelay $0x1  }
0x1ea: {  	v12 =	vmul.f32 v12, v7;
	v16 =	vadd.f32 $1.428571490e-01, v16;
	v15 =	vadd.f32 $1.428571490e-01, v15;
	_ =	sdelay $0x1  }
0x1eb: {  	v12 =	vadd.f32 $3.333333430e-01, v12;
	v16 =	vmul.f32 v16, v14;
	v15 =	vmul.f32 v15, v13  }
0x1ec: {  	v6 =	vshra.s32 v6, $0x17  }
0x1ed: {  	v7 =	vmul.f32 v12, v7;
	v12 =	vadd.f32 $2.000000030e-01, v15;
	v15 =	vadd.f32 $2.000000030e-01, v16  }
0x1ee: {  	v6 =	vadd.s32 $0xFFFFFF81, v6;
	v4 =	vadd.f32 v4, v4;
	v8 =	vshra.s32 v8, $0x17  }
0x1ef: {  	v7 =	vadd.f32 $1.000000000e+00, v7;
	v12 =	vmul.f32 v12, v13;
	v15 =	vmul.f32 v15, v14  }
0x1f0: {  	v6 =	vcvt.s32.f32 v6;
	v8 =	vadd.s32 $0xFFFFFF81, v8  }
0x1f1: {  	v4 =	vmul.f32 v7, v4;
	v12 =	vadd.f32 $3.333333430e-01, v12;
	v7 =	vadd.f32 $3.333333430e-01, v15  }
0x1f2: {  	v6 =	vmul.f32 $6.931471820e-01, v6;
	v9 =	vshra.s32 v9, $0x17;
	v8 =	vcvt.s32.f32 v8  }
0x1f3: {  	v9 =	vadd.s32 $0xFFFFFF81, v9;
	v12 =	vmul.f32 v12, v13;
	v7 =	vmul.f32 v7, v14  }
0x1f4: {  	v9 =	vcvt.s32.f32 v9;
	v10 =	vadd.f32 v10, v10;
	v11 =	vadd.f32 v11, v11  }
0x1f5: {  	v12 =	vadd.f32 $1.000000000e+00, v12;
	v7 =	vadd.f32 $1.000000000e+00, v7  }
0x1f6: {  	v9 =	vmul.f32 $6.931471820e-01, v9;
	v4 =	vadd.f32 v4, v6;
	v6 =	vmul.f32 $6.931471820e-01, v8  }
0x1f7: {  	s10 =	simm.s32 $0x20;
	s12 =	simm.s32 $0x40;
	v11 =	vmul.f32 v12, v11;
	v7 =	vmul.f32 v7, v10  }
0x1f8: {  	v59 =	vmov s10;
	v5 =	vadd.f32 v4, v5;
	v10 =	vor.u32 s12, v0  }
0x1f9: {  	s14 =	simm.s32 $0x0;
	s11 =	simm.s32 $0x30;
	vm1 =	vlt.s32 v10, $0x3FF;
	v8 =	vadd.f32 v11, v9;
	v6 =	vadd.f32 v7, v6  }
0x1fa: {  	v7 =	vor.u32 s14, v0;
	v9 =	vor.u32 s10, v0;
	v11 =	vor.u32 s11, v0  }
0x1fb: {  	v12 =	vnsel vm1, $0x3FF, v10;
	vm2 =	vlt.s32 v11, $0x3FF;
	vm3 =	vlt.s32 v9, $0x3FF  }
0x1fc: {  	v13 =	vand.u32 $0x1, v12;
	v21 =	vshrl.u32 v12, $0x1;
	v22 =	vshrl.u32 v12, $0x4  }
0x1fd: {  	s15 =	simm.s32 $0x10;
	vm1 =	vlt.s32 v7, $0x3FF;
	v27 =	vshrl.u32 v12, $0x7;
	v4 =	vadd.f32 $-1.150261970e+01, v8  }
0x1fe: {  	v8 =	vor.u32 s15, v0;
	v11 =	vnsel vm2, $0x3FF, v11;
	v16 =	vnsel vm3, $0x3FF, v9  }
0x1ff: {  	v23 =	vand.u32 $0x7, v21;
	v29 =	vshll.u32 v22, $0x3;
	v15 =	vand.u32 $0x7, v22  }
0x200: {  	vm0 =	vlt.s32 v8, $0x3FF;
	v18 =	vshrl.u32 v11, $0x7;
	v10 =	vshrl.u32 v11, $0x4  }
0x201: {  	v26 =	vand.u32 $0x1, v11;
	v14 =	vshrl.u32 v16, $0x7;
	v23 =	vor.u32 v23, v29  }
0x202: {  	v9 =	vand.u32 $0x1FFFFF8, v18;
	v17 =	vshll.u32 v18, $0x3;
	v19 =	vand.u32 $0x7, v18  }
0x203: {  	v28 =	vnsel vm0, $0x3FF, v8;
	v20 =	vadd.s32 v3, v9;
	v9 =	vshll.u32 v21, $0x3  }
0x204: {  	v24 =	vor.u32 v13, v9;
	v13 =	vnsel vm1, $0x3FF, v7;
	v7 =	vand.u32 $0x1FFFFF8, v27  }
0x205: {  	v8 =	vand.u32 $0x7, v27;
	v9 =	vshrl.u32 v11, $0x1;
	v11 =	vadd.s32 v3, v7  }
0x206: {  	v25 =	vand.u32 $0x7, v10;
	v37 =	vand.u32 $0x7, v14;
	v12 =	vor.u32 v8, v11  }
0x207: {  	v39 =	vshll.u32 v14, $0x3;
	vm0 =	vlt.u32 v59, $0x400;
	v30 =	vshrl.u32 v28, $0x7  }
0x208: {  	v25 =	vor.u32 v25, v17;
	v19 =	vor.u32 v19, v20;
	v7 =	vshrl.u32 v13, $0x1  }
0x209: {  	v63 =	vshrl.u32 v13, $0x7;
	v36 =	vand.u32 $0x1, v13;
	v11 =	vshll.u32 v27, $0x3  }
0x20a: {  	v35 =	vor.u32 v15, v11;
	v11 =	vshrl.u32 v13, $0x4;
	v13 =	vand.u32 $0x1FFFFF8, v14  }
0x20b: {  	v47 =	vand.u32 $0x1FFFFF8, v30;
	v29 =	vand.u32 $0x7, v30;
	v13 =	vadd.s32 v3, v13;
	v38 =	vld.idx.msk [tilespmem:v12+s23+$0x0], $0xffff  }
0x20c: {  	v31 =	vshll.u32 v9, $0x3;
	v62 =	vand.u32 $0x7, v9;
	v37 =	vor.u32 v37, v13  }
0x20d: {  	v43 =	vld.idx.msk [tilespmem:v21+s4+$0x0], $0xffff;
	v21 =	vadd.s32 v3, v47;
	v61 =	vand.u32 $0x7, v7;
	v8 =	vshrl.u32 v16, $0x1  }
0x20e: {  	v55 =	vld.idx.msk [tilespmem:v22+s0+$0x0], $0xffff;
	v41 =	vshll.u32 v7, $0x3;
	v51 =	vor.u32 v3, v63;
	v21 =	vor.u32 v29, v21  }
0x20f: {  	v15 =	vshrl.u32 v28, $0x4;
	v40 =	vand.u32 $0x7, v8;
	v50 =	vshll.u32 v8, $0x3;
	v20 =	vld.idx.msk [tilespmem:v35+s25+$0x0], $0xffff  }
0x210: {  	v27 =	vld.idx.msk [tilespmem:v27+s31+$0x0], $0xffff;
	v36 =	vor.u32 v36, v41;
	v42 =	vshll.u32 v15, $0x3;
	v38 =	vadd.f32 v38, v6  }
0x211: {  	v17 =	vshll.u32 v11, $0x3;
	v22 =	vand.u32 $0x7, v11;
	v45 =	vand.u32 $0x7, v15;
	v49 =	vld.idx.msk [tilespmem:v37+s23+$0x0], $0xffff  }
0x212: {  	v13 =	vshrl.u32 v28, $0x1;
	v28 =	vand.u32 $0x1, v28;
	v52 =	vld.idx.msk [tilespmem:v19+s23+$0x0], $0xffff;
	v38 =	vsub.f32 v38, v5  }
0x213: {  	v17 =	vor.u32 v61, v17;
	v19 =	vshll.u32 v10, $0x3;
	v44 =	vld.idx.msk [tilespmem:v24+s28+$0x0], $0xffff;
	v24 =	vshll.u32 v63, $0x3  }
0x214: {  	v53 =	vld.idx.msk [tilespmem:v23+s26+$0x0], $0xffff;
	v48 =	vand.u32 $0x7, v13;
	v23 =	vor.u32 v62, v19;
	v20 =	vadd.f32 v38, v20  }
0x215: {  	v18 =	vld.idx.msk [tilespmem:v18+s31+$0x0], $0xffff;
	v19 =	vshll.u32 v30, $0x3;
	v56 =	vor.u32 v22, v24;
	v24 =	vshll.u32 v13, $0x3  }
0x216: {  	v54 =	vld.idx.msk [tilespmem:v25+s25+$0x0], $0xffff;
	v12 =	vshrl.u32 v16, $0x4;
	v27 =	vsub.f32 v20, v27;
	v20 =	vadd.f32 v49, v6  }
0x217: {  	v16 =	vand.u32 $0x1, v16;
	v45 =	vor.u32 v45, v19;
	v46 =	vld.idx.msk [tilespmem:v21+s23+$0x0], $0xffff;
	v21 =	vor.u32 v26, v31  }
0x218: {  	v57 =	vor.u32 v48, v42;
	v37 =	vld.idx.msk [tilespmem:v51+s23+$0x0], $0xffff;
	v19 =	vsub.f32 v20, v5;
	v20 =	vadd.f32 v52, v6  }
0x219: {  	v16 =	vor.u32 v16, v50;
	v29 =	vand.u32 $0x7, v12;
	v25 =	vshll.u32 v12, $0x3;
	v58 =	vld.idx.msk [tilespmem:v23+s26+$0x0], $0xffff  }
0x21a: {  	v22 =	vor.u32 v40, v25;
	v23 =	vld.idx.msk [tilespmem:v30+s31+$0x0], $0xffff;
	v27 =	vadd.f32 v27, v53;
	v26 =	vsub.f32 v20, v5  }
0x21b: {  	v29 =	vor.u32 v29, v39;
	v25 =	vmov s11;
	v30 =	vmov s15;
	v32 =	vld.idx.msk [tilespmem:v56+s25+$0x0], $0xffff  }
0x21c: {  	v31 =	vld.idx.msk [tilespmem:v45+s25+$0x0], $0xffff;
	v20 =	vor.u32 v28, v24;
	v27 =	vsub.f32 v27, v55;
	v28 =	vadd.f32 v26, v54  }
0x21d: {  	v62 =	vadd.f32 v46, v6;
	vm2 =	vlt.u32 v30, $0x400;
	v60 =	vadd.f32 v37, v6;
	v24 =	vld.idx.msk [tilespmem:v63+s31+$0x0], $0xffff  }
0x21e: {  	v63 =	vadd.f32 v27, v44;
	v61 =	vsub.f32 v28, v18;
	v18 =	vmov s14;
	v28 =	vld.idx.msk [tilespmem:v57+s26+$0x0], $0xffff  }
0x21f: {  	s8 =	simm.s32 $0x194D0;
	v34 =	vsub.f32 v62, v5;
	v33 =	vsub.f32 v60, v5;
	vm1 =	vlt.u32 v18, $0x400;
	v18 =	vld.idx.msk [tilespmem:v16+s28+$0x0], $0xffff  }
0x220: {  	s9 =	simm.s32 $0x0;
	s10 =	simm.s32 $0x50;
	s11 =	simm.s32 $0x19520;
	v26 =	vmov s12;
	v30 =	vsub.f32 v63, v43;
	v16 =	vld.idx.msk [tilespmem:v36+s28+$0x0], $0xffff;
	v27 =	vadd.f32 v61, v58  }
.LBB2_6:
0x221: {  	v35 =	vor.u32 s10, v0;
	s13 =	sadd.s32 $0x10, s10;
	s12 =	sadd.s32 $0x20, s10;
	s14 =	sadd.s32 $0x30, s10;
	v29 =	vld.idx.msk [tilespmem:v29+s25+$0x0], $0xffff;
	vm3 =	vlt.u32 v25, $0x400;
	vm5 =	vlt.u32 v26, $0x400  }
0x222: {  	s15 =	sadd.s32 $0x40, s10;
	s9 =	sadd.s32 $0x5, s9;
	v25 =	vor.u32 s13, v0;
	v26 =	vor.u32 s12, v0;
	v17 =	vld.idx.msk [tilespmem:v17+s26+$0x0], $0xffff;
	v31 =	vadd.f32 v34, v31  }
0x223: {  	v34 =	vor.u32 s15, v0;
	p0 =	slt.u32 s9, $0x3C;
	v32 =	vadd.f32 v33, v32;
	vm4 =	vlt.s32 v25, $0x3FF;
	v33 =	vld.idx.msk [tilespmem:v10+s0+$0x0], $0xffff  }
0x224: {  	v10 =	vor.u32 s14, v0;
	vm6 =	vlt.s32 v34, $0x3FF;
	v23 =	vsub.f32 v31, v23;
	v15 =	vld.idx.msk [tilespmem:v15+s0+$0x0], $0xffff  }
0x225: {  	v30 =	vsel vm5, v30, v4;
	vm7 =	vlt.s32 v26, $0x3FF;
	v24 =	vsub.f32 v32, v24;
	v21 =	vld.idx.msk [tilespmem:v21+s28+$0x0], $0xffff  }
0x226: {  	vm5 =	vlt.s32 v10, $0x3FF;
	v31 =	vnsel vm6, $0x3FF, v34;
	v23 =	vadd.f32 v23, v28;
	v22 =	vld.idx.msk [tilespmem:v22+s26+$0x0], $0xffff;
	[tilespmem:s8+$0x20] =	vst v30  }
0x227: {  	v28 =	vnsel vm5, $0x3FF, v10;
	v30 =	vand.u32 $0x1, v31;
	v29 =	vadd.f32 v19, v29;
	v14 =	vld.idx.msk [tilespmem:v14+s31+$0x0], $0xffff  }
0x228: {  	v26 =	vnsel vm7, $0x3FF, v26;
	v32 =	vshrl.u32 v28, $0x7;
	v10 =	vshrl.u32 v28, $0x4  }
0x229: {  	v17 =	vadd.f32 v24, v17;
	v19 =	vand.u32 $0x1FFFFF8, v32;
	v34 =	vshll.u32 v32, $0x3  }
0x22a: {  	v24 =	vand.u32 $0x7, v32;
	v27 =	vsub.f32 v27, v33;
	v36 =	vadd.s32 v3, v19;
	v33 =	vld.idx.msk [tilespmem:v9+s4+$0x0], $0xffff  }
0x22b: {  	v37 =	vshrl.u32 v31, $0x1;
	v19 =	vshrl.u32 v31, $0x4;
	v15 =	vsub.f32 v23, v15;
	v23 =	vld.idx.msk [tilespmem:v20+s28+$0x0], $0xffff  }
0x22c: {  	v38 =	vand.u32 $0x7, v37;
	v9 =	vshll.u32 v37, $0x3;
	v27 =	vadd.f32 v27, v21  }
0x22d: {  	vm5 =	vlt.s32 v35, $0x3FF;
	v30 =	vor.u32 v30, v9;
	v14 =	vsub.f32 v29, v14  }
0x22e: {  	v21 =	vand.u32 $0x1, v28;
	v29 =	vnsel vm5, $0x3FF, v35;
	v35 =	vand.u32 $0x7, v10  }
0x22f: {  	v25 =	vnsel vm4, $0x3FF, v25;
	v9 =	vshrl.u32 v28, $0x1;
	v28 =	vshll.u32 v19, $0x3  }
0x230: {  	v20 =	vshrl.u32 v25, $0x7;
	v40 =	vshll.u32 v9, $0x3;
	v39 =	vshrl.u32 v29, $0x1  }
0x231: {  	v31 =	vshrl.u32 v31, $0x7;
	v41 =	vand.u32 $0x7, v39;
	v27 =	vsub.f32 v27, v33;
	v42 =	vld.idx.msk [tilespmem:v11+s0+$0x0], $0xffff  }
0x232: {  	v33 =	vand.u32 $0x7, v31;
	v23 =	vadd.f32 v15, v23;
	v11 =	vand.u32 $0x1FFFFF8, v31;
	v13 =	vld.idx.msk [tilespmem:v13+s4+$0x0], $0xffff  }
0x233: {  	v43 =	vshll.u32 v31, $0x3;
	v22 =	vadd.f32 v14, v22;
	v11 =	vadd.s32 v3, v11  }
0x234: {  	v44 =	vshrl.u32 v26, $0x1;
	v45 =	vand.u32 $0x7, v9;
	v33 =	vor.u32 v33, v11;
	v46 =	vld.idx.msk [tilespmem:v12+s0+$0x0], $0xffff  }
0x235: {  	v47 =	vshrl.u32 v29, $0x7;
	v48 =	vand.u32 $0x1, v29;
	v14 =	vshrl.u32 v26, $0x7  }
0x236: {  	v15 =	vshrl.u32 v25, $0x4;
	v11 =	vshrl.u32 v29, $0x4;
	v12 =	vsel vm3, v27, v4  }
0x237: {  	v29 =	vand.u32 $0x7, v19;
	v27 =	vand.u32 $0x7, v14;
	v42 =	vsub.f32 v17, v42;
	[tilespmem:s8+$0x10] =	vst v12  }
0x238: {  	v17 =	vor.u32 v29, v43;
	v12 =	vand.u32 $0x1FFFFF8, v14;
	v23 =	vsub.f32 v23, v13;
	v29 =	vld.idx.msk [tilespmem:v8+s4+$0x0], $0xffff;
	v8 =	vmovc v44  }
0x239: {  	v34 =	vor.u32 v35, v34;
	v13 =	vadd.s32 v3, v12;
	v12 =	vshrl.u32 v26, $0x4;
	v33 =	vld.idx.msk [tilespmem:v33+s23+$0x0], $0xffff  }
0x23a: {  	v35 =	vshll.u32 v14, $0x3;
	v43 =	vand.u32 $0x7, v8;
	v22 =	vsub.f32 v22, v46  }
0x23b: {  	v44 =	vshll.u32 v39, $0x3;
	v46 =	vshll.u32 v15, $0x3;
	v27 =	vor.u32 v27, v13  }
0x23c: {  	v13 =	vshrl.u32 v25, $0x1;
	v25 =	vand.u32 $0x1, v25;
	v18 =	vadd.f32 v22, v18;
	v49 =	vld.idx.msk [tilespmem:v7+s4+$0x0], $0xffff;
	v7 =	vmovc v39  }
0x23d: {  	v24 =	vor.u32 v24, v36;
	v22 =	vand.u32 $0x1FFFFF8, v20;
	v39 =	vand.u32 $0x7, v20;
	v36 =	vld.idx.msk [tilespmem:v17+s25+$0x0], $0xffff  }
0x23e: {  	v28 =	vor.u32 v38, v28;
	v17 =	vshll.u32 v11, $0x3;
	v18 =	vsub.f32 v18, v29;
	v31 =	vld.idx.msk [tilespmem:v31+s31+$0x0], $0xffff  }
0x23f: {  	v22 =	vadd.s32 v3, v22;
	v17 =	vor.u32 v41, v17;
	v29 =	vadd.f32 v33, v6;
	v37 =	vld.idx.msk [tilespmem:v37+s4+$0x0], $0xffff  }
0x240: {  	v26 =	vand.u32 $0x1, v26;
	v38 =	vshll.u32 v8, $0x3;
	v33 =	vand.u32 $0x7, v13;
	v27 =	vld.idx.msk [tilespmem:v27+s23+$0x0], $0xffff  }
0x241: {  	v16 =	vadd.f32 v42, v16;
	v38 =	vor.u32 v26, v38;
	v26 =	vsub.f32 v29, v5;
	v41 =	vld.idx.msk [tilespmem:v32+s31+$0x0], $0xffff  }
0x242: {  	v42 =	vor.u32 v48, v44;
	v29 =	vor.u32 v3, v47;
	v32 =	vshll.u32 v10, $0x3;
	v24 =	vld.idx.msk [tilespmem:v24+s23+$0x0], $0xffff  }
0x243: {  	v16 =	vsub.f32 v16, v49;
	v32 =	vor.u32 v45, v32;
	v26 =	vadd.f32 v26, v36;
	v28 =	vld.idx.msk [tilespmem:v28+s26+$0x0], $0xffff  }
0x244: {  	v22 =	vor.u32 v39, v22;
	v39 =	vand.u32 $0x7, v12;
	v36 =	vshll.u32 v20, $0x3;
	v34 =	vld.idx.msk [tilespmem:v34+s25+$0x0], $0xffff  }
0x245: {  	v44 =	vshll.u32 v12, $0x3;
	v23 =	vsel vm2, v23, v4;
	v26 =	vsub.f32 v26, v31;
	v30 =	vld.idx.msk [tilespmem:v30+s28+$0x0], $0xffff  }
0x246: {  	v18 =	vsel vm0, v18, v4;
	v31 =	vshll.u32 v47, $0x3;
	v27 =	vadd.f32 v27, v6;
	v45 =	vld.idx.msk [tilespmem:v19+s0+$0x0], $0xffff;
	[tilespmem:s8+$0xFFFFFFF0] =	vst v23  }
0x247: {  	v16 =	vsel vm1, v16, v4;
	v23 =	vand.u32 $0x7, v11;
	v19 =	vand.u32 $0x7, v15;
	v48 =	vld.idx.msk [tilespmem:v29+s23+$0x0], $0xffff;
	[tilespmem:s8+$0x0] =	vst v18  }
0x248: {  	v18 =	vor.u32 v19, v36;
	v19 =	vsub.f32 v27, v5;
	v24 =	vadd.f32 v24, v6;
	[tilespmem:s8+$0xFFFFFFE0] =	vst v16;
	s8 =	smov.u32 s11  }
0x249: {  	v21 =	vor.u32 v21, v40;
	v16 =	vor.u32 v23, v31;
	v27 =	vld.idx.msk [tilespmem:v22+s23+$0x0], $0xffff;
	v22 =	vor.u32 v43, v44  }
0x24a: {  	v33 =	vor.u32 v33, v46;
	v29 =	vshll.u32 v13, $0x3;
	v31 =	vsub.f32 v24, v5;
	v36 =	vld.idx.msk [tilespmem:v32+s26+$0x0], $0xffff  }
0x24b: {  	v28 =	vadd.f32 v26, v28;
	v23 =	vld.idx.msk [tilespmem:v20+s31+$0x0], $0xffff;
	v20 =	vor.u32 v25, v29;
	v29 =	vor.u32 v39, v35  }
0x24c: {  	v26 =	vmov s15;
	v25 =	vmov s14;
	v34 =	vadd.f32 v31, v34;
	v24 =	vld.idx.msk [tilespmem:v47+s31+$0x0], $0xffff  }
.Ltmp2:
0x24d: {  	v35 =	vmov s13;
	v39 =	vsub.f32 v28, v45;
	v31 =	vld.idx.msk [tilespmem:v18+s25+$0x0], $0xffff;
	v18 =	vmov s12;
	(pc) =	sbr.rel @p0 .LBB2_6-.Ltmp2, $4  }
0x24e: {  	v40 =	vadd.f32 v48, v6;
	v32 =	vld.idx.msk [tilespmem:v16+s25+$0x0], $0xffff;
	vm0 =	vlt.u32 v18, $0x400;
	v16 =	vsub.f32 v34, v41  }
0x24f: {  	v30 =	vadd.f32 v39, v30;
	v18 =	vmov s10;
	v34 =	vadd.f32 v27, v6;
	v28 =	vld.idx.msk [tilespmem:v33+s26+$0x0], $0xffff  }
0x250: {  	v33 =	vsub.f32 v40, v5;
	vm1 =	vlt.u32 v18, $0x400;
	v18 =	vld.idx.msk [tilespmem:v38+s28+$0x0], $0xffff;
	v27 =	vadd.f32 v16, v36  }
0x251: {  	s11 =	sadd.s32 $0x50, s11;
	vm2 =	vlt.u32 v35, $0x400;
	s10 =	sadd.s32 $0x50, s10;
	v30 =	vsub.f32 v30, v37;
	v34 =	vsub.f32 v34, v5;
	v16 =	vld.idx.msk [tilespmem:v42+s28+$0x0], $0xffff  }
0x252: {  	_ =	sdelay $0x3  }
0x253: {  	v3 =	vld.idx.msk [tilespmem:v29+s25+$0x0], $0xffff  }
0x254: {  	v5 =	vld.idx.msk [tilespmem:v17+s26+$0x0], $0xffff  }
0x255: {  	v6 =	vld.idx.msk [tilespmem:v10+s0+$0x0], $0xffff  }
0x256: {  	v10 =	vld.idx.msk [tilespmem:v15+s0+$0x0], $0xffff  }
0x257: {  	v14 =	vld.idx.msk [tilespmem:v14+s31+$0x0], $0xffff  }
0x258: {  	v15 =	vld.idx.msk [tilespmem:v21+s28+$0x0], $0xffff  }
0x259: {  	v43 =	vld.idx.msk [tilespmem:v22+s26+$0x0], $0xffff;
	v42 =	vadd.f32 v34, v31  }
0x25a: {  	v44 =	vld.idx.msk [tilespmem:v20+s28+$0x0], $0xffff;
	v3 =	vadd.f32 v19, v3  }
0x25b: {  	v12 =	vld.idx.msk [tilespmem:v12+s0+$0x0], $0xffff;
	v45 =	vadd.f32 v33, v32;
	v17 =	vsub.f32 v42, v23  }
0x25c: {  	v11 =	vld.idx.msk [tilespmem:v11+s0+$0x0], $0xffff;
	v3 =	vsub.f32 v3, v14  }
0x25d: {  	v9 =	vld.idx.msk [tilespmem:v9+s4+$0x0], $0xffff;
	v17 =	vadd.f32 v17, v28;
	v14 =	vsub.f32 v45, v24  }
0x25e: {  	v13 =	vld.idx.msk [tilespmem:v13+s4+$0x0], $0xffff;
	v6 =	vsub.f32 v27, v6;
	v3 =	vadd.f32 v3, v43  }
0x25f: {  	v8 =	vld.idx.msk [tilespmem:v8+s4+$0x0], $0xffff;
	v10 =	vsub.f32 v17, v10;
	v5 =	vadd.f32 v14, v5  }
0x260: {  	v7 =	vld.idx.msk [tilespmem:v7+s4+$0x0], $0xffff;
	v6 =	vadd.f32 v6, v15;
	v3 =	vsub.f32 v3, v12  }
0x261: {  	vm3 =	vlt.u32 v25, $0x400;
	v10 =	vadd.f32 v10, v44;
	v5 =	vsub.f32 v5, v11  }
0x262: {  	vm4 =	vlt.u32 v26, $0x400;
	v6 =	vsub.f32 v6, v9;
	v3 =	vadd.f32 v3, v18  }
0x263: {  	v9 =	vsel vm4, v30, v4;
	v10 =	vsub.f32 v10, v13;
	v5 =	vadd.f32 v5, v16  }
0x264: {  	[tilespmem:s8+$0x20] =	vst v9;
	v6 =	vsel vm3, v6, v4;
	v3 =	vsub.f32 v3, v8  }
0x265: {  	[tilespmem:s8+$0x10] =	vst v6;
	v6 =	vsel vm2, v10, v4;
	v5 =	vsub.f32 v5, v7  }
0x266: {  	[tilespmem:s8+$0xFFFFFFF0] =	vst v6;
	v3 =	vsel vm0, v3, v4  }
0x267: {  	v4 =	vsel vm1, v5, v4;
	[tilespmem:s8+$0x0] =	vst v3  }
0x268: {  	[tilespmem:s8+$0xFFFFFFE0] =	vst v4  }
0x269: {  	s14 =	simm.s32 $0x4000;
	s8 =	rddreg [dreg:$0xb]  }
0x26a: {  	[tilespmem:s14], [sflag:$0x2] =	stream.linear.gather [hbm4b:s8+s3], $0x4000, $0x38;
	[tilespmem:$0x198C0] =	vst v63  }
0x26b: {  	s9 =	simm.s32 $0xC000;
	s12 =	rddreg [dreg:$0xc]  }
0x26c: {  	[tilespmem:s9], [sflag:$0x4] =	stream.linear.gather [hbm4b:s12+s3], $0x4000, $0x38;
	[tilespmem:$0x198C0] =	vst v63  }
0x26d: {  	_ =	swait.ge [sflag:s29], $0x4000  }
0x26e: {  	[sflag:s29] =	ssyncset.done $0x0  }
0x26f: {  	[sflag:s29] =	ssyncadd.s32 $0xFFFFC000  }
0x270: {  	_ =	swait.ge [sflag:s22], $0x4000  }
0x271: {  	[sflag:s22] =	ssyncset.done $0x0  }
0x272: {  	s13 =	simm.s32 $0x40;
	[sflag:s22] =	ssyncadd.s32 $0xFFFFC000  }
0x273: {  	s15 =	simm.s32 $0x8040;
	v3 =	vld [tilespmem:s13+$0x30]  }
0x274: {  	v4 =	vld [tilespmem:s15+$0x30]  }
0x275: {  	v5 =	vld [tilespmem:s13+$0xFFFFFFD0]  }
0x276: {  	v6 =	vld [tilespmem:s15+$0xFFFFFFD0]  }
0x277: {  	v7 =	vld [tilespmem:s13+$0xFFFFFFE0]  }
0x278: {  	v8 =	vld [tilespmem:s15+$0xFFFFFFE0]  }
0x279: {  	v9 =	vld [tilespmem:s13+$0xFFFFFFF0]  }
0x27a: {  	v12 =	vld [tilespmem:s15+$0x10]  }
0x27b: {  	v13 =	vld [tilespmem:s15+$0x20]  }
0x27c: {  	s10 =	simm.s32 $0xC0;
	v14 =	vld [tilespmem:s13+$0xFFFFFFC0]  }
0x27d: {  	s8 =	simm.s32 $0x80C0;
	v15 =	vld [tilespmem:s10+$0x30]  }
0x27e: {  	v46 =	vld [tilespmem:s8+$0x30]  }
0x27f: {  	v47 =	vld [tilespmem:s8+$0xFFFFFFC0]  }
0x280: {  	v48 =	vld [tilespmem:s10+$0xFFFFFFD0]  }
0x281: {  	v52 =	vld [tilespmem:s10+$0x0]  }
0x282: {  	v3 =	vsub.s32 v4, v3;
	v4 =	vld [tilespmem:s15+$0xFFFFFFF0]  }
0x283: {  	v5 =	vsub.s32 v6, v5;
	v6 =	vld [tilespmem:s13+$0x0]  }
0x284: {  	v7 =	vsub.s32 v8, v7;
	v8 =	vld [tilespmem:s15+$0x0]  }
0x285: {  	v54 =	vld [tilespmem:s8+$0x0];
	v15 =	vsub.s32 v46, v15  }
0x286: {  	v56 =	vld [tilespmem:s8+$0x10];
	v10 =	vsub.s32 $0x0, v3;
	v11 =	vsub.s32 $0x0, v5;
	v16 =	vsub.s32 $0x0, v15  }
0x287: {  	v3 =	vmin.u32 v3, v10;
	v10 =	vld [tilespmem:s15+$0xFFFFFFC0];
	v5 =	vmin.u32 v5, v11;
	v11 =	vsub.s32 $0x0, v7  }
0x288: {  	v59 =	vld [tilespmem:s8+$0x20];
	vm13 =	vlt.s32 v3, $0x400;
	vm14 =	vlt.s32 v5, $0x400;
	v4 =	vsub.s32 v4, v9  }
0x289: {  	v7 =	vmin.u32 v7, v11;
	v9 =	vld [tilespmem:s13+$0x10];
	v6 =	vsub.s32 v8, v6;
	v11 =	vsub.s32 $0x0, v4  }
0x28a: {  	v3 =	vnsel vm13, $0x400, v3;
	v8 =	vsub.s32 $0x0, v6;
	v4 =	vmin.u32 v4, v11;
	v11 =	vld [tilespmem:s13+$0x20]  }
0x28b: {  	v15 =	vmin.u32 v15, v16;
	v5 =	vnsel vm14, $0x400, v5;
	v6 =	vmin.u32 v6, v8;
	v8 =	vld [tilespmem:s8+$0xFFFFFFD0]  }
0x28c: {  	vm15 =	vlt.s32 v7, $0x400;
	v10 =	vsub.s32 v10, v14;
	v14 =	vld [tilespmem:s8+$0xFFFFFFF0];
	vm5 =	vlt.s32 v6, $0x400  }
0x28d: {  	v7 =	vnsel vm15, $0x400, v7;
	vm4 =	vlt.s32 v4, $0x400;
	v50 =	vnsel vm5, $0x400, v6;
	v6 =	vld [tilespmem:s8+$0xFFFFFFE0]  }
0x28e: {  	vm7 =	vlt.s32 v15, $0x400;
	v4 =	vnsel vm4, $0x400, v4;
	v9 =	vsub.s32 v12, v9;
	v12 =	vld [tilespmem:s10+$0xFFFFFFE0]  }
0x28f: {  	v15 =	vnsel vm7, $0x400, v15;
	v51 =	vsub.s32 $0x0, v10;
	v3 =	vld.idx.msk [tilespmem:v3+s30+$0x0], $0xffff  }
0x290: {  	v10 =	vmin.u32 v10, v51;
	v49 =	vsub.s32 $0x0, v9;
	v11 =	vsub.s32 v13, v11;
	v13 =	vld [tilespmem:s10+$0xFFFFFFF0]  }
0x291: {  	v5 =	vld.idx.msk [tilespmem:v5+s30+$0x0], $0xffff;
	vm8 =	vlt.s32 v10, $0x400;
	v9 =	vmin.u32 v9, v49;
	v8 =	vsub.s32 v8, v48  }
0x292: {  	v7 =	vld.idx.msk [tilespmem:v7+s30+$0x0], $0xffff;
	v10 =	vnsel vm8, $0x400, v10;
	vm6 =	vlt.s32 v9, $0x400;
	v53 =	vsub.s32 $0x0, v8  }
0x293: {  	v57 =	vsub.s32 $0x0, v11;
	v4 =	vld.idx.msk [tilespmem:v4+s30+$0x0], $0xffff;
	v8 =	vmin.u32 v8, v53;
	v6 =	vsub.s32 v6, v12  }
0x294: {  	v9 =	vnsel vm6, $0x400, v9;
	v12 =	vld [tilespmem:s10+$0x10];
	vm9 =	vlt.s32 v8, $0x400;
	v55 =	vsub.s32 $0x0, v6  }
0x295: {  	v8 =	vnsel vm9, $0x400, v8;
	v6 =	vmin.u32 v6, v55;
	v13 =	vsub.s32 v14, v13;
	v14 =	vld [tilespmem:s10+$0x20]  }
0x296: {  	s9 =	simm.s32 $0x10040;
	v61 =	vld [tilespmem:s10+$0xFFFFFFC0];
	v11 =	vmin.u32 v11, v57;
	vm10 =	vlt.s32 v6, $0x400;
	v58 =	vsub.s32 $0x0, v13  }
0x297: {  	[tilespmem:s9+$0x30] =	vst v3;
	vm12 =	vlt.s32 v11, $0x400;
	v63 =	vld.idx.msk [tilespmem:v10+s30+$0x0], $0xffff;
	v60 =	vnsel vm10, $0x400, v6;
	v6 =	vmin.u32 v13, v58  }
0x298: {  	[tilespmem:s9+$0xFFFFFFD0] =	vst v5;
	v11 =	vnsel vm12, $0x400, v11;
	v13 =	vld.idx.msk [tilespmem:v15+s30+$0x0], $0xffff;
	v15 =	vsub.s32 v54, v52;
	vm11 =	vlt.s32 v6, $0x400  }
0x299: {  	[tilespmem:s9+$0xFFFFFFE0] =	vst v7;
	v7 =	vld.idx.msk [tilespmem:v50+s30+$0x0], $0xffff;
	v3 =	vsub.s32 $0x0, v15;
	v5 =	vsub.s32 v56, v12;
	v62 =	vnsel vm11, $0x400, v6  }
0x29a: {  	[tilespmem:s9+$0xFFFFFFF0] =	vst v4;
	v3 =	vmin.u32 v15, v3;
	v6 =	vld.idx.msk [tilespmem:v8+s30+$0x0], $0xffff;
	v4 =	vsub.s32 $0x0, v5;
	v10 =	vsub.s32 v59, v14  }
0x29b: {  	v9 =	vld.idx.msk [tilespmem:v9+s30+$0x0], $0xffff;
	vm13 =	vlt.s32 v3, $0x400;
	v4 =	vmin.u32 v5, v4;
	v12 =	vsub.s32 $0x0, v10  }
0x29c: {  	v5 =	vsub.s32 v47, v61;
	v3 =	vnsel vm13, $0x400, v3;
	v8 =	vld.idx.msk [tilespmem:v60+s30+$0x0], $0xffff;
	v14 =	vmin.u32 v10, v12  }
0x29d: {  	s10 =	simm.s32 $0x100C0;
	[tilespmem:s9+$0xFFFFFFC0] =	vst v63;
	v11 =	vld.idx.msk [tilespmem:v11+s30+$0x0], $0xffff;
	vm14 =	vlt.s32 v4, $0x400;
	v12 =	vsub.s32 $0x0, v5;
	vm15 =	vlt.s32 v14, $0x400  }
0x29e: {  	s11 =	simm.s32 $0x8;
	s12 =	simm.s32 $0x140;
	[tilespmem:s10+$0x30] =	vst v13;
	v4 =	vnsel vm14, $0x400, v4;
	v12 =	vmin.u32 v5, v12;
	v10 =	vld.idx.msk [tilespmem:v62+s30+$0x0], $0xffff;
	v5 =	vnsel vm15, $0x400, v14  }
.LBB2_8:
0x29f: {  	v13 =	vld [tilespmem:s12+$0x30];
	vm0 =	vlt.s32 v12, $0x400;
	[tilespmem:s10+$0xFFFFFFD0] =	vst v6;
	s8 =	sadd.s32 $0x80, s8  }
0x2a0: {  	s11 =	sadd.s32 $0x8, s11;
	v6 =	vld [tilespmem:s8+$0x30];
	v12 =	vnsel vm0, $0x400, v12;
	[tilespmem:s9+$0x0] =	vst v7  }
0x2a1: {  	p0 =	slt.u32 s11, $0x3F8;
	v14 =	vld [tilespmem:s8+$0xFFFFFFC0];
	[tilespmem:s10+$0xFFFFFFE0] =	vst v8  }
0x2a2: {  	v7 =	vld [tilespmem:s12+$0xFFFFFFD0];
	[tilespmem:s9+$0x10] =	vst v9  }
0x2a3: {  	v8 =	vld [tilespmem:s8+$0xFFFFFFD0];
	[tilespmem:s10+$0xFFFFFFF0] =	vst v10  }
0x2a4: {  	v9 =	vld [tilespmem:s12+$0xFFFFFFE0];
	[tilespmem:s9+$0x20] =	vst v11;
	s9 =	smov.u32 s10  }
0x2a5: {  	v10 =	vld [tilespmem:s8+$0xFFFFFFE0];
	v6 =	vsub.s32 v6, v13  }
0x2a6: {  	v11 =	vld [tilespmem:s12+$0xFFFFFFF0];
	v13 =	vsub.s32 $0x0, v6  }
0x2a7: {  	v15 =	vld [tilespmem:s8+$0xFFFFFFF0];
	v6 =	vmin.u32 v6, v13  }
0x2a8: {  	v7 =	vsub.s32 v8, v7;
	v8 =	vld [tilespmem:s12+$0x0];
	vm0 =	vlt.s32 v6, $0x400  }
0x2a9: {  	v13 =	vsub.s32 $0x0, v7;
	v16 =	vld [tilespmem:s8+$0x0];
	v6 =	vnsel vm0, $0x400, v6  }
0x2aa: {  	v7 =	vmin.u32 v7, v13;
	v9 =	vsub.s32 v10, v9;
	v10 =	vld [tilespmem:s12+$0x10]  }
0x2ab: {  	vm0 =	vlt.s32 v7, $0x400;
	v13 =	vsub.s32 $0x0, v9;
	v17 =	vld [tilespmem:s8+$0x10]  }
0x2ac: {  	v7 =	vnsel vm0, $0x400, v7;
	v9 =	vmin.u32 v9, v13;
	v11 =	vsub.s32 v15, v11;
	v13 =	vld [tilespmem:s12+$0x20]  }
0x2ad: {  	vm0 =	vlt.s32 v9, $0x400;
	v15 =	vsub.s32 $0x0, v11;
	v18 =	vld [tilespmem:s8+$0x20]  }
0x2ae: {  	v9 =	vnsel vm0, $0x400, v9;
	v11 =	vmin.u32 v11, v15;
	v8 =	vsub.s32 v16, v8;
	v15 =	vld.idx.msk [tilespmem:v6+s30+$0x0], $0xffff  }
0x2af: {  	v16 =	vld [tilespmem:s12+$0xFFFFFFC0];
	vm0 =	vlt.s32 v11, $0x400;
	v6 =	vsub.s32 $0x0, v8  }
0x2b0: {  	v11 =	vnsel vm0, $0x400, v11;
	v8 =	vmin.u32 v8, v6;
	v10 =	vsub.s32 v17, v10;
	v17 =	vld.idx.msk [tilespmem:v12+s30+$0x0], $0xffff  }
0x2b1: {  	v6 =	vld.idx.msk [tilespmem:v7+s30+$0x0], $0xffff;
	vm0 =	vlt.s32 v8, $0x400;
	v7 =	vsub.s32 $0x0, v10  }
.Ltmp3:
0x2b2: {  	v10 =	vmin.u32 v10, v7;
	v12 =	vsub.s32 v18, v13;
	v7 =	vld.idx.msk [tilespmem:v3+s30+$0x0], $0xffff;
	v3 =	vnsel vm0, $0x400, v8;
	(pc) =	sbr.rel @p0 .LBB2_8-.Ltmp3, $4  }
0x2b3: {  	s10 =	sadd.s32 $0x80, s10;
	v8 =	vld.idx.msk [tilespmem:v9+s30+$0x0], $0xffff;
	vm0 =	vlt.s32 v10, $0x400;
	v9 =	vsub.s32 $0x0, v12  }
0x2b4: {  	v13 =	vsub.s32 v14, v16;
	v14 =	vmin.u32 v12, v9;
	[tilespmem:s10+$0x30] =	vst v15;
	v9 =	vld.idx.msk [tilespmem:v4+s30+$0x0], $0xffff;
	v4 =	vnsel vm0, $0x400, v10  }
0x2b5: {  	v12 =	vsub.s32 $0x0, v13;
	v10 =	vld.idx.msk [tilespmem:v11+s30+$0x0], $0xffff;
	vm0 =	vlt.s32 v14, $0x400  }
0x2b6: {  	s12 =	sadd.s32 $0x80, s12;
	v12 =	vmin.u32 v13, v12;
	[tilespmem:s9+$0xFFFFFFC0] =	vst v17;
	v11 =	vld.idx.msk [tilespmem:v5+s30+$0x0], $0xffff;
	v5 =	vnsel vm0, $0x400, v14  }
0x2b7: {  	_ = 	snop  }
0x2b8: {  	vm0 =	vlt.s32 v12, $0x400  }
0x2b9: {  	v12 =	vnsel vm0, $0x400, v12  }
0x2ba: {  	[tilespmem:s10+$0xFFFFFFD0] =	vst v6  }
0x2bb: {  	[tilespmem:s9+$0x0] =	vst v7;
	v3 =	vld.idx.msk [tilespmem:v3+s30+$0x0], $0xffff  }
0x2bc: {  	v4 =	vld.idx.msk [tilespmem:v4+s30+$0x0], $0xffff;
	[tilespmem:s10+$0xFFFFFFE0] =	vst v8  }
0x2bd: {  	v5 =	vld.idx.msk [tilespmem:v5+s30+$0x0], $0xffff;
	[tilespmem:s9+$0x10] =	vst v9  }
0x2be: {  	[tilespmem:s10+$0xFFFFFFF0] =	vst v10;
	v6 =	vld.idx.msk [tilespmem:v12+s30+$0x0], $0xffff  }
0x2bf: {  	[tilespmem:s9+$0x20] =	vst v11  }
0x2c0: {  	[tilespmem:s10+$0x0] =	vst v3  }
0x2c1: {  	[tilespmem:s10+$0x10] =	vst v4  }
0x2c2: {  	[tilespmem:s10+$0x20] =	vst v5  }
0x2c3: {  	[tilespmem:s10+$0xFFFFFFC0] =	vst v6  }
0x2c4: {  	s15 =	simm.s32 $0x10000;
	s8 =	rddreg [dreg:$0xd]  }
0x2c5: {  	[hbm4b:s8+s3] =	stream.linear.scatter [tilespmem:s15], [sflag:$0x5], $0x4000, $0x38;
	[tilespmem:$0x198C0] =	vst v63  }
0x2c6: {  	s9 =	rddreg [dreg:$0xe]  }
0x2c7: {  	[tilespmem:s3], [sflag:$0x1] =	stream.linear.gather [hbm4b:s9+s3], $0x4000, $0x38;
	[tilespmem:$0x198C0] =	vst v63  }
0x2c8: {  	s13 =	simm.s32 $0x8000;
	s10 =	rddreg [dreg:$0xf]  }
0x2c9: {  	[tilespmem:s13], [sflag:$0x3] =	stream.linear.gather [hbm4b:s10+s3], $0x4000, $0x38;
	[tilespmem:$0x198C0] =	vst v63  }
0x2ca: {  	_ =	swait.ge [sflag:s2], $0x4000  }
0x2cb: {  	[sflag:s2] =	ssyncset.done $0x0  }
0x2cc: {  	[sflag:s2] =	ssyncadd.s32 $0xFFFFC000  }
0x2cd: {  	_ =	swait.ge [sflag:s5], $0x4000  }
0x2ce: {  	[sflag:s5] =	ssyncset.done $0x0  }
0x2cf: {  	s11 =	simm.s32 $0x4040;
	[sflag:s5] =	ssyncadd.s32 $0xFFFFC000  }
0x2d0: {  	s12 =	simm.s32 $0xC040;
	v3 =	vld [tilespmem:s11+$0x30]  }
0x2d1: {  	v4 =	vld [tilespmem:s12+$0x30]  }
0x2d2: {  	v5 =	vld [tilespmem:s11+$0xFFFFFFD0]  }
0x2d3: {  	v6 =	vld [tilespmem:s12+$0xFFFFFFD0]  }
0x2d4: {  	v7 =	vld [tilespmem:s11+$0xFFFFFFE0]  }
0x2d5: {  	v8 =	vld [tilespmem:s12+$0xFFFFFFE0]  }
0x2d6: {  	v9 =	vld [tilespmem:s11+$0xFFFFFFF0]  }
0x2d7: {  	v12 =	vld [tilespmem:s12+$0x10]  }
0x2d8: {  	v13 =	vld [tilespmem:s12+$0x20]  }
0x2d9: {  	s15 =	simm.s32 $0x40C0;
	v14 =	vld [tilespmem:s11+$0xFFFFFFC0]  }
0x2da: {  	s8 =	simm.s32 $0xC0C0;
	v15 =	vld [tilespmem:s15+$0x30]  }
0x2db: {  	v16 =	vld [tilespmem:s8+$0x30]  }
0x2dc: {  	v17 =	vld [tilespmem:s8+$0xFFFFFFC0]  }
0x2dd: {  	v18 =	vld [tilespmem:s15+$0xFFFFFFD0]  }
0x2de: {  	v56 =	vld [tilespmem:s15+$0x0]  }
0x2df: {  	v3 =	vsub.s32 v4, v3;
	v4 =	vld [tilespmem:s12+$0xFFFFFFF0]  }
0x2e0: {  	v5 =	vsub.s32 v6, v5;
	v6 =	vld [tilespmem:s11+$0x0]  }
0x2e1: {  	v7 =	vsub.s32 v8, v7;
	v8 =	vld [tilespmem:s12+$0x0]  }
0x2e2: {  	v21 =	vld [tilespmem:s8+$0x0];
	v15 =	vsub.s32 v16, v15  }
0x2e3: {  	v22 =	vld [tilespmem:s8+$0x10];
	v10 =	vsub.s32 $0x0, v3;
	v11 =	vsub.s32 $0x0, v5;
	v16 =	vsub.s32 $0x0, v15  }
0x2e4: {  	v3 =	vmin.u32 v3, v10;
	v10 =	vld [tilespmem:s12+$0xFFFFFFC0];
	v5 =	vmin.u32 v5, v11;
	v11 =	vsub.s32 $0x0, v7  }
0x2e5: {  	v60 =	vld [tilespmem:s8+$0x20];
	vm14 =	vlt.s32 v3, $0x400;
	vm15 =	vlt.s32 v5, $0x400;
	v4 =	vsub.s32 v4, v9  }
0x2e6: {  	v7 =	vmin.u32 v7, v11;
	v9 =	vld [tilespmem:s11+$0x10];
	v6 =	vsub.s32 v8, v6;
	v11 =	vsub.s32 $0x0, v4  }
0x2e7: {  	v3 =	vnsel vm14, $0x400, v3;
	v8 =	vsub.s32 $0x0, v6;
	v4 =	vmin.u32 v4, v11;
	v11 =	vld [tilespmem:s11+$0x20]  }
0x2e8: {  	v15 =	vmin.u32 v15, v16;
	v5 =	vnsel vm15, $0x400, v5;
	v6 =	vmin.u32 v6, v8;
	v8 =	vld [tilespmem:s8+$0xFFFFFFD0]  }
0x2e9: {  	vm4 =	vlt.s32 v7, $0x400;
	v10 =	vsub.s32 v10, v14;
	v14 =	vld [tilespmem:s8+$0xFFFFFFF0];
	vm6 =	vlt.s32 v6, $0x400  }
0x2ea: {  	v7 =	vnsel vm4, $0x400, v7;
	vm5 =	vlt.s32 v4, $0x400;
	v20 =	vnsel vm6, $0x400, v6;
	v6 =	vld [tilespmem:s8+$0xFFFFFFE0]  }
0x2eb: {  	v55 =	vsub.s32 $0x0, v10;
	v4 =	vnsel vm5, $0x400, v4;
	v9 =	vsub.s32 v12, v9;
	v12 =	vld [tilespmem:s15+$0xFFFFFFE0]  }
0x2ec: {  	vm7 =	vlt.s32 v15, $0x400;
	v3 =	vld.idx.msk [tilespmem:v3+s30+$0x0], $0xffff;
	v10 =	vmin.u32 v10, v55  }
0x2ed: {  	v15 =	vnsel vm7, $0x400, v15;
	vm8 =	vlt.s32 v10, $0x400;
	v11 =	vsub.s32 v13, v11;
	v13 =	vld [tilespmem:s15+$0xFFFFFFF0]  }
0x2ee: {  	v5 =	vld.idx.msk [tilespmem:v5+s30+$0x0], $0xffff;
	v19 =	vsub.s32 $0x0, v9;
	v10 =	vnsel vm8, $0x400, v10;
	v8 =	vsub.s32 v8, v18  }
0x2ef: {  	v7 =	vld.idx.msk [tilespmem:v7+s30+$0x0], $0xffff;
	v9 =	vmin.u32 v9, v19;
	v54 =	vsub.s32 $0x0, v11;
	v57 =	vsub.s32 $0x0, v8  }
0x2f0: {  	vm11 =	vlt.s32 v9, $0x400;
	v4 =	vld.idx.msk [tilespmem:v4+s30+$0x0], $0xffff;
	v8 =	vmin.u32 v8, v57;
	v6 =	vsub.s32 v6, v12  }
0x2f1: {  	v11 =	vmin.u32 v11, v54;
	v12 =	vld [tilespmem:s15+$0x10];
	vm9 =	vlt.s32 v8, $0x400;
	v58 =	vsub.s32 $0x0, v6  }
0x2f2: {  	v8 =	vnsel vm9, $0x400, v8;
	v6 =	vmin.u32 v6, v58;
	v13 =	vsub.s32 v14, v13;
	v14 =	vld [tilespmem:s15+$0x20]  }
0x2f3: {  	s9 =	simm.s32 $0x14040;
	v62 =	vld [tilespmem:s15+$0xFFFFFFC0];
	v9 =	vnsel vm11, $0x400, v9;
	vm10 =	vlt.s32 v6, $0x400;
	v59 =	vsub.s32 $0x0, v13  }
0x2f4: {  	v15 =	vld.idx.msk [tilespmem:v15+s30+$0x0], $0xffff;
	[tilespmem:s9+$0x30] =	vst v3;
	vm1 =	vlt.s32 v11, $0x400;
	v13 =	vmin.u32 v13, v59;
	v61 =	vnsel vm10, $0x400, v6  }
0x2f5: {  	[tilespmem:s9+$0xFFFFFFE0] =	vst v7;
	v7 =	vld.idx.msk [tilespmem:v20+s30+$0x0], $0xffff;
	v11 =	vnsel vm1, $0x400, v11;
	v6 =	vsub.s32 v21, v56;
	vm12 =	vlt.s32 v13, $0x400  }
0x2f6: {  	[tilespmem:s9+$0xFFFFFFD0] =	vst v5;
	v63 =	vld.idx.msk [tilespmem:v10+s30+$0x0], $0xffff;
	v3 =	vsub.s32 $0x0, v6;
	v5 =	vsub.s32 v22, v12;
	v13 =	vnsel vm12, $0x400, v13  }
0x2f7: {  	[tilespmem:s9+$0xFFFFFFF0] =	vst v4;
	v3 =	vmin.u32 v6, v3;
	v6 =	vld.idx.msk [tilespmem:v8+s30+$0x0], $0xffff;
	v4 =	vsub.s32 $0x0, v5;
	v10 =	vsub.s32 v60, v14  }
0x2f8: {  	v9 =	vld.idx.msk [tilespmem:v9+s30+$0x0], $0xffff;
	vm13 =	vlt.s32 v3, $0x400;
	v4 =	vmin.u32 v5, v4;
	v12 =	vsub.s32 $0x0, v10  }
0x2f9: {  	s10 =	simm.s32 $0x140C0;
	v5 =	vsub.s32 v17, v62;
	v3 =	vnsel vm13, $0x400, v3;
	v8 =	vld.idx.msk [tilespmem:v61+s30+$0x0], $0xffff;
	v14 =	vmin.u32 v10, v12  }
0x2fa: {  	[tilespmem:s10+$0x30] =	vst v15;
	v11 =	vld.idx.msk [tilespmem:v11+s30+$0x0], $0xffff;
	vm14 =	vlt.s32 v4, $0x400;
	v12 =	vsub.s32 $0x0, v5;
	vm15 =	vlt.s32 v14, $0x400  }
0x2fb: {  	s12 =	simm.s32 $0x4140;
	s11 =	simm.s32 $0x8;
	[tilespmem:s9+$0xFFFFFFC0] =	vst v63;
	v4 =	vnsel vm14, $0x400, v4;
	v12 =	vmin.u32 v5, v12;
	v10 =	vld.idx.msk [tilespmem:v13+s30+$0x0], $0xffff;
	v5 =	vnsel vm15, $0x400, v14  }
.LBB2_10:
0x2fc: {  	v13 =	vld [tilespmem:s12+$0x30];
	vm0 =	vlt.s32 v12, $0x400;
	[tilespmem:s10+$0xFFFFFFD0] =	vst v6;
	s8 =	sadd.s32 $0x80, s8  }
0x2fd: {  	s11 =	sadd.s32 $0x8, s11;
	v6 =	vld [tilespmem:s8+$0x30];
	v12 =	vnsel vm0, $0x400, v12;
	[tilespmem:s9+$0x0] =	vst v7  }
0x2fe: {  	p0 =	slt.u32 s11, $0x3F8;
	v14 =	vld [tilespmem:s8+$0xFFFFFFC0];
	[tilespmem:s10+$0xFFFFFFE0] =	vst v8  }
0x2ff: {  	v7 =	vld [tilespmem:s12+$0xFFFFFFD0];
	[tilespmem:s9+$0x10] =	vst v9  }
0x300: {  	v8 =	vld [tilespmem:s8+$0xFFFFFFD0];
	[tilespmem:s10+$0xFFFFFFF0] =	vst v10  }
0x301: {  	v9 =	vld [tilespmem:s12+$0xFFFFFFE0];
	[tilespmem:s9+$0x20] =	vst v11;
	s9 =	smov.u32 s10  }
0x302: {  	v10 =	vld [tilespmem:s8+$0xFFFFFFE0];
	v6 =	vsub.s32 v6, v13  }
0x303: {  	v11 =	vld [tilespmem:s12+$0xFFFFFFF0];
	v13 =	vsub.s32 $0x0, v6  }
0x304: {  	v15 =	vld [tilespmem:s8+$0xFFFFFFF0];
	v6 =	vmin.u32 v6, v13  }
0x305: {  	v7 =	vsub.s32 v8, v7;
	v8 =	vld [tilespmem:s12+$0x0];
	vm0 =	vlt.s32 v6, $0x400  }
0x306: {  	v13 =	vsub.s32 $0x0, v7;
	v16 =	vld [tilespmem:s8+$0x0];
	v6 =	vnsel vm0, $0x400, v6  }
0x307: {  	v7 =	vmin.u32 v7, v13;
	v9 =	vsub.s32 v10, v9;
	v10 =	vld [tilespmem:s12+$0x10]  }
0x308: {  	vm0 =	vlt.s32 v7, $0x400;
	v13 =	vsub.s32 $0x0, v9;
	v17 =	vld [tilespmem:s8+$0x10]  }
0x309: {  	v7 =	vnsel vm0, $0x400, v7;
	v9 =	vmin.u32 v9, v13;
	v11 =	vsub.s32 v15, v11;
	v13 =	vld [tilespmem:s12+$0x20]  }
0x30a: {  	vm0 =	vlt.s32 v9, $0x400;
	v15 =	vsub.s32 $0x0, v11;
	v18 =	vld [tilespmem:s8+$0x20]  }
0x30b: {  	v9 =	vnsel vm0, $0x400, v9;
	v11 =	vmin.u32 v11, v15;
	v8 =	vsub.s32 v16, v8;
	v15 =	vld.idx.msk [tilespmem:v6+s30+$0x0], $0xffff  }
0x30c: {  	v16 =	vld [tilespmem:s12+$0xFFFFFFC0];
	vm0 =	vlt.s32 v11, $0x400;
	v6 =	vsub.s32 $0x0, v8  }
0x30d: {  	v11 =	vnsel vm0, $0x400, v11;
	v8 =	vmin.u32 v8, v6;
	v10 =	vsub.s32 v17, v10;
	v17 =	vld.idx.msk [tilespmem:v12+s30+$0x0], $0xffff  }
0x30e: {  	v6 =	vld.idx.msk [tilespmem:v7+s30+$0x0], $0xffff;
	vm0 =	vlt.s32 v8, $0x400;
	v7 =	vsub.s32 $0x0, v10  }
.Ltmp4:
0x30f: {  	v10 =	vmin.u32 v10, v7;
	v12 =	vsub.s32 v18, v13;
	v7 =	vld.idx.msk [tilespmem:v3+s30+$0x0], $0xffff;
	v3 =	vnsel vm0, $0x400, v8;
	(pc) =	sbr.rel @p0 .LBB2_10-.Ltmp4, $4  }
0x310: {  	s10 =	sadd.s32 $0x80, s10;
	v8 =	vld.idx.msk [tilespmem:v9+s30+$0x0], $0xffff;
	vm0 =	vlt.s32 v10, $0x400;
	v9 =	vsub.s32 $0x0, v12  }
0x311: {  	v13 =	vsub.s32 v14, v16;
	v14 =	vmin.u32 v12, v9;
	[tilespmem:s10+$0x30] =	vst v15;
	v9 =	vld.idx.msk [tilespmem:v4+s30+$0x0], $0xffff;
	v4 =	vnsel vm0, $0x400, v10  }
0x312: {  	v12 =	vsub.s32 $0x0, v13;
	v10 =	vld.idx.msk [tilespmem:v11+s30+$0x0], $0xffff;
	vm0 =	vlt.s32 v14, $0x400  }
0x313: {  	s12 =	sadd.s32 $0x80, s12;
	v12 =	vmin.u32 v13, v12;
	[tilespmem:s9+$0xFFFFFFC0] =	vst v17;
	v11 =	vld.idx.msk [tilespmem:v5+s30+$0x0], $0xffff;
	v5 =	vnsel vm0, $0x400, v14  }
0x314: {  	_ = 	snop  }
0x315: {  	vm0 =	vlt.s32 v12, $0x400  }
0x316: {  	v12 =	vnsel vm0, $0x400, v12  }
0x317: {  	[tilespmem:s10+$0xFFFFFFD0] =	vst v6  }
0x318: {  	[tilespmem:s9+$0x0] =	vst v7;
	v3 =	vld.idx.msk [tilespmem:v3+s30+$0x0], $0xffff  }
0x319: {  	v4 =	vld.idx.msk [tilespmem:v4+s30+$0x0], $0xffff;
	[tilespmem:s10+$0xFFFFFFE0] =	vst v8  }
0x31a: {  	v5 =	vld.idx.msk [tilespmem:v5+s30+$0x0], $0xffff;
	[tilespmem:s9+$0x10] =	vst v9  }
0x31b: {  	[tilespmem:s10+$0xFFFFFFF0] =	vst v10;
	v6 =	vld.idx.msk [tilespmem:v12+s30+$0x0], $0xffff  }
0x31c: {  	[tilespmem:s9+$0x20] =	vst v11  }
0x31d: {  	[tilespmem:s10+$0x0] =	vst v3  }
0x31e: {  	[tilespmem:s10+$0x10] =	vst v4  }
0x31f: {  	[tilespmem:s10+$0x20] =	vst v5  }
0x320: {  	s8 =	simm.s32 $0x14000;
	[tilespmem:s10+$0xFFFFFFC0] =	vst v6  }
0x321: {  	[hbm4b:s16+s3] =	stream.linear.scatter [tilespmem:s8], [sflag:$0x6], $0x4000, $0x38;
	[tilespmem:$0x198C0] =	vst v63  }
0x322: {  	_ = 	snop  }
0x323: {  	[tilespmem:s14], [sflag:$0x2] =	stream.linear.gather [hbm4b:s17+s3], $0x4000, $0x38;
	[tilespmem:$0x198C0] =	vst v63  }
0x324: {  	s11 =	simm.s32 $0xC000  }
0x325: {  	[tilespmem:s11], [sflag:$0x4] =	stream.linear.gather [hbm4b:s18+s3], $0x4000, $0x38;
	[tilespmem:$0x198C0] =	vst v63  }
0x326: {  	_ =	swait.ge [sflag:s29], $0x4000  }
0x327: {  	[sflag:s29] =	ssyncset.done $0x0  }
0x328: {  	[sflag:s29] =	ssyncadd.s32 $0xFFFFC000  }
0x329: {  	_ =	swait.ge [sflag:s22], $0x4000  }
0x32a: {  	[sflag:s22] =	ssyncset.done $0x0  }
0x32b: {  	[sflag:s22] =	ssyncadd.s32 $0xFFFFC000  }
0x32c: {  	_ =	swait.ge [sflag:s1], $0x4000  }
0x32d: {  	[sflag:s1] =	ssyncset.done $0x0  }
0x32e: {  	s12 =	simm.s32 $0x40;
	[sflag:s1] =	ssyncadd.s32 $0xFFFFC000  }
0x32f: {  	s14 =	simm.s32 $0x8040;
	v3 =	vld [tilespmem:s12+$0x30]  }
0x330: {  	v4 =	vld [tilespmem:s14+$0x30]  }
0x331: {  	v5 =	vld [tilespmem:s12+$0xFFFFFFD0]  }
0x332: {  	v6 =	vld [tilespmem:s14+$0xFFFFFFD0]  }
0x333: {  	v7 =	vld [tilespmem:s12+$0xFFFFFFE0]  }
0x334: {  	v8 =	vld [tilespmem:s14+$0xFFFFFFE0]  }
0x335: {  	v9 =	vld [tilespmem:s12+$0xFFFFFFF0]  }
0x336: {  	v12 =	vld [tilespmem:s14+$0x10]  }
0x337: {  	v13 =	vld [tilespmem:s14+$0x20]  }
0x338: {  	s15 =	simm.s32 $0xC0;
	v14 =	vld [tilespmem:s12+$0xFFFFFFC0]  }
0x339: {  	s8 =	simm.s32 $0x80C0;
	v15 =	vld [tilespmem:s15+$0x30]  }
0x33a: {  	v16 =	vld [tilespmem:s8+$0x30]  }
0x33b: {  	v17 =	vld [tilespmem:s8+$0xFFFFFFC0]  }
0x33c: {  	v18 =	vld [tilespmem:s15+$0xFFFFFFD0]  }
0x33d: {  	v56 =	vld [tilespmem:s15+$0x0]  }
0x33e: {  	v3 =	vsub.s32 v4, v3;
	v4 =	vld [tilespmem:s14+$0xFFFFFFF0]  }
0x33f: {  	v5 =	vsub.s32 v6, v5;
	v6 =	vld [tilespmem:s12+$0x0]  }
0x340: {  	v7 =	vsub.s32 v8, v7;
	v8 =	vld [tilespmem:s14+$0x0]  }
0x341: {  	v21 =	vld [tilespmem:s8+$0x0];
	v15 =	vsub.s32 v16, v15  }
0x342: {  	v22 =	vld [tilespmem:s8+$0x10];
	v10 =	vsub.s32 $0x0, v3;
	v11 =	vsub.s32 $0x0, v5;
	v16 =	vsub.s32 $0x0, v15  }
0x343: {  	v3 =	vmin.u32 v3, v10;
	v10 =	vld [tilespmem:s14+$0xFFFFFFC0];
	v5 =	vmin.u32 v5, v11;
	v11 =	vsub.s32 $0x0, v7  }
0x344: {  	v60 =	vld [tilespmem:s8+$0x20];
	vm14 =	vlt.s32 v3, $0x400;
	vm15 =	vlt.s32 v5, $0x400;
	v4 =	vsub.s32 v4, v9  }
0x345: {  	v7 =	vmin.u32 v7, v11;
	v9 =	vld [tilespmem:s12+$0x10];
	v6 =	vsub.s32 v8, v6;
	v11 =	vsub.s32 $0x0, v4  }
0x346: {  	v3 =	vnsel vm14, $0x400, v3;
	v8 =	vsub.s32 $0x0, v6;
	v4 =	vmin.u32 v4, v11;
	v11 =	vld [tilespmem:s12+$0x20]  }
0x347: {  	v15 =	vmin.u32 v15, v16;
	v5 =	vnsel vm15, $0x400, v5;
	v6 =	vmin.u32 v6, v8;
	v8 =	vld [tilespmem:s8+$0xFFFFFFD0]  }
0x348: {  	vm4 =	vlt.s32 v7, $0x400;
	v10 =	vsub.s32 v10, v14;
	v14 =	vld [tilespmem:s8+$0xFFFFFFF0];
	vm6 =	vlt.s32 v6, $0x400  }
0x349: {  	v7 =	vnsel vm4, $0x400, v7;
	vm5 =	vlt.s32 v4, $0x400;
	v20 =	vnsel vm6, $0x400, v6;
	v6 =	vld [tilespmem:s8+$0xFFFFFFE0]  }
0x34a: {  	v55 =	vsub.s32 $0x0, v10;
	v4 =	vnsel vm5, $0x400, v4;
	v9 =	vsub.s32 v12, v9;
	v12 =	vld [tilespmem:s15+$0xFFFFFFE0]  }
0x34b: {  	vm7 =	vlt.s32 v15, $0x400;
	v3 =	vld.idx.msk [tilespmem:v3+s30+$0x0], $0xffff;
	v10 =	vmin.u32 v10, v55  }
0x34c: {  	v15 =	vnsel vm7, $0x400, v15;
	vm8 =	vlt.s32 v10, $0x400;
	v11 =	vsub.s32 v13, v11;
	v13 =	vld [tilespmem:s15+$0xFFFFFFF0]  }
0x34d: {  	v5 =	vld.idx.msk [tilespmem:v5+s30+$0x0], $0xffff;
	v19 =	vsub.s32 $0x0, v9;
	v10 =	vnsel vm8, $0x400, v10;
	v8 =	vsub.s32 v8, v18  }
0x34e: {  	v7 =	vld.idx.msk [tilespmem:v7+s30+$0x0], $0xffff;
	v9 =	vmin.u32 v9, v19;
	v54 =	vsub.s32 $0x0, v11;
	v57 =	vsub.s32 $0x0, v8  }
0x34f: {  	vm11 =	vlt.s32 v9, $0x400;
	v4 =	vld.idx.msk [tilespmem:v4+s30+$0x0], $0xffff;
	v8 =	vmin.u32 v8, v57;
	v6 =	vsub.s32 v6, v12  }
0x350: {  	v11 =	vmin.u32 v11, v54;
	v12 =	vld [tilespmem:s15+$0x10];
	vm9 =	vlt.s32 v8, $0x400;
	v58 =	vsub.s32 $0x0, v6  }
0x351: {  	v8 =	vnsel vm9, $0x400, v8;
	v6 =	vmin.u32 v6, v58;
	v13 =	vsub.s32 v14, v13;
	v14 =	vld [tilespmem:s15+$0x20]  }
0x352: {  	s9 =	simm.s32 $0x10040;
	v62 =	vld [tilespmem:s15+$0xFFFFFFC0];
	v9 =	vnsel vm11, $0x400, v9;
	vm10 =	vlt.s32 v6, $0x400;
	v59 =	vsub.s32 $0x0, v13  }
0x353: {  	v15 =	vld.idx.msk [tilespmem:v15+s30+$0x0], $0xffff;
	[tilespmem:s9+$0x30] =	vst v3;
	vm1 =	vlt.s32 v11, $0x400;
	v13 =	vmin.u32 v13, v59;
	v61 =	vnsel vm10, $0x400, v6  }
0x354: {  	[tilespmem:s9+$0xFFFFFFE0] =	vst v7;
	v7 =	vld.idx.msk [tilespmem:v20+s30+$0x0], $0xffff;
	v11 =	vnsel vm1, $0x400, v11;
	v6 =	vsub.s32 v21, v56;
	vm12 =	vlt.s32 v13, $0x400  }
0x355: {  	[tilespmem:s9+$0xFFFFFFD0] =	vst v5;
	v63 =	vld.idx.msk [tilespmem:v10+s30+$0x0], $0xffff;
	v3 =	vsub.s32 $0x0, v6;
	v5 =	vsub.s32 v22, v12;
	v13 =	vnsel vm12, $0x400, v13  }
0x356: {  	[tilespmem:s9+$0xFFFFFFF0] =	vst v4;
	v3 =	vmin.u32 v6, v3;
	v6 =	vld.idx.msk [tilespmem:v8+s30+$0x0], $0xffff;
	v4 =	vsub.s32 $0x0, v5;
	v10 =	vsub.s32 v60, v14  }
0x357: {  	v9 =	vld.idx.msk [tilespmem:v9+s30+$0x0], $0xffff;
	vm13 =	vlt.s32 v3, $0x400;
	v4 =	vmin.u32 v5, v4;
	v12 =	vsub.s32 $0x0, v10  }
0x358: {  	s10 =	simm.s32 $0x100C0;
	v5 =	vsub.s32 v17, v62;
	v3 =	vnsel vm13, $0x400, v3;
	v8 =	vld.idx.msk [tilespmem:v61+s30+$0x0], $0xffff;
	v14 =	vmin.u32 v10, v12  }
0x359: {  	[tilespmem:s10+$0x30] =	vst v15;
	v11 =	vld.idx.msk [tilespmem:v11+s30+$0x0], $0xffff;
	vm14 =	vlt.s32 v4, $0x400;
	v12 =	vsub.s32 $0x0, v5;
	vm15 =	vlt.s32 v14, $0x400  }
0x35a: {  	s11 =	simm.s32 $0x8;
	s12 =	simm.s32 $0x140;
	[tilespmem:s9+$0xFFFFFFC0] =	vst v63;
	v4 =	vnsel vm14, $0x400, v4;
	v12 =	vmin.u32 v5, v12;
	v10 =	vld.idx.msk [tilespmem:v13+s30+$0x0], $0xffff;
	v5 =	vnsel vm15, $0x400, v14  }
.LBB2_12:
0x35b: {  	v13 =	vld [tilespmem:s12+$0x30];
	vm0 =	vlt.s32 v12, $0x400;
	[tilespmem:s10+$0xFFFFFFD0] =	vst v6;
	s8 =	sadd.s32 $0x80, s8  }
0x35c: {  	s11 =	sadd.s32 $0x8, s11;
	v6 =	vld [tilespmem:s8+$0x30];
	v12 =	vnsel vm0, $0x400, v12;
	[tilespmem:s9+$0x0] =	vst v7  }
0x35d: {  	p0 =	slt.u32 s11, $0x3F8;
	v14 =	vld [tilespmem:s8+$0xFFFFFFC0];
	[tilespmem:s10+$0xFFFFFFE0] =	vst v8  }
0x35e: {  	v7 =	vld [tilespmem:s12+$0xFFFFFFD0];
	[tilespmem:s9+$0x10] =	vst v9  }
0x35f: {  	v8 =	vld [tilespmem:s8+$0xFFFFFFD0];
	[tilespmem:s10+$0xFFFFFFF0] =	vst v10  }
0x360: {  	v9 =	vld [tilespmem:s12+$0xFFFFFFE0];
	[tilespmem:s9+$0x20] =	vst v11;
	s9 =	smov.u32 s10  }
0x361: {  	v10 =	vld [tilespmem:s8+$0xFFFFFFE0];
	v6 =	vsub.s32 v6, v13  }
0x362: {  	v11 =	vld [tilespmem:s12+$0xFFFFFFF0];
	v13 =	vsub.s32 $0x0, v6  }
0x363: {  	v15 =	vld [tilespmem:s8+$0xFFFFFFF0];
	v6 =	vmin.u32 v6, v13  }
0x364: {  	v7 =	vsub.s32 v8, v7;
	v8 =	vld [tilespmem:s12+$0x0];
	vm0 =	vlt.s32 v6, $0x400  }
0x365: {  	v13 =	vsub.s32 $0x0, v7;
	v16 =	vld [tilespmem:s8+$0x0];
	v6 =	vnsel vm0, $0x400, v6  }
0x366: {  	v7 =	vmin.u32 v7, v13;
	v9 =	vsub.s32 v10, v9;
	v10 =	vld [tilespmem:s12+$0x10]  }
0x367: {  	vm0 =	vlt.s32 v7, $0x400;
	v13 =	vsub.s32 $0x0, v9;
	v17 =	vld [tilespmem:s8+$0x10]  }
0x368: {  	v7 =	vnsel vm0, $0x400, v7;
	v9 =	vmin.u32 v9, v13;
	v11 =	vsub.s32 v15, v11;
	v13 =	vld [tilespmem:s12+$0x20]  }
0x369: {  	vm0 =	vlt.s32 v9, $0x400;
	v15 =	vsub.s32 $0x0, v11;
	v18 =	vld [tilespmem:s8+$0x20]  }
0x36a: {  	v9 =	vnsel vm0, $0x400, v9;
	v11 =	vmin.u32 v11, v15;
	v8 =	vsub.s32 v16, v8;
	v15 =	vld.idx.msk [tilespmem:v6+s30+$0x0], $0xffff  }
0x36b: {  	v16 =	vld [tilespmem:s12+$0xFFFFFFC0];
	vm0 =	vlt.s32 v11, $0x400;
	v6 =	vsub.s32 $0x0, v8  }
0x36c: {  	v11 =	vnsel vm0, $0x400, v11;
	v8 =	vmin.u32 v8, v6;
	v10 =	vsub.s32 v17, v10;
	v17 =	vld.idx.msk [tilespmem:v12+s30+$0x0], $0xffff  }
0x36d: {  	v6 =	vld.idx.msk [tilespmem:v7+s30+$0x0], $0xffff;
	vm0 =	vlt.s32 v8, $0x400;
	v7 =	vsub.s32 $0x0, v10  }
.Ltmp5:
0x36e: {  	v10 =	vmin.u32 v10, v7;
	v12 =	vsub.s32 v18, v13;
	v7 =	vld.idx.msk [tilespmem:v3+s30+$0x0], $0xffff;
	v3 =	vnsel vm0, $0x400, v8;
	(pc) =	sbr.rel @p0 .LBB2_12-.Ltmp5, $4  }
0x36f: {  	s10 =	sadd.s32 $0x80, s10;
	v8 =	vld.idx.msk [tilespmem:v9+s30+$0x0], $0xffff;
	vm0 =	vlt.s32 v10, $0x400;
	v9 =	vsub.s32 $0x0, v12  }
0x370: {  	v13 =	vsub.s32 v14, v16;
	v14 =	vmin.u32 v12, v9;
	[tilespmem:s10+$0x30] =	vst v15;
	v9 =	vld.idx.msk [tilespmem:v4+s30+$0x0], $0xffff;
	v4 =	vnsel vm0, $0x400, v10  }
0x371: {  	v12 =	vsub.s32 $0x0, v13;
	v10 =	vld.idx.msk [tilespmem:v11+s30+$0x0], $0xffff;
	vm0 =	vlt.s32 v14, $0x400  }
0x372: {  	s12 =	sadd.s32 $0x80, s12;
	v12 =	vmin.u32 v13, v12;
	[tilespmem:s9+$0xFFFFFFC0] =	vst v17;
	v11 =	vld.idx.msk [tilespmem:v5+s30+$0x0], $0xffff;
	v5 =	vnsel vm0, $0x400, v14  }
0x373: {  	_ = 	snop  }
0x374: {  	vm0 =	vlt.s32 v12, $0x400  }
0x375: {  	v12 =	vnsel vm0, $0x400, v12  }
0x376: {  	[tilespmem:s10+$0xFFFFFFD0] =	vst v6  }
0x377: {  	[tilespmem:s9+$0x0] =	vst v7;
	v3 =	vld.idx.msk [tilespmem:v3+s30+$0x0], $0xffff  }
0x378: {  	v4 =	vld.idx.msk [tilespmem:v4+s30+$0x0], $0xffff;
	[tilespmem:s10+$0xFFFFFFE0] =	vst v8  }
0x379: {  	v5 =	vld.idx.msk [tilespmem:v5+s30+$0x0], $0xffff;
	[tilespmem:s9+$0x10] =	vst v9  }
0x37a: {  	[tilespmem:s10+$0xFFFFFFF0] =	vst v10;
	v6 =	vld.idx.msk [tilespmem:v12+s30+$0x0], $0xffff  }
0x37b: {  	[tilespmem:s9+$0x20] =	vst v11  }
0x37c: {  	[tilespmem:s10+$0x0] =	vst v3  }
0x37d: {  	[tilespmem:s10+$0x10] =	vst v4  }
0x37e: {  	[tilespmem:s10+$0x20] =	vst v5  }
0x37f: {  	s8 =	simm.s32 $0x10000;
	[tilespmem:s10+$0xFFFFFFC0] =	vst v6  }
0x380: {  	[hbm4b:s19+s3] =	stream.linear.scatter [tilespmem:s8], [sflag:$0x5], $0x4000, $0x38;
	[tilespmem:$0x198C0] =	vst v63  }
0x381: {  	_ =	swait.ge [sflag:s2], $0x4000  }
0x382: {  	[sflag:s2] =	ssyncset.done $0x0  }
0x383: {  	[sflag:s2] =	ssyncadd.s32 $0xFFFFC000  }
0x384: {  	_ =	swait.ge [sflag:s5], $0x4000  }
0x385: {  	[sflag:s5] =	ssyncset.done $0x0  }
0x386: {  	[sflag:s5] =	ssyncadd.s32 $0xFFFFC000  }
0x387: {  	_ =	swait.ge [sflag:s7], $0x4000  }
0x388: {  	[sflag:s7] =	ssyncset.done $0x0  }
0x389: {  	s12 =	simm.s32 $0x4040;
	[sflag:s7] =	ssyncadd.s32 $0xFFFFC000  }
0x38a: {  	s14 =	simm.s32 $0xC040;
	v3 =	vld [tilespmem:s12+$0x30]  }
0x38b: {  	v4 =	vld [tilespmem:s14+$0x30]  }
0x38c: {  	v5 =	vld [tilespmem:s12+$0xFFFFFFD0]  }
0x38d: {  	v6 =	vld [tilespmem:s14+$0xFFFFFFD0]  }
0x38e: {  	v7 =	vld [tilespmem:s12+$0xFFFFFFE0]  }
0x38f: {  	v8 =	vld [tilespmem:s14+$0xFFFFFFE0]  }
0x390: {  	v9 =	vld [tilespmem:s12+$0xFFFFFFF0]  }
0x391: {  	v12 =	vld [tilespmem:s14+$0x10]  }
0x392: {  	v13 =	vld [tilespmem:s14+$0x20]  }
0x393: {  	s15 =	simm.s32 $0x40C0;
	v14 =	vld [tilespmem:s12+$0xFFFFFFC0]  }
0x394: {  	s8 =	simm.s32 $0xC0C0;
	v15 =	vld [tilespmem:s15+$0x30]  }
0x395: {  	v16 =	vld [tilespmem:s8+$0x30]  }
0x396: {  	v17 =	vld [tilespmem:s8+$0xFFFFFFC0]  }
0x397: {  	v18 =	vld [tilespmem:s15+$0xFFFFFFD0]  }
0x398: {  	v56 =	vld [tilespmem:s15+$0x0]  }
0x399: {  	v3 =	vsub.s32 v4, v3;
	v4 =	vld [tilespmem:s14+$0xFFFFFFF0]  }
0x39a: {  	v5 =	vsub.s32 v6, v5;
	v6 =	vld [tilespmem:s12+$0x0]  }
0x39b: {  	v7 =	vsub.s32 v8, v7;
	v8 =	vld [tilespmem:s14+$0x0]  }
0x39c: {  	v21 =	vld [tilespmem:s8+$0x0];
	v15 =	vsub.s32 v16, v15  }
0x39d: {  	v22 =	vld [tilespmem:s8+$0x10];
	v10 =	vsub.s32 $0x0, v3;
	v11 =	vsub.s32 $0x0, v5;
	v16 =	vsub.s32 $0x0, v15  }
0x39e: {  	v3 =	vmin.u32 v3, v10;
	v10 =	vld [tilespmem:s14+$0xFFFFFFC0];
	v5 =	vmin.u32 v5, v11;
	v11 =	vsub.s32 $0x0, v7  }
0x39f: {  	v60 =	vld [tilespmem:s8+$0x20];
	vm14 =	vlt.s32 v3, $0x400;
	vm15 =	vlt.s32 v5, $0x400;
	v4 =	vsub.s32 v4, v9  }
0x3a0: {  	v7 =	vmin.u32 v7, v11;
	v9 =	vld [tilespmem:s12+$0x10];
	v6 =	vsub.s32 v8, v6;
	v11 =	vsub.s32 $0x0, v4  }
0x3a1: {  	v3 =	vnsel vm14, $0x400, v3;
	v8 =	vsub.s32 $0x0, v6;
	v4 =	vmin.u32 v4, v11;
	v11 =	vld [tilespmem:s12+$0x20]  }
0x3a2: {  	v15 =	vmin.u32 v15, v16;
	v5 =	vnsel vm15, $0x400, v5;
	v6 =	vmin.u32 v6, v8;
	v8 =	vld [tilespmem:s8+$0xFFFFFFD0]  }
0x3a3: {  	vm4 =	vlt.s32 v7, $0x400;
	v10 =	vsub.s32 v10, v14;
	v14 =	vld [tilespmem:s8+$0xFFFFFFF0];
	vm6 =	vlt.s32 v6, $0x400  }
0x3a4: {  	v7 =	vnsel vm4, $0x400, v7;
	vm5 =	vlt.s32 v4, $0x400;
	v20 =	vnsel vm6, $0x400, v6;
	v6 =	vld [tilespmem:s8+$0xFFFFFFE0]  }
0x3a5: {  	v55 =	vsub.s32 $0x0, v10;
	v4 =	vnsel vm5, $0x400, v4;
	v9 =	vsub.s32 v12, v9;
	v12 =	vld [tilespmem:s15+$0xFFFFFFE0]  }
0x3a6: {  	vm7 =	vlt.s32 v15, $0x400;
	v3 =	vld.idx.msk [tilespmem:v3+s30+$0x0], $0xffff;
	v10 =	vmin.u32 v10, v55  }
0x3a7: {  	v15 =	vnsel vm7, $0x400, v15;
	vm8 =	vlt.s32 v10, $0x400;
	v11 =	vsub.s32 v13, v11;
	v13 =	vld [tilespmem:s15+$0xFFFFFFF0]  }
0x3a8: {  	v5 =	vld.idx.msk [tilespmem:v5+s30+$0x0], $0xffff;
	v19 =	vsub.s32 $0x0, v9;
	v10 =	vnsel vm8, $0x400, v10;
	v8 =	vsub.s32 v8, v18  }
0x3a9: {  	v7 =	vld.idx.msk [tilespmem:v7+s30+$0x0], $0xffff;
	v9 =	vmin.u32 v9, v19;
	v54 =	vsub.s32 $0x0, v11;
	v57 =	vsub.s32 $0x0, v8  }
0x3aa: {  	vm11 =	vlt.s32 v9, $0x400;
	v4 =	vld.idx.msk [tilespmem:v4+s30+$0x0], $0xffff;
	v8 =	vmin.u32 v8, v57;
	v6 =	vsub.s32 v6, v12  }
0x3ab: {  	v11 =	vmin.u32 v11, v54;
	v12 =	vld [tilespmem:s15+$0x10];
	vm9 =	vlt.s32 v8, $0x400;
	v58 =	vsub.s32 $0x0, v6  }
0x3ac: {  	v8 =	vnsel vm9, $0x400, v8;
	v6 =	vmin.u32 v6, v58;
	v13 =	vsub.s32 v14, v13;
	v14 =	vld [tilespmem:s15+$0x20]  }
0x3ad: {  	s9 =	simm.s32 $0x14040;
	v62 =	vld [tilespmem:s15+$0xFFFFFFC0];
	v9 =	vnsel vm11, $0x400, v9;
	vm10 =	vlt.s32 v6, $0x400;
	v59 =	vsub.s32 $0x0, v13  }
0x3ae: {  	v15 =	vld.idx.msk [tilespmem:v15+s30+$0x0], $0xffff;
	[tilespmem:s9+$0x30] =	vst v3;
	vm1 =	vlt.s32 v11, $0x400;
	v13 =	vmin.u32 v13, v59;
	v61 =	vnsel vm10, $0x400, v6  }
0x3af: {  	[tilespmem:s9+$0xFFFFFFE0] =	vst v7;
	v7 =	vld.idx.msk [tilespmem:v20+s30+$0x0], $0xffff;
	v11 =	vnsel vm1, $0x400, v11;
	v6 =	vsub.s32 v21, v56;
	vm12 =	vlt.s32 v13, $0x400  }
0x3b0: {  	[tilespmem:s9+$0xFFFFFFD0] =	vst v5;
	v63 =	vld.idx.msk [tilespmem:v10+s30+$0x0], $0xffff;
	v3 =	vsub.s32 $0x0, v6;
	v5 =	vsub.s32 v22, v12;
	v13 =	vnsel vm12, $0x400, v13  }
0x3b1: {  	[tilespmem:s9+$0xFFFFFFF0] =	vst v4;
	v3 =	vmin.u32 v6, v3;
	v6 =	vld.idx.msk [tilespmem:v8+s30+$0x0], $0xffff;
	v4 =	vsub.s32 $0x0, v5;
	v10 =	vsub.s32 v60, v14  }
0x3b2: {  	v9 =	vld.idx.msk [tilespmem:v9+s30+$0x0], $0xffff;
	vm13 =	vlt.s32 v3, $0x400;
	v4 =	vmin.u32 v5, v4;
	v12 =	vsub.s32 $0x0, v10  }
0x3b3: {  	s10 =	simm.s32 $0x140C0;
	v5 =	vsub.s32 v17, v62;
	v3 =	vnsel vm13, $0x400, v3;
	v8 =	vld.idx.msk [tilespmem:v61+s30+$0x0], $0xffff;
	v14 =	vmin.u32 v10, v12  }
0x3b4: {  	[tilespmem:s10+$0x30] =	vst v15;
	v11 =	vld.idx.msk [tilespmem:v11+s30+$0x0], $0xffff;
	vm14 =	vlt.s32 v4, $0x400;
	v12 =	vsub.s32 $0x0, v5;
	vm15 =	vlt.s32 v14, $0x400  }
0x3b5: {  	s11 =	simm.s32 $0x8;
	s12 =	simm.s32 $0x4140;
	s15 =	simm.s32 $0x19258;
	[tilespmem:s9+$0xFFFFFFC0] =	vst v63;
	v4 =	vnsel vm14, $0x400, v4;
	v12 =	vmin.u32 v5, v12;
	v10 =	vld.idx.msk [tilespmem:v13+s30+$0x0], $0xffff;
	v5 =	vnsel vm15, $0x400, v14  }
.LBB2_14:
0x3b6: {  	v13 =	vld [tilespmem:s12+$0x30];
	vm0 =	vlt.s32 v12, $0x400;
	[tilespmem:s10+$0xFFFFFFD0] =	vst v6;
	s8 =	sadd.s32 $0x80, s8  }
0x3b7: {  	s11 =	sadd.s32 $0x8, s11;
	v6 =	vld [tilespmem:s8+$0x30];
	v12 =	vnsel vm0, $0x400, v12;
	[tilespmem:s9+$0x0] =	vst v7  }
0x3b8: {  	p0 =	slt.u32 s11, $0x3F8;
	v14 =	vld [tilespmem:s8+$0xFFFFFFC0];
	[tilespmem:s10+$0xFFFFFFE0] =	vst v8  }
0x3b9: {  	v7 =	vld [tilespmem:s12+$0xFFFFFFD0];
	[tilespmem:s9+$0x10] =	vst v9  }
0x3ba: {  	v8 =	vld [tilespmem:s8+$0xFFFFFFD0];
	[tilespmem:s10+$0xFFFFFFF0] =	vst v10  }
0x3bb: {  	v9 =	vld [tilespmem:s12+$0xFFFFFFE0];
	[tilespmem:s9+$0x20] =	vst v11;
	s9 =	smov.u32 s10  }
0x3bc: {  	v10 =	vld [tilespmem:s8+$0xFFFFFFE0];
	v6 =	vsub.s32 v6, v13  }
0x3bd: {  	v11 =	vld [tilespmem:s12+$0xFFFFFFF0];
	v13 =	vsub.s32 $0x0, v6  }
0x3be: {  	v15 =	vld [tilespmem:s8+$0xFFFFFFF0];
	v6 =	vmin.u32 v6, v13  }
0x3bf: {  	v7 =	vsub.s32 v8, v7;
	v8 =	vld [tilespmem:s12+$0x0];
	vm0 =	vlt.s32 v6, $0x400  }
0x3c0: {  	v13 =	vsub.s32 $0x0, v7;
	v16 =	vld [tilespmem:s8+$0x0];
	v6 =	vnsel vm0, $0x400, v6  }
0x3c1: {  	v7 =	vmin.u32 v7, v13;
	v9 =	vsub.s32 v10, v9;
	v10 =	vld [tilespmem:s12+$0x10]  }
0x3c2: {  	vm0 =	vlt.s32 v7, $0x400;
	v13 =	vsub.s32 $0x0, v9;
	v17 =	vld [tilespmem:s8+$0x10]  }
0x3c3: {  	v7 =	vnsel vm0, $0x400, v7;
	v9 =	vmin.u32 v9, v13;
	v11 =	vsub.s32 v15, v11;
	v13 =	vld [tilespmem:s12+$0x20]  }
0x3c4: {  	vm0 =	vlt.s32 v9, $0x400;
	v15 =	vsub.s32 $0x0, v11;
	v18 =	vld [tilespmem:s8+$0x20]  }
0x3c5: {  	v9 =	vnsel vm0, $0x400, v9;
	v11 =	vmin.u32 v11, v15;
	v8 =	vsub.s32 v16, v8;
	v15 =	vld.idx.msk [tilespmem:v6+s30+$0x0], $0xffff  }
0x3c6: {  	v16 =	vld [tilespmem:s12+$0xFFFFFFC0];
	vm0 =	vlt.s32 v11, $0x400;
	v6 =	vsub.s32 $0x0, v8  }
0x3c7: {  	v11 =	vnsel vm0, $0x400, v11;
	v8 =	vmin.u32 v8, v6;
	v10 =	vsub.s32 v17, v10;
	v17 =	vld.idx.msk [tilespmem:v12+s30+$0x0], $0xffff  }
0x3c8: {  	v6 =	vld.idx.msk [tilespmem:v7+s30+$0x0], $0xffff;
	vm0 =	vlt.s32 v8, $0x400;
	v7 =	vsub.s32 $0x0, v10  }
.Ltmp6:
0x3c9: {  	v10 =	vmin.u32 v10, v7;
	v12 =	vsub.s32 v18, v13;
	v7 =	vld.idx.msk [tilespmem:v3+s30+$0x0], $0xffff;
	v3 =	vnsel vm0, $0x400, v8;
	(pc) =	sbr.rel @p0 .LBB2_14-.Ltmp6, $4  }
0x3ca: {  	s10 =	sadd.s32 $0x80, s10;
	v8 =	vld.idx.msk [tilespmem:v9+s30+$0x0], $0xffff;
	vm0 =	vlt.s32 v10, $0x400;
	v9 =	vsub.s32 $0x0, v12  }
0x3cb: {  	v13 =	vsub.s32 v14, v16;
	v14 =	vmin.u32 v12, v9;
	[tilespmem:s10+$0x30] =	vst v15;
	v9 =	vld.idx.msk [tilespmem:v4+s30+$0x0], $0xffff;
	v4 =	vnsel vm0, $0x400, v10  }
0x3cc: {  	v12 =	vsub.s32 $0x0, v13;
	v10 =	vld.idx.msk [tilespmem:v11+s30+$0x0], $0xffff;
	vm0 =	vlt.s32 v14, $0x400  }
0x3cd: {  	s12 =	sadd.s32 $0x80, s12;
	v12 =	vmin.u32 v13, v12;
	[tilespmem:s9+$0xFFFFFFC0] =	vst v17;
	v11 =	vld.idx.msk [tilespmem:v5+s30+$0x0], $0xffff;
	v5 =	vnsel vm0, $0x400, v14  }
0x3ce: {  	_ = 	snop  }
0x3cf: {  	vm0 =	vlt.s32 v12, $0x400  }
0x3d0: {  	v12 =	vnsel vm0, $0x400, v12  }
0x3d1: {  	[tilespmem:s10+$0xFFFFFFD0] =	vst v6  }
0x3d2: {  	[tilespmem:s9+$0x0] =	vst v7;
	v3 =	vld.idx.msk [tilespmem:v3+s30+$0x0], $0xffff  }
0x3d3: {  	v4 =	vld.idx.msk [tilespmem:v4+s30+$0x0], $0xffff;
	[tilespmem:s10+$0xFFFFFFE0] =	vst v8  }
0x3d4: {  	v5 =	vld.idx.msk [tilespmem:v5+s30+$0x0], $0xffff;
	[tilespmem:s9+$0x10] =	vst v9  }
0x3d5: {  	[tilespmem:s10+$0xFFFFFFF0] =	vst v10;
	v63 =	vld.idx.msk [tilespmem:v12+s30+$0x0], $0xffff  }
0x3d6: {  	[tilespmem:s9+$0x20] =	vst v11  }
0x3d7: {  	[tilespmem:s10+$0x0] =	vst v3  }
0x3d8: {  	[tilespmem:s10+$0x10] =	vst v4  }
0x3d9: {  	[tilespmem:s10+$0x20] =	vst v5  }
0x3da: {  	s8 =	simm.s32 $0x14000;
	s6 =	sadd.s32 $0x1, s6;
	[tilespmem:s10+$0xFFFFFFC0] =	vst v63  }
0x3db: {  	[hbm4b:s20+s3] =	stream.linear.scatter [tilespmem:s8], [sflag:$0x6], $0x4000, $0x38;
	[tilespmem:$0x198C0] =	vst v63  }
0x3dc: {  	p0 =	sne.s32 s6, s21;
	_ =	swait.ge [sflag:s1], $0x4000  }
.Ltmp7:
0x3dd: {  	[sflag:s1] =	ssyncset.done $0x0;
	(pc) =	sbr.rel @p0 .LBB2_1-.Ltmp7, $4  }
0x3de: {  	[sflag:s1] =	ssyncadd.s32 $0xFFFFC000  }
0x3df: {  	_ =	swait.ge [sflag:s7], $0x4000  }
0x3e0: {  	[sflag:s7] =	ssyncset.done $0x0  }
0x3e1: {  	[sflag:s7] =	ssyncadd.s32 $0xFFFFC000  }
0x3e2: {  	_ =	sfence.sel $0x180000  }
0x3e3: {  	[bflag:$0x0] =	sbarrier.arrive $0xFFFF  }
0x3e4: {  	_ =	strace $0x90000047  }
0x3e5: {  	s0 =	stileid.u32;
	[bflag:$0x2] =	sbarrier.arrive $0xFFFF  }
0x3e6: {  	p0 =	sne.s32 s0, $0x0;
	s0 =	rddreg [dreg:$0x4]  }
0x3e7: {  	s0 =	sadd.s32 @!p0 $0x100000, s0  }
0x3e8: {  	[sflag:s0] =	ssyncadd.tile.s32 @!p0 $0x1;
	_ =	shalt  }
.Lfunc_end2:
_tile_overlayer_lowered:
.L_overlay_start_2:
0x3e9: {  	(tag) =	ssettag $0x2  }
0x3ea: {  	s0 =	rddreg [dreg:$0x0];
	s2 =	stileid.u32  }
0x3eb: {  	s1 =	rddreg [dreg:$0x1];
	p0 =	sne.s32 s2, $0x0  }
0x3ec: {  	s3 =	rddreg [dreg:$0x2];
	[bflag:$0x3] =	sbarrier.arrive $0xFFFF;
	s2 =	simm.s32 @!p0 $0x1C07  }
0x3ed: {  	[timem:s3], [sflag:s2] =	dma.local @!p0 [hbm:s0], s1  }
0x3ee: {  	s0 =	simm.s32 @!p0 $0x7  }
0x3ef: {  	_ =	swait.ge @!p0 [sflag:s0], s1  }
0x3f0: {  	s1 =	ssub.s32 @!p0 $0x0, s1;
	[sflag:s0] =	ssyncset.done @!p0 $0x0  }
0x3f1: {  	[sflag:s0] =	ssyncadd.s32 @!p0 s1  }
0x3f2: {  	[bflag:$0x3] =	sbarrier.arrive $0xFFFF  }
0x3f3: {  	_ =	shalt  }

</sc_bundles>
